<compile_context>
chip_gen: v7x
topology: tpu7x:2x2x1
jax: 0.10.2.dev20260603
libtpu: 0.0.44.dev20260713+nightly
codegen_flags: <defaults>
</compile_context>

<pallas_src>
import functools

import jax
import jax.numpy as jnp
from jax import lax
from jax.experimental import pallas as pl
from jax.experimental.pallas import tpu as pltpu, tpu_sc as plsc

_NC = 2
_NS = 16
_NW = _NC * _NS
_LANES = 16
_CHUNK = 64
_TRIG_ROWS = 64

_SIN_C = (9.99449986e-01, -1.65838221e-01, 7.99852030e-03,
          -1.47736456e-04)
_COS_C = (9.99971081e-01, -4.99837540e-01, 4.15222679e-02,
          -1.34409944e-03, 1.90647593e-05)
_INV_2PI = 0.15915494309189535
_PI2_HI = 6.2831855
_PI2_LO = -1.7484555e-07


def _horner(coeffs, q):
    acc = jnp.full((_LANES,), coeffs[-1], jnp.float32)
    for co in coeffs[-2::-1]:
        acc = acc * q + jnp.float32(co)
    return acc


def _pack_trig(theta):
    half = jnp.where(theta >= 0, jnp.float32(0.5), jnp.float32(-0.5))
    k = (theta * jnp.float32(_INV_2PI) + half).astype(jnp.int32)
    kf = k.astype(jnp.float32)
    r = (theta - kf * jnp.float32(_PI2_HI)) - kf * jnp.float32(_PI2_LO)
    q = r * r
    s = r * _horner(_SIN_C, q)
    c = _horner(_COS_C, q)
    cb = lax.bitcast_convert_type(c, jnp.int32) + jnp.int32(0x8000)
    sb = lax.bitcast_convert_type(s, jnp.int32) + jnp.int32(0x8000)
    return (cb & jnp.int32(-65536)) | lax.shift_right_logical(sb, 16)


def _sc_score(head_index, rel_type, tail_index, node_emb, node_emb_im,
              rel_emb):
    batch = head_index.shape[0]
    hidden = node_emb.shape[1]
    n_rel = rel_emb.shape[0]
    nslice = hidden // _LANES
    per_w = batch // _NW
    n_chunks = per_w // _CHUNK
    tab_rows = _NS * _TRIG_ROWS
    last_start = n_rel - _TRIG_ROWS
    mesh = plsc.VectorSubcoreMesh(
        core_axis_name="c", subcore_axis_name="s",
        num_cores=_NC, num_subcores=_NS,
    )

    @functools.partial(
        pl.kernel,
        out_type=(jax.ShapeDtypeStruct((batch,), jnp.float32),
                  jax.ShapeDtypeStruct((n_rel, hidden), jnp.int32)),
        mesh=mesh,
        scratch_types=[
            pltpu.VMEM((n_chunks, 2 * _CHUNK), jnp.int32),
            pltpu.VMEM((n_chunks, _CHUNK), jnp.int32),
            pltpu.VMEM((2, 2 * _CHUNK, hidden), jnp.float32),
            pltpu.VMEM((2, 2 * _CHUNK, hidden), jnp.float32),
            pltpu.VMEM((2, _CHUNK, hidden), jnp.int32),
            pltpu.VMEM((per_w,), jnp.float32),
            pltpu.VMEM((_TRIG_ROWS, hidden), jnp.float32),
            pltpu.VMEM((_TRIG_ROWS, hidden), jnp.int32),
            pltpu.SemaphoreType.DMA,
            pltpu.SemaphoreType.DMA((2,)),
            pltpu.SemaphoreType.DMA,
        ],
    )
    def score_kernel(head_hbm, rel_hbm, tail_hbm, emb_hbm, embim_hbm,
                     theta_hbm, out_hbm, cs_tab_hbm, idx_ht, idx_r2,
                     ht_re, ht_im, cs, score, theta_v, packed_v,
                     sem_i, sem_g, sem_t):
        sid = lax.axis_index("s")
        wid = sid * _NC + lax.axis_index("c")
        base = wid * per_w
        lane_iota = lax.iota(jnp.int32, _LANES)
        perm_idx = [lax.iota(jnp.int32, _LANES) ^ jnp.int32(d)
                    for d in (1, 2, 4, 8)]
        gdims = lax.GatherDimensionNumbers(
            offset_dims=(), collapsed_slice_dims=(0,), start_index_map=(0,))

        def _lperm(x, pidx):
            return lax.gather(x, pidx[:, None], gdims, (1,),
                              mode=lax.GatherScatterMode.PROMISE_IN_BOUNDS)

        def fire_nodes(c, p):
            return (
                pltpu.async_copy(emb_hbm.at[idx_ht.at[c]], ht_re.at[p],
                                 sem_g.at[p]),
                pltpu.async_copy(embim_hbm.at[idx_ht.at[c]], ht_im.at[p],
                                 sem_g.at[p]),
            )

        def fire_cs(c, p):
            return (
                pltpu.async_copy(cs_tab_hbm.at[idx_r2.at[c]], cs.at[p],
                                 sem_g.at[p]),
            )

        def drain_gat(c, p):
            pltpu.make_async_copy(emb_hbm.at[idx_ht.at[c]], ht_re.at[p],
                                  sem_g.at[p]).wait()
            pltpu.make_async_copy(embim_hbm.at[idx_ht.at[c]], ht_im.at[p],
                                  sem_g.at[p]).wait()
            pltpu.make_async_copy(cs_tab_hbm.at[idx_r2.at[c]], cs.at[p],
                                  sem_g.at[p]).wait()

        def compute(c, s):
            def gbody(g, carry):
                def tbody(t, res):
                    row = g * _LANES + t
                    acc = jnp.zeros((_LANES,), jnp.float32)
                    for j in range(nslice):
                        sl = pl.ds(j * _LANES, _LANES)
                        w = cs[s, row, sl]
                        cv = lax.bitcast_convert_type(
                            w & jnp.int32(-65536), jnp.float32)
                        sv = lax.bitcast_convert_type(
                            lax.shift_left(w, 16), jnp.float32)
                        a = ht_re[s, row, sl]
                        b = ht_im[s, row, sl]
                        u = ht_re[s, _CHUNK + row, sl]
                        v = ht_im[s, _CHUNK + row, sl]
                        re = cv * a - sv * b - u
                        im = cv * b + sv * a - v
                        acc = acc + (re * re + im * im)
                    for pidx in perm_idx:
                        acc = acc + _lperm(acc, pidx)
                    return jnp.where(lane_iota == t, acc, res)

                s2 = lax.fori_loop(0, _LANES, tbody,
                                   jnp.zeros((_LANES,), jnp.float32))
                x = jnp.maximum(s2, jnp.float32(1e-12))
                bits = lax.bitcast_convert_type(x, jnp.int32)
                bits = jnp.int32(0x5F3759DF) - lax.shift_right_logical(bits, 1)
                y = lax.bitcast_convert_type(bits, jnp.float32)
                for _ in range(3):
                    y = y * (jnp.float32(1.5) - jnp.float32(0.5) * x * y * y)
                score[pl.ds(c * _CHUNK + g * _LANES, _LANES)] = -(x * y)
                return carry

            lax.fori_loop(0, _CHUNK // _LANES, gbody, 0)

        tstart = jnp.minimum(sid * _TRIG_ROWS, jnp.int32(last_start))
        theta_cp = pltpu.async_copy(
            theta_hbm.at[pl.ds(tstart, _TRIG_ROWS)], theta_v, sem_t)
        idx_cps = []
        for c in range(n_chunks):
            cbase = base + c * _CHUNK
            idx_cps += [
                pltpu.async_copy(head_hbm.at[pl.ds(cbase, _CHUNK)],
                                 idx_ht.at[c, pl.ds(0, _CHUNK)], sem_i),
                pltpu.async_copy(tail_hbm.at[pl.ds(cbase, _CHUNK)],
                                 idx_ht.at[c, pl.ds(_CHUNK, _CHUNK)], sem_i),
                pltpu.async_copy(rel_hbm.at[pl.ds(cbase, _CHUNK)],
                                 idx_r2.at[c], sem_i),
            ]
        for cp in idx_cps:
            cp.wait()
        fire_nodes(0, 0)
        fire_nodes(1, 1)
        theta_cp.wait()

        def trig_row(t, carry):
            for j in range(nslice):
                sl = pl.ds(j * _LANES, _LANES)
                packed_v[t, sl] = _pack_trig(theta_v[t, sl])
            return carry

        lax.fori_loop(0, _TRIG_ROWS, trig_row, 0)
        pltpu.sync_copy(packed_v, cs_tab_hbm.at[pl.ds(tstart, _TRIG_ROWS)])
        plsc.subcore_barrier()
        fire_cs(0, 0)
        fire_cs(1, 1)

        def chunk_body(c, carry):
            p = lax.rem(c, 2)
            drain_gat(c, p)
            compute(c, p)

            @pl.when(c + 2 < n_chunks)
            def _():
                fire_nodes(c + 2, p)
                fire_cs(c + 2, p)

            return carry

        lax.fori_loop(0, n_chunks, chunk_body, 0)
        pltpu.sync_copy(score, out_hbm.at[pl.ds(base, per_w)])

    score, _ = score_kernel(head_index, rel_type, tail_index,
                            node_emb, node_emb_im, rel_emb)
    return score


def kernel(head_index, rel_type, tail_index, node_emb, node_emb_im, rel_emb):
    return _sc_score(head_index, rel_type, tail_index,
                     node_emb, node_emb_im, rel_emb)

# --- scband reference (transcript-rebuilt; emitter-appended) ---
"""Pipeline reference for scband-rotat-e-7748121002456 (READ-ONLY COPY).

The authoritative reference and input builder live on the scoring server;
editing this copy changes nothing except your own understanding.
"""

import jax, jax.numpy as jnp
import numpy as np

NUM_NODES = 100000
NUM_RELATIONS = 1000
HIDDEN = 128
BATCH = 16384

def setup_inputs(seed: int = 0) -> dict:
    key = jax.random.key(seed)
    k1, k2, k3, k4, k5, k6 = jax.random.split(key, 6)
    head_index = jax.random.randint(k1, (BATCH,), 0, NUM_NODES, dtype=jnp.int64 if jax.config.jax_enable_x64 else jnp.int32)
    rel_type = jax.random.randint(k2, (BATCH,), 0, NUM_RELATIONS, dtype=jnp.int64 if jax.config.jax_enable_x64 else jnp.int32)
    tail_index = jax.random.randint(k3, (BATCH,), 0, NUM_NODES, dtype=jnp.int64 if jax.config.jax_enable_x64 else jnp.int32)
    # learned parameters: two node embedding tables (real + imaginary) and relation phase table
    node_emb = jax.random.normal(k4, (NUM_NODES, HIDDEN), dtype=jnp.float32)
    node_emb_im = jax.random.normal(k5, (NUM_NODES, HIDDEN), dtype=jnp.float32)
    rel_emb = jax.random.normal(k6, (NUM_RELATIONS, HIDDEN), dtype=jnp.float32)
    return {
        "head_index": head_index,
        "rel_type": rel_type,
        "tail_index": tail_index,
        "node_emb": node_emb,
        "node_emb_im": node_emb_im,
        "rel_emb": rel_emb,
    }

def reference(head_index, rel_type, tail_index, node_emb, node_emb_im, rel_emb):
    head_re = jnp.take(node_emb, head_index, axis=0)
    head_im = jnp.take(node_emb_im, head_index, axis=0)
    tail_re = jnp.take(node_emb, tail_index, axis=0)
    tail_im = jnp.take(node_emb_im, tail_index, axis=0)
    rel_theta = jnp.take(rel_emb, rel_type, axis=0)
    rel_re = jnp.cos(rel_theta)
    rel_im = jnp.sin(rel_theta)
    re_score = rel_re * head_re - rel_im * head_im - tail_re
    im_score = rel_re * head_im + rel_im * head_re - tail_im
    complex_score = jnp.stack([re_score, im_score], axis=2)  # [B, d, 2]
    score = -jnp.sqrt(jnp.sum(complex_score * complex_score, axis=(1, 2)))
    return score

if __name__ == "__main__":
    import jax
    _d = setup_inputs()
    print(jax.jit(kernel)(*tuple(_d.values())))

</pallas_src>

<mosaic_0001>
#map = affine_map<(d0, d1) -> (0)>
#map1 = affine_map<(d0, d1) -> (0, 0)>
module attributes {stable_mosaic.version = 14 : i64} {
  func.func @score_kernel(%arg0: i32, %arg1: i32, %arg2: memref<16384xi32, #tpu.memory_space<hbm>>, %arg3: memref<16384xi32, #tpu.memory_space<hbm>>, %arg4: memref<16384xi32, #tpu.memory_space<hbm>>, %arg5: memref<100000x128xf32, #tpu.memory_space<hbm>>, %arg6: memref<100000x128xf32, #tpu.memory_space<hbm>>, %arg7: memref<1000x128xf32, #tpu.memory_space<hbm>>, %arg8: memref<16384xf32, #tpu.memory_space<hbm>>, %arg9: memref<1000x128xi32, #tpu.memory_space<hbm>>, %arg10: memref<8x128xi32, #tpu.memory_space<vmem>>, %arg11: memref<8x64xi32, #tpu.memory_space<vmem>>, %arg12: memref<2x128x128xf32, #tpu.memory_space<vmem>>, %arg13: memref<2x128x128xf32, #tpu.memory_space<vmem>>, %arg14: memref<2x64x128xi32, #tpu.memory_space<vmem>>, %arg15: memref<512xf32, #tpu.memory_space<vmem>>, %arg16: memref<64x128xf32, #tpu.memory_space<vmem>>, %arg17: memref<64x128xi32, #tpu.memory_space<vmem>>, %arg18: memref<!tpu.dma_semaphore, #tpu.memory_space<semaphore_mem>>, %arg19: memref<2x!tpu.dma_semaphore, #tpu.memory_space<semaphore_mem>>, %arg20: memref<!tpu.dma_semaphore, #tpu.memory_space<semaphore_mem>>) attributes {dimension_semantics = [#tpu.dimension_semantics<core_parallel>, #tpu.dimension_semantics<subcore_parallel>], iteration_bounds = array<i64: 2, 16>, scalar_prefetch = 0 : i64, scratch_operands = 11 : i64, tpu.core_type = #tpu.core_type<sc_vector_subcore>, window_params = [{transform_indices = #map}, {transform_indices = #map}, {transform_indices = #map}, {transform_indices = #map1}, {transform_indices = #map1}, {transform_indices = #map1}, {transform_indices = #map}, {transform_indices = #map1}]} {
    %mul3A = arith.constant 2 : i32
    %mul3A_0 = arith.muli %arg1, %mul3A : i32
    %add3A = arith.addi %mul3A_0, %arg0 : i32
    %mul3A_1 = arith.constant 512 : i32
    %mul3A_2 = arith.muli %add3A, %mul3A_1 : i32
    %iota3A = tpu.iota {dimensions = array<i32: 0>} : vector<16xi32>
    %iota3A_3 = tpu.iota {dimensions = array<i32: 0>} : vector<16xi32>
    %xor3A = arith.constant 1 : i32
    %xor3A_4 = vector.broadcast %xor3A : i32 to vector<16xi32>
    %xor3A_5 = arith.xori %iota3A_3, %xor3A_4 : vector<16xi32>
    %iota3A_6 = tpu.iota {dimensions = array<i32: 0>} : vector<16xi32>
    %xor3A_7 = arith.constant 2 : i32
    %xor3A_8 = vector.broadcast %xor3A_7 : i32 to vector<16xi32>
    %xor3A_9 = arith.xori %iota3A_6, %xor3A_8 : vector<16xi32>
    %iota3A_10 = tpu.iota {dimensions = array<i32: 0>} : vector<16xi32>
    %xor3A_11 = arith.constant 4 : i32
    %xor3A_12 = vector.broadcast %xor3A_11 : i32 to vector<16xi32>
    %xor3A_13 = arith.xori %iota3A_10, %xor3A_12 : vector<16xi32>
    %iota3A_14 = tpu.iota {dimensions = array<i32: 0>} : vector<16xi32>
    %xor3A_15 = arith.constant 8 : i32
    %xor3A_16 = vector.broadcast %xor3A_15 : i32 to vector<16xi32>
    %xor3A_17 = arith.xori %iota3A_14, %xor3A_16 : vector<16xi32>
    %mul3A_18 = arith.constant 64 : i32
    %mul3A_19 = arith.muli %arg1, %mul3A_18 : i32
    %min3A = arith.constant 936 : i32
    %min3A_20 = arith.minsi %mul3A_19, %min3A : i32
    %dma_start3A = arith.constant 0 : i32
    %dma_start3A_21 = tpu.memref_slice %arg7[%min3A_20, %dma_start3A] : memref<1000x128xf32, #tpu.memory_space<hbm>> -> memref<64x128xf32, #tpu.memory_space<hbm>>
    %dma_start3A_22 = arith.constant 0 : i32
    %dma_start3A_23 = tpu.memref_slice %arg7[%min3A_20, %dma_start3A_22] : memref<1000x128xf32, #tpu.memory_space<hbm>> -> memref<64x128xf32, #tpu.memory_space<hbm>>
    tpu.enqueue_dma source(%dma_start3A_23 : memref<64x128xf32, #tpu.memory_space<hbm>>) target(%arg16 : memref<64x128xf32, #tpu.memory_space<vmem>>) target_semaphore(%arg20 : memref<!tpu.dma_semaphore, #tpu.memory_space<semaphore_mem>>)
    %add3A_24 = arith.constant 0 : i32
    %add3A_25 = arith.addi %mul3A_2, %add3A_24 : i32
    %dma_start3A_26 = arith.constant 0 : i32
    %dma_start3A_27 = arith.constant 0 : i32
    %dma_start3A_28 = tpu.memref_slice %arg10[%dma_start3A_26, %dma_start3A_27] : memref<8x128xi32, #tpu.memory_space<vmem>> -> memref<1x64xi32, #tpu.memory_space<vmem>>
    %dma_start3A_29 = tpu.memref_squeeze %dma_start3A_28 : memref<1x64xi32, #tpu.memory_space<vmem>> -> memref<64xi32, #tpu.memory_space<vmem>>
    %dma_start3A_30 = tpu.memref_slice %arg2[%add3A_25] : memref<16384xi32, #tpu.memory_space<hbm>> -> memref<64xi32, #tpu.memory_space<hbm>>
    %dma_start3A_31 = arith.constant 0 : i32
    %dma_start3A_32 = tpu.memref_slice %arg10[%dma_start3A_26, %dma_start3A_31] : memref<8x128xi32, #tpu.memory_space<vmem>> -> memref<1x64xi32, #tpu.memory_space<vmem>>
    %dma_start3A_33 = tpu.memref_squeeze %dma_start3A_32 : memref<1x64xi32, #tpu.memory_space<vmem>> -> memref<64xi32, #tpu.memory_space<vmem>>
    %dma_start3A_34 = tpu.memref_slice %arg2[%add3A_25] : memref<16384xi32, #tpu.memory_space<hbm>> -> memref<64xi32, #tpu.memory_space<hbm>>
    tpu.enqueue_dma source(%dma_start3A_34 : memref<64xi32, #tpu.memory_space<hbm>>) target(%dma_start3A_33 : memref<64xi32, #tpu.memory_space<vmem>>) target_semaphore(%arg18 : memref<!tpu.dma_semaphore, #tpu.memory_space<semaphore_mem>>)
    %dma_start3A_35 = arith.constant 0 : i32
    %dma_start3A_36 = arith.constant 64 : i32
    %dma_start3A_37 = tpu.memref_slice %arg10[%dma_start3A_35, %dma_start3A_36] : memref<8x128xi32, #tpu.memory_space<vmem>> -> memref<1x64xi32, #tpu.memory_space<vmem>>
    %dma_start3A_38 = tpu.memref_squeeze %dma_start3A_37 : memref<1x64xi32, #tpu.memory_space<vmem>> -> memref<64xi32, #tpu.memory_space<vmem>>
    %dma_start3A_39 = tpu.memref_slice %arg4[%add3A_25] : memref<16384xi32, #tpu.memory_space<hbm>> -> memref<64xi32, #tpu.memory_space<hbm>>
    %dma_start3A_40 = arith.constant 64 : i32
    %dma_start3A_41 = tpu.memref_slice %arg10[%dma_start3A_35, %dma_start3A_40] : memref<8x128xi32, #tpu.memory_space<vmem>> -> memref<1x64xi32, #tpu.memory_space<vmem>>
    %dma_start3A_42 = tpu.memref_squeeze %dma_start3A_41 : memref<1x64xi32, #tpu.memory_space<vmem>> -> memref<64xi32, #tpu.memory_space<vmem>>
    %dma_start3A_43 = tpu.memref_slice %arg4[%add3A_25] : memref<16384xi32, #tpu.memory_space<hbm>> -> memref<64xi32, #tpu.memory_space<hbm>>
    tpu.enqueue_dma source(%dma_start3A_43 : memref<64xi32, #tpu.memory_space<hbm>>) target(%dma_start3A_42 : memref<64xi32, #tpu.memory_space<vmem>>) target_semaphore(%arg18 : memref<!tpu.dma_semaphore, #tpu.memory_space<semaphore_mem>>)
    %dma_start3A_44 = arith.constant 0 : i32
    %dma_start3A_45 = arith.constant 0 : i32
    %dma_start3A_46 = tpu.memref_slice %arg11[%dma_start3A_44, %dma_start3A_45] : memref<8x64xi32, #tpu.memory_space<vmem>> -> memref<1x64xi32, #tpu.memory_space<vmem>>
    %dma_start3A_47 = tpu.memref_squeeze %dma_start3A_46 : memref<1x64xi32, #tpu.memory_space<vmem>> -> memref<64xi32, #tpu.memory_space<vmem>>
    %dma_start3A_48 = tpu.memref_slice %arg3[%add3A_25] : memref<16384xi32, #tpu.memory_space<hbm>> -> memref<64xi32, #tpu.memory_space<hbm>>
    %dma_start3A_49 = arith.constant 0 : i32
    %dma_start3A_50 = tpu.memref_slice %arg11[%dma_start3A_44, %dma_start3A_49] : memref<8x64xi32, #tpu.memory_space<vmem>> -> memref<1x64xi32, #tpu.memory_space<vmem>>
    %dma_start3A_51 = tpu.memref_squeeze %dma_start3A_50 : memref<1x64xi32, #tpu.memory_space<vmem>> -> memref<64xi32, #tpu.memory_space<vmem>>
    %dma_start3A_52 = tpu.memref_slice %arg3[%add3A_25] : memref<16384xi32, #tpu.memory_space<hbm>> -> memref<64xi32, #tpu.memory_space<hbm>>
    tpu.enqueue_dma source(%dma_start3A_52 : memref<64xi32, #tpu.memory_space<hbm>>) target(%dma_start3A_51 : memref<64xi32, #tpu.memory_space<vmem>>) target_semaphore(%arg18 : memref<!tpu.dma_semaphore, #tpu.memory_space<semaphore_mem>>)
    %add3A_53 = arith.constant 64 : i32
    %add3A_54 = arith.addi %mul3A_2, %add3A_53 : i32
    %dma_start3A_55 = arith.constant 1 : i32
    %dma_start3A_56 = arith.constant 0 : i32
    %dma_start3A_57 = tpu.memref_slice %arg10[%dma_start3A_55, %dma_start3A_56] : memref<8x128xi32, #tpu.memory_space<vmem>> -> memref<1x64xi32, #tpu.memory_space<vmem>>
    %dma_start3A_58 = tpu.memref_squeeze %dma_start3A_57 : memref<1x64xi32, #tpu.memory_space<vmem>> -> memref<64xi32, #tpu.memory_space<vmem>>
    %dma_start3A_59 = tpu.memref_slice %arg2[%add3A_54] : memref<16384xi32, #tpu.memory_space<hbm>> -> memref<64xi32, #tpu.memory_space<hbm>>
    %dma_start3A_60 = arith.constant 0 : i32
    %dma_start3A_61 = tpu.memref_slice %arg10[%dma_start3A_55, %dma_start3A_60] : memref<8x128xi32, #tpu.memory_space<vmem>> -> memref<1x64xi32, #tpu.memory_space<vmem>>
    %dma_start3A_62 = tpu.memref_squeeze %dma_start3A_61 : memref<1x64xi32, #tpu.memory_space<vmem>> -> memref<64xi32, #tpu.memory_space<vmem>>
    %dma_start3A_63 = tpu.memref_slice %arg2[%add3A_54] : memref<16384xi32, #tpu.memory_space<hbm>> -> memref<64xi32, #tpu.memory_space<hbm>>
    tpu.enqueue_dma source(%dma_start3A_63 : memref<64xi32, #tpu.memory_space<hbm>>) target(%dma_start3A_62 : memref<64xi32, #tpu.memory_space<vmem>>) target_semaphore(%arg18 : memref<!tpu.dma_semaphore, #tpu.memory_space<semaphore_mem>>)
    %dma_start3A_64 = arith.constant 1 : i32
    %dma_start3A_65 = arith.constant 64 : i32
    %dma_start3A_66 = tpu.memref_slice %arg10[%dma_start3A_64, %dma_start3A_65] : memref<8x128xi32, #tpu.memory_space<vmem>> -> memref<1x64xi32, #tpu.memory_space<vmem>>
    %dma_start3A_67 = tpu.memref_squeeze %dma_start3A_66 : memref<1x64xi32, #tpu.memory_space<vmem>> -> memref<64xi32, #tpu.memory_space<vmem>>
    %dma_start3A_68 = tpu.memref_slice %arg4[%add3A_54] : memref<16384xi32, #tpu.memory_space<hbm>> -> memref<64xi32, #tpu.memory_space<hbm>>
    %dma_start3A_69 = arith.constant 64 : i32
    %dma_start3A_70 = tpu.memref_slice %arg10[%dma_start3A_64, %dma_start3A_69] : memref<8x128xi32, #tpu.memory_space<vmem>> -> memref<1x64xi32, #tpu.memory_space<vmem>>
    %dma_start3A_71 = tpu.memref_squeeze %dma_start3A_70 : memref<1x64xi32, #tpu.memory_space<vmem>> -> memref<64xi32, #tpu.memory_space<vmem>>
    %dma_start3A_72 = tpu.memref_slice %arg4[%add3A_54] : memref<16384xi32, #tpu.memory_space<hbm>> -> memref<64xi32, #tpu.memory_space<hbm>>
    tpu.enqueue_dma source(%dma_start3A_72 : memref<64xi32, #tpu.memory_space<hbm>>) target(%dma_start3A_71 : memref<64xi32, #tpu.memory_space<vmem>>) target_semaphore(%arg18 : memref<!tpu.dma_semaphore, #tpu.memory_space<semaphore_mem>>)
    %dma_start3A_73 = arith.constant 1 : i32
    %dma_start3A_74 = arith.constant 0 : i32
    %dma_start3A_75 = tpu.memref_slice %arg11[%dma_start3A_73, %dma_start3A_74] : memref<8x64xi32, #tpu.memory_space<vmem>> -> memref<1x64xi32, #tpu.memory_space<vmem>>
    %dma_start3A_76 = tpu.memref_squeeze %dma_start3A_75 : memref<1x64xi32, #tpu.memory_space<vmem>> -> memref<64xi32, #tpu.memory_space<vmem>>
    %dma_start3A_77 = tpu.memref_slice %arg3[%add3A_54] : memref<16384xi32, #tpu.memory_space<hbm>> -> memref<64xi32, #tpu.memory_space<hbm>>
    %dma_start3A_78 = arith.constant 0 : i32
    %dma_start3A_79 = tpu.memref_slice %arg11[%dma_start3A_73, %dma_start3A_78] : memref<8x64xi32, #tpu.memory_space<vmem>> -> memref<1x64xi32, #tpu.memory_space<vmem>>
    %dma_start3A_80 = tpu.memref_squeeze %dma_start3A_79 : memref<1x64xi32, #tpu.memory_space<vmem>> -> memref<64xi32, #tpu.memory_space<vmem>>
    %dma_start3A_81 = tpu.memref_slice %arg3[%add3A_54] : memref<16384xi32, #tpu.memory_space<hbm>> -> memref<64xi32, #tpu.memory_space<hbm>>
    tpu.enqueue_dma source(%dma_start3A_81 : memref<64xi32, #tpu.memory_space<hbm>>) target(%dma_start3A_80 : memref<64xi32, #tpu.memory_space<vmem>>) target_semaphore(%arg18 : memref<!tpu.dma_semaphore, #tpu.memory_space<semaphore_mem>>)
    %add3A_82 = arith.constant 128 : i32
    %add3A_83 = arith.addi %mul3A_2, %add3A_82 : i32
    %dma_start3A_84 = arith.constant 2 : i32
    %dma_start3A_85 = arith.constant 0 : i32
    %dma_start3A_86 = tpu.memref_slice %arg10[%dma_start3A_84, %dma_start3A_85] : memref<8x128xi32, #tpu.memory_space<vmem>> -> memref<1x64xi32, #tpu.memory_space<vmem>>
    %dma_start3A_87 = tpu.memref_squeeze %dma_start3A_86 : memref<1x64xi32, #tpu.memory_space<vmem>> -> memref<64xi32, #tpu.memory_space<vmem>>
    %dma_start3A_88 = tpu.memref_slice %arg2[%add3A_83] : memref<16384xi32, #tpu.memory_space<hbm>> -> memref<64xi32, #tpu.memory_space<hbm>>
    %dma_start3A_89 = arith.constant 0 : i32
    %dma_start3A_90 = tpu.memref_slice %arg10[%dma_start3A_84, %dma_start3A_89] : memref<8x128xi32, #tpu.memory_space<vmem>> -> memref<1x64xi32, #tpu.memory_space<vmem>>
    %dma_start3A_91 = tpu.memref_squeeze %dma_start3A_90 : memref<1x64xi32, #tpu.memory_space<vmem>> -> memref<64xi32, #tpu.memory_space<vmem>>
    %dma_start3A_92 = tpu.memref_slice %arg2[%add3A_83] : memref<16384xi32, #tpu.memory_space<hbm>> -> memref<64xi32, #tpu.memory_space<hbm>>
    tpu.enqueue_dma source(%dma_start3A_92 : memref<64xi32, #tpu.memory_space<hbm>>) target(%dma_start3A_91 : memref<64xi32, #tpu.memory_space<vmem>>) target_semaphore(%arg18 : memref<!tpu.dma_semaphore, #tpu.memory_space<semaphore_mem>>)
    %dma_start3A_93 = arith.constant 2 : i32
    %dma_start3A_94 = arith.constant 64 : i32
    %dma_start3A_95 = tpu.memref_slice %arg10[%dma_start3A_93, %dma_start3A_94] : memref<8x128xi32, #tpu.memory_space<vmem>> -> memref<1x64xi32, #tpu.memory_space<vmem>>
    %dma_start3A_96 = tpu.memref_squeeze %dma_start3A_95 : memref<1x64xi32, #tpu.memory_space<vmem>> -> memref<64xi32, #tpu.memory_space<vmem>>
    %dma_start3A_97 = tpu.memref_slice %arg4[%add3A_83] : memref<16384xi32, #tpu.memory_space<hbm>> -> memref<64xi32, #tpu.memory_space<hbm>>
    %dma_start3A_98 = arith.constant 64 : i32
    %dma_start3A_99 = tpu.memref_slice %arg10[%dma_start3A_93, %dma_start3A_98] : memref<8x128xi32, #tpu.memory_space<vmem>> -> memref<1x64xi32, #tpu.memory_space<vmem>>
    %dma_start3A_100 = tpu.memref_squeeze %dma_start3A_99 : memref<1x64xi32, #tpu.memory_space<vmem>> -> memref<64xi32, #tpu.memory_space<vmem>>
    %dma_start3A_101 = tpu.memref_slice %arg4[%add3A_83] : memref<16384xi32, #tpu.memory_space<hbm>> -> memref<64xi32, #tpu.memory_space<hbm>>
    tpu.enqueue_dma source(%dma_start3A_101 : memref<64xi32, #tpu.memory_space<hbm>>) target(%dma_start3A_100 : memref<64xi32, #tpu.memory_space<vmem>>) target_semaphore(%arg18 : memref<!tpu.dma_semaphore, #tpu.memory_space<semaphore_mem>>)
    %dma_start3A_102 = arith.constant 2 : i32
    %dma_start3A_103 = arith.constant 0 : i32
    %dma_start3A_104 = tpu.memref_slice %arg11[%dma_start3A_102, %dma_start3A_103] : memref<8x64xi32, #tpu.memory_space<vmem>> -> memref<1x64xi32, #tpu.memory_space<vmem>>
    %dma_start3A_105 = tpu.memref_squeeze %dma_start3A_104 : memref<1x64xi32, #tpu.memory_space<vmem>> -> memref<64xi32, #tpu.memory_space<vmem>>
    %dma_start3A_106 = tpu.memref_slice %arg3[%add3A_83] : memref<16384xi32, #tpu.memory_space<hbm>> -> memref<64xi32, #tpu.memory_space<hbm>>
    %dma_start3A_107 = arith.constant 0 : i32
    %dma_start3A_108 = tpu.memref_slice %arg11[%dma_start3A_102, %dma_start3A_107] : memref<8x64xi32, #tpu.memory_space<vmem>> -> memref<1x64xi32, #tpu.memory_space<vmem>>
    %dma_start3A_109 = tpu.memref_squeeze %dma_start3A_108 : memref<1x64xi32, #tpu.memory_space<vmem>> -> memref<64xi32, #tpu.memory_space<vmem>>
    %dma_start3A_110 = tpu.memref_slice %arg3[%add3A_83] : memref<16384xi32, #tpu.memory_space<hbm>> -> memref<64xi32, #tpu.memory_space<hbm>>
    tpu.enqueue_dma source(%dma_start3A_110 : memref<64xi32, #tpu.memory_space<hbm>>) target(%dma_start3A_109 : memref<64xi32, #tpu.memory_space<vmem>>) target_semaphore(%arg18 : memref<!tpu.dma_semaphore, #tpu.memory_space<semaphore_mem>>)
    %add3A_111 = arith.constant 192 : i32
    %add3A_112 = arith.addi %mul3A_2, %add3A_111 : i32
    %dma_start3A_113 = arith.constant 3 : i32
    %dma_start3A_114 = arith.constant 0 : i32
    %dma_start3A_115 = tpu.memref_slice %arg10[%dma_start3A_113, %dma_start3A_114] : memref<8x128xi32, #tpu.memory_space<vmem>> -> memref<1x64xi32, #tpu.memory_space<vmem>>
    %dma_start3A_116 = tpu.memref_squeeze %dma_start3A_115 : memref<1x64xi32, #tpu.memory_space<vmem>> -> memref<64xi32, #tpu.memory_space<vmem>>
    %dma_start3A_117 = tpu.memref_slice %arg2[%add3A_112] : memref<16384xi32, #tpu.memory_space<hbm>> -> memref<64xi32, #tpu.memory_space<hbm>>
    %dma_start3A_118 = arith.constant 0 : i32
    %dma_start3A_119 = tpu.memref_slice %arg10[%dma_start3A_113, %dma_start3A_118] : memref<8x128xi32, #tpu.memory_space<vmem>> -> memref<1x64xi32, #tpu.memory_space<vmem>>
    %dma_start3A_120 = tpu.memref_squeeze %dma_start3A_119 : memref<1x64xi32, #tpu.memory_space<vmem>> -> memref<64xi32, #tpu.memory_space<vmem>>
    %dma_start3A_121 = tpu.memref_slice %arg2[%add3A_112] : memref<16384xi32, #tpu.memory_space<hbm>> -> memref<64xi32, #tpu.memory_space<hbm>>
    tpu.enqueue_dma source(%dma_start3A_121 : memref<64xi32, #tpu.memory_space<hbm>>) target(%dma_start3A_120 : memref<64xi32, #tpu.memory_space<vmem>>) target_semaphore(%arg18 : memref<!tpu.dma_semaphore, #tpu.memory_space<semaphore_mem>>)
    %dma_start3A_122 = arith.constant 3 : i32
    %dma_start3A_123 = arith.constant 64 : i32
    %dma_start3A_124 = tpu.memref_slice %arg10[%dma_start3A_122, %dma_start3A_123] : memref<8x128xi32, #tpu.memory_space<vmem>> -> memref<1x64xi32, #tpu.memory_space<vmem>>
    %dma_start3A_125 = tpu.memref_squeeze %dma_start3A_124 : memref<1x64xi32, #tpu.memory_space<vmem>> -> memref<64xi32, #tpu.memory_space<vmem>>
    %dma_start3A_126 = tpu.memref_slice %arg4[%add3A_112] : memref<16384xi32, #tpu.memory_space<hbm>> -> memref<64xi32, #tpu.memory_space<hbm>>
    %dma_start3A_127 = arith.constant 64 : i32
    %dma_start3A_128 = tpu.memref_slice %arg10[%dma_start3A_122, %dma_start3A_127] : memref<8x128xi32, #tpu.memory_space<vmem>> -> memref<1x64xi32, #tpu.memory_space<vmem>>
    %dma_start3A_129 = tpu.memref_squeeze %dma_start3A_128 : memref<1x64xi32, #tpu.memory_space<vmem>> -> memref<64xi32, #tpu.memory_space<vmem>>
    %dma_start3A_130 = tpu.memref_slice %arg4[%add3A_112] : memref<16384xi32, #tpu.memory_space<hbm>> -> memref<64xi32, #tpu.memory_space<hbm>>
    tpu.enqueue_dma source(%dma_start3A_130 : memref<64xi32, #tpu.memory_space<hbm>>) target(%dma_start3A_129 : memref<64xi32, #tpu.memory_space<vmem>>) target_semaphore(%arg18 : memref<!tpu.dma_semaphore, #tpu.memory_space<semaphore_mem>>)
    %dma_start3A_131 = arith.constant 3 : i32
    %dma_start3A_132 = arith.constant 0 : i32
    %dma_start3A_133 = tpu.memref_slice %arg11[%dma_start3A_131, %dma_start3A_132] : memref<8x64xi32, #tpu.memory_space<vmem>> -> memref<1x64xi32, #tpu.memory_space<vmem>>
    %dma_start3A_134 = tpu.memref_squeeze %dma_start3A_133 : memref<1x64xi32, #tpu.memory_space<vmem>> -> memref<64xi32, #tpu.memory_space<vmem>>
    %dma_start3A_135 = tpu.memref_slice %arg3[%add3A_112] : memref<16384xi32, #tpu.memory_space<hbm>> -> memref<64xi32, #tpu.memory_space<hbm>>
    %dma_start3A_136 = arith.constant 0 : i32
    %dma_start3A_137 = tpu.memref_slice %arg11[%dma_start3A_131, %dma_start3A_136] : memref<8x64xi32, #tpu.memory_space<vmem>> -> memref<1x64xi32, #tpu.memory_space<vmem>>
    %dma_start3A_138 = tpu.memref_squeeze %dma_start3A_137 : memref<1x64xi32, #tpu.memory_space<vmem>> -> memref<64xi32, #tpu.memory_space<vmem>>
    %dma_start3A_139 = tpu.memref_slice %arg3[%add3A_112] : memref<16384xi32, #tpu.memory_space<hbm>> -> memref<64xi32, #tpu.memory_space<hbm>>
    tpu.enqueue_dma source(%dma_start3A_139 : memref<64xi32, #tpu.memory_space<hbm>>) target(%dma_start3A_138 : memref<64xi32, #tpu.memory_space<vmem>>) target_semaphore(%arg18 : memref<!tpu.dma_semaphore, #tpu.memory_space<semaphore_mem>>)
    %add3A_140 = arith.constant 256 : i32
    %add3A_141 = arith.addi %mul3A_2, %add3A_140 : i32
    %dma_start3A_142 = arith.constant 4 : i32
    %dma_start3A_143 = arith.constant 0 : i32
    %dma_start3A_144 = tpu.memref_slice %arg10[%dma_start3A_142, %dma_start3A_143] : memref<8x128xi32, #tpu.memory_space<vmem>> -> memref<1x64xi32, #tpu.memory_space<vmem>>
    %dma_start3A_145 = tpu.memref_squeeze %dma_start3A_144 : memref<1x64xi32, #tpu.memory_space<vmem>> -> memref<64xi32, #tpu.memory_space<vmem>>
    %dma_start3A_146 = tpu.memref_slice %arg2[%add3A_141] : memref<16384xi32, #tpu.memory_space<hbm>> -> memref<64xi32, #tpu.memory_space<hbm>>
    %dma_start3A_147 = arith.constant 0 : i32
    %dma_start3A_148 = tpu.memref_slice %arg10[%dma_start3A_142, %dma_start3A_147] : memref<8x128xi32, #tpu.memory_space<vmem>> -> memref<1x64xi32, #tpu.memory_space<vmem>>
    %dma_start3A_149 = tpu.memref_squeeze %dma_start3A_148 : memref<1x64xi32, #tpu.memory_space<vmem>> -> memref<64xi32, #tpu.memory_space<vmem>>
    %dma_start3A_150 = tpu.memref_slice %arg2[%add3A_141] : memref<16384xi32, #tpu.memory_space<hbm>> -> memref<64xi32, #tpu.memory_space<hbm>>
    tpu.enqueue_dma source(%dma_start3A_150 : memref<64xi32, #tpu.memory_space<hbm>>) target(%dma_start3A_149 : memref<64xi32, #tpu.memory_space<vmem>>) target_semaphore(%arg18 : memref<!tpu.dma_semaphore, #tpu.memory_space<semaphore_mem>>)
    %dma_start3A_151 = arith.constant 4 : i32
    %dma_start3A_152 = arith.constant 64 : i32
    %dma_start3A_153 = tpu.memref_slice %arg10[%dma_start3A_151, %dma_start3A_152] : memref<8x128xi32, #tpu.memory_space<vmem>> -> memref<1x64xi32, #tpu.memory_space<vmem>>
    %dma_start3A_154 = tpu.memref_squeeze %dma_start3A_153 : memref<1x64xi32, #tpu.memory_space<vmem>> -> memref<64xi32, #tpu.memory_space<vmem>>
    %dma_start3A_155 = tpu.memref_slice %arg4[%add3A_141] : memref<16384xi32, #tpu.memory_space<hbm>> -> memref<64xi32, #tpu.memory_space<hbm>>
    %dma_start3A_156 = arith.constant 64 : i32
    %dma_start3A_157 = tpu.memref_slice %arg10[%dma_start3A_151, %dma_start3A_156] : memref<8x128xi32, #tpu.memory_space<vmem>> -> memref<1x64xi32, #tpu.memory_space<vmem>>
    %dma_start3A_158 = tpu.memref_squeeze %dma_start3A_157 : memref<1x64xi32, #tpu.memory_space<vmem>> -> memref<64xi32, #tpu.memory_space<vmem>>
    %dma_start3A_159 = tpu.memref_slice %arg4[%add3A_141] : memref<16384xi32, #tpu.memory_space<hbm>> -> memref<64xi32, #tpu.memory_space<hbm>>
    tpu.enqueue_dma source(%dma_start3A_159 : memref<64xi32, #tpu.memory_space<hbm>>) target(%dma_start3A_158 : memref<64xi32, #tpu.memory_space<vmem>>) target_semaphore(%arg18 : memref<!tpu.dma_semaphore, #tpu.memory_space<semaphore_mem>>)
    %dma_start3A_160 = arith.constant 4 : i32
    %dma_start3A_161 = arith.constant 0 : i32
    %dma_start3A_162 = tpu.memref_slice %arg11[%dma_start3A_160, %dma_start3A_161] : memref<8x64xi32, #tpu.memory_space<vmem>> -> memref<1x64xi32, #tpu.memory_space<vmem>>
    %dma_start3A_163 = tpu.memref_squeeze %dma_start3A_162 : memref<1x64xi32, #tpu.memory_space<vmem>> -> memref<64xi32, #tpu.memory_space<vmem>>
    %dma_start3A_164 = tpu.memref_slice %arg3[%add3A_141] : memref<16384xi32, #tpu.memory_space<hbm>> -> memref<64xi32, #tpu.memory_space<hbm>>
    %dma_start3A_165 = arith.constant 0 : i32
    %dma_start3A_166 = tpu.memref_slice %arg11[%dma_start3A_160, %dma_start3A_165] : memref<8x64xi32, #tpu.memory_space<vmem>> -> memref<1x64xi32, #tpu.memory_space<vmem>>
    %dma_start3A_167 = tpu.memref_squeeze %dma_start3A_166 : memref<1x64xi32, #tpu.memory_space<vmem>> -> memref<64xi32, #tpu.memory_space<vmem>>
    %dma_start3A_168 = tpu.memref_slice %arg3[%add3A_141] : memref<16384xi32, #tpu.memory_space<hbm>> -> memref<64xi32, #tpu.memory_space<hbm>>
    tpu.enqueue_dma source(%dma_start3A_168 : memref<64xi32, #tpu.memory_space<hbm>>) target(%dma_start3A_167 : memref<64xi32, #tpu.memory_space<vmem>>) target_semaphore(%arg18 : memref<!tpu.dma_semaphore, #tpu.memory_space<semaphore_mem>>)
    %add3A_169 = arith.constant 320 : i32
    %add3A_170 = arith.addi %mul3A_2, %add3A_169 : i32
    %dma_start3A_171 = arith.constant 5 : i32
    %dma_start3A_172 = arith.constant 0 : i32
    %dma_start3A_173 = tpu.memref_slice %arg10[%dma_start3A_171, %dma_start3A_172] : memref<8x128xi32, #tpu.memory_space<vmem>> -> memref<1x64xi32, #tpu.memory_space<vmem>>
    %dma_start3A_174 = tpu.memref_squeeze %dma_start3A_173 : memref<1x64xi32, #tpu.memory_space<vmem>> -> memref<64xi32, #tpu.memory_space<vmem>>
    %dma_start3A_175 = tpu.memref_slice %arg2[%add3A_170] : memref<16384xi32, #tpu.memory_space<hbm>> -> memref<64xi32, #tpu.memory_space<hbm>>
    %dma_start3A_176 = arith.constant 0 : i32
    %dma_start3A_177 = tpu.memref_slice %arg10[%dma_start3A_171, %dma_start3A_176] : memref<8x128xi32, #tpu.memory_space<vmem>> -> memref<1x64xi32, #tpu.memory_space<vmem>>
    %dma_start3A_178 = tpu.memref_squeeze %dma_start3A_177 : memref<1x64xi32, #tpu.memory_space<vmem>> -> memref<64xi32, #tpu.memory_space<vmem>>
    %dma_start3A_179 = tpu.memref_slice %arg2[%add3A_170] : memref<16384xi32, #tpu.memory_space<hbm>> -> memref<64xi32, #tpu.memory_space<hbm>>
    tpu.enqueue_dma source(%dma_start3A_179 : memref<64xi32, #tpu.memory_space<hbm>>) target(%dma_start3A_178 : memref<64xi32, #tpu.memory_space<vmem>>) target_semaphore(%arg18 : memref<!tpu.dma_semaphore, #tpu.memory_space<semaphore_mem>>)
    %dma_start3A_180 = arith.constant 5 : i32
    %dma_start3A_181 = arith.constant 64 : i32
    %dma_start3A_182 = tpu.memref_slice %arg10[%dma_start3A_180, %dma_start3A_181] : memref<8x128xi32, #tpu.memory_space<vmem>> -> memref<1x64xi32, #tpu.memory_space<vmem>>
    %dma_start3A_183 = tpu.memref_squeeze %dma_start3A_182 : memref<1x64xi32, #tpu.memory_space<vmem>> -> memref<64xi32, #tpu.memory_space<vmem>>
    %dma_start3A_184 = tpu.memref_slice %arg4[%add3A_170] : memref<16384xi32, #tpu.memory_space<hbm>> -> memref<64xi32, #tpu.memory_space<hbm>>
    %dma_start3A_185 = arith.constant 64 : i32
    %dma_start3A_186 = tpu.memref_slice %arg10[%dma_start3A_180, %dma_start3A_185] : memref<8x128xi32, #tpu.memory_space<vmem>> -> memref<1x64xi32, #tpu.memory_space<vmem>>
    %dma_start3A_187 = tpu.memref_squeeze %dma_start3A_186 : memref<1x64xi32, #tpu.memory_space<vmem>> -> memref<64xi32, #tpu.memory_space<vmem>>
    %dma_start3A_188 = tpu.memref_slice %arg4[%add3A_170] : memref<16384xi32, #tpu.memory_space<hbm>> -> memref<64xi32, #tpu.memory_space<hbm>>
    tpu.enqueue_dma source(%dma_start3A_188 : memref<64xi32, #tpu.memory_space<hbm>>) target(%dma_start3A_187 : memref<64xi32, #tpu.memory_space<vmem>>) target_semaphore(%arg18 : memref<!tpu.dma_semaphore, #tpu.memory_space<semaphore_mem>>)
    %dma_start3A_189 = arith.constant 5 : i32
    %dma_start3A_190 = arith.constant 0 : i32
    %dma_start3A_191 = tpu.memref_slice %arg11[%dma_start3A_189, %dma_start3A_190] : memref<8x64xi32, #tpu.memory_space<vmem>> -> memref<1x64xi32, #tpu.memory_space<vmem>>
    %dma_start3A_192 = tpu.memref_squeeze %dma_start3A_191 : memref<1x64xi32, #tpu.memory_space<vmem>> -> memref<64xi32, #tpu.memory_space<vmem>>
    %dma_start3A_193 = tpu.memref_slice %arg3[%add3A_170] : memref<16384xi32, #tpu.memory_space<hbm>> -> memref<64xi32, #tpu.memory_space<hbm>>
    %dma_start3A_194 = arith.constant 0 : i32
    %dma_start3A_195 = tpu.memref_slice %arg11[%dma_start3A_189, %dma_start3A_194] : memref<8x64xi32, #tpu.memory_space<vmem>> -> memref<1x64xi32, #tpu.memory_space<vmem>>
    %dma_start3A_196 = tpu.memref_squeeze %dma_start3A_195 : memref<1x64xi32, #tpu.memory_space<vmem>> -> memref<64xi32, #tpu.memory_space<vmem>>
    %dma_start3A_197 = tpu.memref_slice %arg3[%add3A_170] : memref<16384xi32, #tpu.memory_space<hbm>> -> memref<64xi32, #tpu.memory_space<hbm>>
    tpu.enqueue_dma source(%dma_start3A_197 : memref<64xi32, #tpu.memory_space<hbm>>) target(%dma_start3A_196 : memref<64xi32, #tpu.memory_space<vmem>>) target_semaphore(%arg18 : memref<!tpu.dma_semaphore, #tpu.memory_space<semaphore_mem>>)
    %add3A_198 = arith.constant 384 : i32
    %add3A_199 = arith.addi %mul3A_2, %add3A_198 : i32
    %dma_start3A_200 = arith.constant 6 : i32
    %dma_start3A_201 = arith.constant 0 : i32
    %dma_start3A_202 = tpu.memref_slice %arg10[%dma_start3A_200, %dma_start3A_201] : memref<8x128xi32, #tpu.memory_space<vmem>> -> memref<1x64xi32, #tpu.memory_space<vmem>>
    %dma_start3A_203 = tpu.memref_squeeze %dma_start3A_202 : memref<1x64xi32, #tpu.memory_space<vmem>> -> memref<64xi32, #tpu.memory_space<vmem>>
    %dma_start3A_204 = tpu.memref_slice %arg2[%add3A_199] : memref<16384xi32, #tpu.memory_space<hbm>> -> memref<64xi32, #tpu.memory_space<hbm>>
    %dma_start3A_205 = arith.constant 0 : i32
    %dma_start3A_206 = tpu.memref_slice %arg10[%dma_start3A_200, %dma_start3A_205] : memref<8x128xi32, #tpu.memory_space<vmem>> -> memref<1x64xi32, #tpu.memory_space<vmem>>
    %dma_start3A_207 = tpu.memref_squeeze %dma_start3A_206 : memref<1x64xi32, #tpu.memory_space<vmem>> -> memref<64xi32, #tpu.memory_space<vmem>>
    %dma_start3A_208 = tpu.memref_slice %arg2[%add3A_199] : memref<16384xi32, #tpu.memory_space<hbm>> -> memref<64xi32, #tpu.memory_space<hbm>>
    tpu.enqueue_dma source(%dma_start3A_208 : memref<64xi32, #tpu.memory_space<hbm>>) target(%dma_start3A_207 : memref<64xi32, #tpu.memory_space<vmem>>) target_semaphore(%arg18 : memref<!tpu.dma_semaphore, #tpu.memory_space<semaphore_mem>>)
    %dma_start3A_209 = arith.constant 6 : i32
    %dma_start3A_210 = arith.constant 64 : i32
    %dma_start3A_211 = tpu.memref_slice %arg10[%dma_start3A_209, %dma_start3A_210] : memref<8x128xi32, #tpu.memory_space<vmem>> -> memref<1x64xi32, #tpu.memory_space<vmem>>
    %dma_start3A_212 = tpu.memref_squeeze %dma_start3A_211 : memref<1x64xi32, #tpu.memory_space<vmem>> -> memref<64xi32, #tpu.memory_space<vmem>>
    %dma_start3A_213 = tpu.memref_slice %arg4[%add3A_199] : memref<16384xi32, #tpu.memory_space<hbm>> -> memref<64xi32, #tpu.memory_space<hbm>>
    %dma_start3A_214 = arith.constant 64 : i32
    %dma_start3A_215 = tpu.memref_slice %arg10[%dma_start3A_209, %dma_start3A_214] : memref<8x128xi32, #tpu.memory_space<vmem>> -> memref<1x64xi32, #tpu.memory_space<vmem>>
    %dma_start3A_216 = tpu.memref_squeeze %dma_start3A_215 : memref<1x64xi32, #tpu.memory_space<vmem>> -> memref<64xi32, #tpu.memory_space<vmem>>
    %dma_start3A_217 = tpu.memref_slice %arg4[%add3A_199] : memref<16384xi32, #tpu.memory_space<hbm>> -> memref<64xi32, #tpu.memory_space<hbm>>
    tpu.enqueue_dma source(%dma_start3A_217 : memref<64xi32, #tpu.memory_space<hbm>>) target(%dma_start3A_216 : memref<64xi32, #tpu.memory_space<vmem>>) target_semaphore(%arg18 : memref<!tpu.dma_semaphore, #tpu.memory_space<semaphore_mem>>)
    %dma_start3A_218 = arith.constant 6 : i32
    %dma_start3A_219 = arith.constant 0 : i32
    %dma_start3A_220 = tpu.memref_slice %arg11[%dma_start3A_218, %dma_start3A_219] : memref<8x64xi32, #tpu.memory_space<vmem>> -> memref<1x64xi32, #tpu.memory_space<vmem>>
    %dma_start3A_221 = tpu.memref_squeeze %dma_start3A_220 : memref<1x64xi32, #tpu.memory_space<vmem>> -> memref<64xi32, #tpu.memory_space<vmem>>
    %dma_start3A_222 = tpu.memref_slice %arg3[%add3A_199] : memref<16384xi32, #tpu.memory_space<hbm>> -> memref<64xi32, #tpu.memory_space<hbm>>
    %dma_start3A_223 = arith.constant 0 : i32
    %dma_start3A_224 = tpu.memref_slice %arg11[%dma_start3A_218, %dma_start3A_223] : memref<8x64xi32, #tpu.memory_space<vmem>> -> memref<1x64xi32, #tpu.memory_space<vmem>>
    %dma_start3A_225 = tpu.memref_squeeze %dma_start3A_224 : memref<1x64xi32, #tpu.memory_space<vmem>> -> memref<64xi32, #tpu.memory_space<vmem>>
    %dma_start3A_226 = tpu.memref_slice %arg3[%add3A_199] : memref<16384xi32, #tpu.memory_space<hbm>> -> memref<64xi32, #tpu.memory_space<hbm>>
    tpu.enqueue_dma source(%dma_start3A_226 : memref<64xi32, #tpu.memory_space<hbm>>) target(%dma_start3A_225 : memref<64xi32, #tpu.memory_space<vmem>>) target_semaphore(%arg18 : memref<!tpu.dma_semaphore, #tpu.memory_space<semaphore_mem>>)
    %add3A_227 = arith.constant 448 : i32
    %add3A_228 = arith.addi %mul3A_2, %add3A_227 : i32
    %dma_start3A_229 = arith.constant 7 : i32
    %dma_start3A_230 = arith.constant 0 : i32
    %dma_start3A_231 = tpu.memref_slice %arg10[%dma_start3A_229, %dma_start3A_230] : memref<8x128xi32, #tpu.memory_space<vmem>> -> memref<1x64xi32, #tpu.memory_space<vmem>>
    %dma_start3A_232 = tpu.memref_squeeze %dma_start3A_231 : memref<1x64xi32, #tpu.memory_space<vmem>> -> memref<64xi32, #tpu.memory_space<vmem>>
    %dma_start3A_233 = tpu.memref_slice %arg2[%add3A_228] : memref<16384xi32, #tpu.memory_space<hbm>> -> memref<64xi32, #tpu.memory_space<hbm>>
    %dma_start3A_234 = arith.constant 0 : i32
    %dma_start3A_235 = tpu.memref_slice %arg10[%dma_start3A_229, %dma_start3A_234] : memref<8x128xi32, #tpu.memory_space<vmem>> -> memref<1x64xi32, #tpu.memory_space<vmem>>
    %dma_start3A_236 = tpu.memref_squeeze %dma_start3A_235 : memref<1x64xi32, #tpu.memory_space<vmem>> -> memref<64xi32, #tpu.memory_space<vmem>>
    %dma_start3A_237 = tpu.memref_slice %arg2[%add3A_228] : memref<16384xi32, #tpu.memory_space<hbm>> -> memref<64xi32, #tpu.memory_space<hbm>>
    tpu.enqueue_dma source(%dma_start3A_237 : memref<64xi32, #tpu.memory_space<hbm>>) target(%dma_start3A_236 : memref<64xi32, #tpu.memory_space<vmem>>) target_semaphore(%arg18 : memref<!tpu.dma_semaphore, #tpu.memory_space<semaphore_mem>>)
    %dma_start3A_238 = arith.constant 7 : i32
    %dma_start3A_239 = arith.constant 64 : i32
    %dma_start3A_240 = tpu.memref_slice %arg10[%dma_start3A_238, %dma_start3A_239] : memref<8x128xi32, #tpu.memory_space<vmem>> -> memref<1x64xi32, #tpu.memory_space<vmem>>
    %dma_start3A_241 = tpu.memref_squeeze %dma_start3A_240 : memref<1x64xi32, #tpu.memory_space<vmem>> -> memref<64xi32, #tpu.memory_space<vmem>>
    %dma_start3A_242 = tpu.memref_slice %arg4[%add3A_228] : memref<16384xi32, #tpu.memory_space<hbm>> -> memref<64xi32, #tpu.memory_space<hbm>>
    %dma_start3A_243 = arith.constant 64 : i32
    %dma_start3A_244 = tpu.memref_slice %arg10[%dma_start3A_238, %dma_start3A_243] : memref<8x128xi32, #tpu.memory_space<vmem>> -> memref<1x64xi32, #tpu.memory_space<vmem>>
    %dma_start3A_245 = tpu.memref_squeeze %dma_start3A_244 : memref<1x64xi32, #tpu.memory_space<vmem>> -> memref<64xi32, #tpu.memory_space<vmem>>
    %dma_start3A_246 = tpu.memref_slice %arg4[%add3A_228] : memref<16384xi32, #tpu.memory_space<hbm>> -> memref<64xi32, #tpu.memory_space<hbm>>
    tpu.enqueue_dma source(%dma_start3A_246 : memref<64xi32, #tpu.memory_space<hbm>>) target(%dma_start3A_245 : memref<64xi32, #tpu.memory_space<vmem>>) target_semaphore(%arg18 : memref<!tpu.dma_semaphore, #tpu.memory_space<semaphore_mem>>)
    %dma_start3A_247 = arith.constant 7 : i32
    %dma_start3A_248 = arith.constant 0 : i32
    %dma_start3A_249 = tpu.memref_slice %arg11[%dma_start3A_247, %dma_start3A_248] : memref<8x64xi32, #tpu.memory_space<vmem>> -> memref<1x64xi32, #tpu.memory_space<vmem>>
    %dma_start3A_250 = tpu.memref_squeeze %dma_start3A_249 : memref<1x64xi32, #tpu.memory_space<vmem>> -> memref<64xi32, #tpu.memory_space<vmem>>
    %dma_start3A_251 = tpu.memref_slice %arg3[%add3A_228] : memref<16384xi32, #tpu.memory_space<hbm>> -> memref<64xi32, #tpu.memory_space<hbm>>
    %dma_start3A_252 = arith.constant 0 : i32
    %dma_start3A_253 = tpu.memref_slice %arg11[%dma_start3A_247, %dma_start3A_252] : memref<8x64xi32, #tpu.memory_space<vmem>> -> memref<1x64xi32, #tpu.memory_space<vmem>>
    %dma_start3A_254 = tpu.memref_squeeze %dma_start3A_253 : memref<1x64xi32, #tpu.memory_space<vmem>> -> memref<64xi32, #tpu.memory_space<vmem>>
    %dma_start3A_255 = tpu.memref_slice %arg3[%add3A_228] : memref<16384xi32, #tpu.memory_space<hbm>> -> memref<64xi32, #tpu.memory_space<hbm>>
    tpu.enqueue_dma source(%dma_start3A_255 : memref<64xi32, #tpu.memory_space<hbm>>) target(%dma_start3A_254 : memref<64xi32, #tpu.memory_space<vmem>>) target_semaphore(%arg18 : memref<!tpu.dma_semaphore, #tpu.memory_space<semaphore_mem>>)
    %dma_wait3A = arith.constant 0 : i32
    %dma_wait3A_256 = arith.constant 0 : i32
    %dma_wait3A_257 = tpu.memref_slice %arg10[%dma_wait3A, %dma_wait3A_256] : memref<8x128xi32, #tpu.memory_space<vmem>> -> memref<1x64xi32, #tpu.memory_space<vmem>>
    %dma_wait3A_258 = tpu.memref_squeeze %dma_wait3A_257 : memref<1x64xi32, #tpu.memory_space<vmem>> -> memref<64xi32, #tpu.memory_space<vmem>>
    %dma_wait3A_259 = tpu.memref_slice %arg2[%add3A_25] : memref<16384xi32, #tpu.memory_space<hbm>> -> memref<64xi32, #tpu.memory_space<hbm>>
    %dma_wait3A_260 = arith.constant 0 : i32
    %dma_wait3A_261 = tpu.memref_slice %arg10[%dma_wait3A, %dma_wait3A_260] : memref<8x128xi32, #tpu.memory_space<vmem>> -> memref<1x64xi32, #tpu.memory_space<vmem>>
    %dma_wait3A_262 = tpu.memref_squeeze %dma_wait3A_261 : memref<1x64xi32, #tpu.memory_space<vmem>> -> memref<64xi32, #tpu.memory_space<vmem>>
    %dma_wait3A_263 = tpu.memref_slice %arg2[%add3A_25] : memref<16384xi32, #tpu.memory_space<hbm>> -> memref<64xi32, #tpu.memory_space<hbm>>
    tpu.wait_dma2 semaphore(%arg18 : memref<!tpu.dma_semaphore, #tpu.memory_space<semaphore_mem>>) src(%dma_wait3A_263 : memref<64xi32, #tpu.memory_space<hbm>>) dst(%dma_wait3A_262 : memref<64xi32, #tpu.memory_space<vmem>>)
    %dma_wait3A_264 = arith.constant 0 : i32
    %dma_wait3A_265 = arith.constant 64 : i32
    %dma_wait3A_266 = tpu.memref_slice %arg10[%dma_wait3A_264, %dma_wait3A_265] : memref<8x128xi32, #tpu.memory_space<vmem>> -> memref<1x64xi32, #tpu.memory_space<vmem>>
    %dma_wait3A_267 = tpu.memref_squeeze %dma_wait3A_266 : memref<1x64xi32, #tpu.memory_space<vmem>> -> memref<64xi32, #tpu.memory_space<vmem>>
    %dma_wait3A_268 = tpu.memref_slice %arg4[%add3A_25] : memref<16384xi32, #tpu.memory_space<hbm>> -> memref<64xi32, #tpu.memory_space<hbm>>
    %dma_wait3A_269 = arith.constant 64 : i32
    %dma_wait3A_270 = tpu.memref_slice %arg10[%dma_wait3A_264, %dma_wait3A_269] : memref<8x128xi32, #tpu.memory_space<vmem>> -> memref<1x64xi32, #tpu.memory_space<vmem>>
    %dma_wait3A_271 = tpu.memref_squeeze %dma_wait3A_270 : memref<1x64xi32, #tpu.memory_space<vmem>> -> memref<64xi32, #tpu.memory_space<vmem>>
    %dma_wait3A_272 = tpu.memref_slice %arg4[%add3A_25] : memref<16384xi32, #tpu.memory_space<hbm>> -> memref<64xi32, #tpu.memory_space<hbm>>
    tpu.wait_dma2 semaphore(%arg18 : memref<!tpu.dma_semaphore, #tpu.memory_space<semaphore_mem>>) src(%dma_wait3A_272 : memref<64xi32, #tpu.memory_space<hbm>>) dst(%dma_wait3A_271 : memref<64xi32, #tpu.memory_space<vmem>>)
    %dma_wait3A_273 = arith.constant 0 : i32
    %dma_wait3A_274 = arith.constant 0 : i32
    %dma_wait3A_275 = tpu.memref_slice %arg11[%dma_wait3A_273, %dma_wait3A_274] : memref<8x64xi32, #tpu.memory_space<vmem>> -> memref<1x64xi32, #tpu.memory_space<vmem>>
    %dma_wait3A_276 = tpu.memref_squeeze %dma_wait3A_275 : memref<1x64xi32, #tpu.memory_space<vmem>> -> memref<64xi32, #tpu.memory_space<vmem>>
    %dma_wait3A_277 = tpu.memref_slice %arg3[%add3A_25] : memref<16384xi32, #tpu.memory_space<hbm>> -> memref<64xi32, #tpu.memory_space<hbm>>
    %dma_wait3A_278 = arith.constant 0 : i32
    %dma_wait3A_279 = tpu.memref_slice %arg11[%dma_wait3A_273, %dma_wait3A_278] : memref<8x64xi32, #tpu.memory_space<vmem>> -> memref<1x64xi32, #tpu.memory_space<vmem>>
    %dma_wait3A_280 = tpu.memref_squeeze %dma_wait3A_279 : memref<1x64xi32, #tpu.memory_space<vmem>> -> memref<64xi32, #tpu.memory_space<vmem>>
    %dma_wait3A_281 = tpu.memref_slice %arg3[%add3A_25] : memref<16384xi32, #tpu.memory_space<hbm>> -> memref<64xi32, #tpu.memory_space<hbm>>
    tpu.wait_dma2 semaphore(%arg18 : memref<!tpu.dma_semaphore, #tpu.memory_space<semaphore_mem>>) src(%dma_wait3A_281 : memref<64xi32, #tpu.memory_space<hbm>>) dst(%dma_wait3A_280 : memref<64xi32, #tpu.memory_space<vmem>>)
    %dma_wait3A_282 = arith.constant 1 : i32
    %dma_wait3A_283 = arith.constant 0 : i32
    %dma_wait3A_284 = tpu.memref_slice %arg10[%dma_wait3A_282, %dma_wait3A_283] : memref<8x128xi32, #tpu.memory_space<vmem>> -> memref<1x64xi32, #tpu.memory_space<vmem>>
    %dma_wait3A_285 = tpu.memref_squeeze %dma_wait3A_284 : memref<1x64xi32, #tpu.memory_space<vmem>> -> memref<64xi32, #tpu.memory_space<vmem>>
    %dma_wait3A_286 = tpu.memref_slice %arg2[%add3A_54] : memref<16384xi32, #tpu.memory_space<hbm>> -> memref<64xi32, #tpu.memory_space<hbm>>
    %dma_wait3A_287 = arith.constant 0 : i32
    %dma_wait3A_288 = tpu.memref_slice %arg10[%dma_wait3A_282, %dma_wait3A_287] : memref<8x128xi32, #tpu.memory_space<vmem>> -> memref<1x64xi32, #tpu.memory_space<vmem>>
    %dma_wait3A_289 = tpu.memref_squeeze %dma_wait3A_288 : memref<1x64xi32, #tpu.memory_space<vmem>> -> memref<64xi32, #tpu.memory_space<vmem>>
    %dma_wait3A_290 = tpu.memref_slice %arg2[%add3A_54] : memref<16384xi32, #tpu.memory_space<hbm>> -> memref<64xi32, #tpu.memory_space<hbm>>
    tpu.wait_dma2 semaphore(%arg18 : memref<!tpu.dma_semaphore, #tpu.memory_space<semaphore_mem>>) src(%dma_wait3A_290 : memref<64xi32, #tpu.memory_space<hbm>>) dst(%dma_wait3A_289 : memref<64xi32, #tpu.memory_space<vmem>>)
    %dma_wait3A_291 = arith.constant 1 : i32
    %dma_wait3A_292 = arith.constant 64 : i32
    %dma_wait3A_293 = tpu.memref_slice %arg10[%dma_wait3A_291, %dma_wait3A_292] : memref<8x128xi32, #tpu.memory_space<vmem>> -> memref<1x64xi32, #tpu.memory_space<vmem>>
    %dma_wait3A_294 = tpu.memref_squeeze %dma_wait3A_293 : memref<1x64xi32, #tpu.memory_space<vmem>> -> memref<64xi32, #tpu.memory_space<vmem>>
    %dma_wait3A_295 = tpu.memref_slice %arg4[%add3A_54] : memref<16384xi32, #tpu.memory_space<hbm>> -> memref<64xi32, #tpu.memory_space<hbm>>
    %dma_wait3A_296 = arith.constant 64 : i32
    %dma_wait3A_297 = tpu.memref_slice %arg10[%dma_wait3A_291, %dma_wait3A_296] : memref<8x128xi32, #tpu.memory_space<vmem>> -> memref<1x64xi32, #tpu.memory_space<vmem>>
    %dma_wait3A_298 = tpu.memref_squeeze %dma_wait3A_297 : memref<1x64xi32, #tpu.memory_space<vmem>> -> memref<64xi32, #tpu.memory_space<vmem>>
    %dma_wait3A_299 = tpu.memref_slice %arg4[%add3A_54] : memref<16384xi32, #tpu.memory_space<hbm>> -> memref<64xi32, #tpu.memory_space<hbm>>
    tpu.wait_dma2 semaphore(%arg18 : memref<!tpu.dma_semaphore, #tpu.memory_space<semaphore_mem>>) src(%dma_wait3A_299 : memref<64xi32, #tpu.memory_space<hbm>>) dst(%dma_wait3A_298 : memref<64xi32, #tpu.memory_space<vmem>>)
    %dma_wait3A_300 = arith.constant 1 : i32
    %dma_wait3A_301 = arith.constant 0 : i32
    %dma_wait3A_302 = tpu.memref_slice %arg11[%dma_wait3A_300, %dma_wait3A_301] : memref<8x64xi32, #tpu.memory_space<vmem>> -> memref<1x64xi32, #tpu.memory_space<vmem>>
    %dma_wait3A_303 = tpu.memref_squeeze %dma_wait3A_302 : memref<1x64xi32, #tpu.memory_space<vmem>> -> memref<64xi32, #tpu.memory_space<vmem>>
    %dma_wait3A_304 = tpu.memref_slice %arg3[%add3A_54] : memref<16384xi32, #tpu.memory_space<hbm>> -> memref<64xi32, #tpu.memory_space<hbm>>
    %dma_wait3A_305 = arith.constant 0 : i32
    %dma_wait3A_306 = tpu.memref_slice %arg11[%dma_wait3A_300, %dma_wait3A_305] : memref<8x64xi32, #tpu.memory_space<vmem>> -> memref<1x64xi32, #tpu.memory_space<vmem>>
    %dma_wait3A_307 = tpu.memref_squeeze %dma_wait3A_306 : memref<1x64xi32, #tpu.memory_space<vmem>> -> memref<64xi32, #tpu.memory_space<vmem>>
    %dma_wait3A_308 = tpu.memref_slice %arg3[%add3A_54] : memref<16384xi32, #tpu.memory_space<hbm>> -> memref<64xi32, #tpu.memory_space<hbm>>
    tpu.wait_dma2 semaphore(%arg18 : memref<!tpu.dma_semaphore, #tpu.memory_space<semaphore_mem>>) src(%dma_wait3A_308 : memref<64xi32, #tpu.memory_space<hbm>>) dst(%dma_wait3A_307 : memref<64xi32, #tpu.memory_space<vmem>>)
    %dma_wait3A_309 = arith.constant 2 : i32
    %dma_wait3A_310 = arith.constant 0 : i32
    %dma_wait3A_311 = tpu.memref_slice %arg10[%dma_wait3A_309, %dma_wait3A_310] : memref<8x128xi32, #tpu.memory_space<vmem>> -> memref<1x64xi32, #tpu.memory_space<vmem>>
    %dma_wait3A_312 = tpu.memref_squeeze %dma_wait3A_311 : memref<1x64xi32, #tpu.memory_space<vmem>> -> memref<64xi32, #tpu.memory_space<vmem>>
    %dma_wait3A_313 = tpu.memref_slice %arg2[%add3A_83] : memref<16384xi32, #tpu.memory_space<hbm>> -> memref<64xi32, #tpu.memory_space<hbm>>
    %dma_wait3A_314 = arith.constant 0 : i32
    %dma_wait3A_315 = tpu.memref_slice %arg10[%dma_wait3A_309, %dma_wait3A_314] : memref<8x128xi32, #tpu.memory_space<vmem>> -> memref<1x64xi32, #tpu.memory_space<vmem>>
    %dma_wait3A_316 = tpu.memref_squeeze %dma_wait3A_315 : memref<1x64xi32, #tpu.memory_space<vmem>> -> memref<64xi32, #tpu.memory_space<vmem>>
    %dma_wait3A_317 = tpu.memref_slice %arg2[%add3A_83] : memref<16384xi32, #tpu.memory_space<hbm>> -> memref<64xi32, #tpu.memory_space<hbm>>
    tpu.wait_dma2 semaphore(%arg18 : memref<!tpu.dma_semaphore, #tpu.memory_space<semaphore_mem>>) src(%dma_wait3A_317 : memref<64xi32, #tpu.memory_space<hbm>>) dst(%dma_wait3A_316 : memref<64xi32, #tpu.memory_space<vmem>>)
    %dma_wait3A_318 = arith.constant 2 : i32
    %dma_wait3A_319 = arith.constant 64 : i32
    %dma_wait3A_320 = tpu.memref_slice %arg10[%dma_wait3A_318, %dma_wait3A_319] : memref<8x128xi32, #tpu.memory_space<vmem>> -> memref<1x64xi32, #tpu.memory_space<vmem>>
    %dma_wait3A_321 = tpu.memref_squeeze %dma_wait3A_320 : memref<1x64xi32, #tpu.memory_space<vmem>> -> memref<64xi32, #tpu.memory_space<vmem>>
    %dma_wait3A_322 = tpu.memref_slice %arg4[%add3A_83] : memref<16384xi32, #tpu.memory_space<hbm>> -> memref<64xi32, #tpu.memory_space<hbm>>
    %dma_wait3A_323 = arith.constant 64 : i32
    %dma_wait3A_324 = tpu.memref_slice %arg10[%dma_wait3A_318, %dma_wait3A_323] : memref<8x128xi32, #tpu.memory_space<vmem>> -> memref<1x64xi32, #tpu.memory_space<vmem>>
    %dma_wait3A_325 = tpu.memref_squeeze %dma_wait3A_324 : memref<1x64xi32, #tpu.memory_space<vmem>> -> memref<64xi32, #tpu.memory_space<vmem>>
    %dma_wait3A_326 = tpu.memref_slice %arg4[%add3A_83] : memref<16384xi32, #tpu.memory_space<hbm>> -> memref<64xi32, #tpu.memory_space<hbm>>
    tpu.wait_dma2 semaphore(%arg18 : memref<!tpu.dma_semaphore, #tpu.memory_space<semaphore_mem>>) src(%dma_wait3A_326 : memref<64xi32, #tpu.memory_space<hbm>>) dst(%dma_wait3A_325 : memref<64xi32, #tpu.memory_space<vmem>>)
    %dma_wait3A_327 = arith.constant 2 : i32
    %dma_wait3A_328 = arith.constant 0 : i32
    %dma_wait3A_329 = tpu.memref_slice %arg11[%dma_wait3A_327, %dma_wait3A_328] : memref<8x64xi32, #tpu.memory_space<vmem>> -> memref<1x64xi32, #tpu.memory_space<vmem>>
    %dma_wait3A_330 = tpu.memref_squeeze %dma_wait3A_329 : memref<1x64xi32, #tpu.memory_space<vmem>> -> memref<64xi32, #tpu.memory_space<vmem>>
    %dma_wait3A_331 = tpu.memref_slice %arg3[%add3A_83] : memref<16384xi32, #tpu.memory_space<hbm>> -> memref<64xi32, #tpu.memory_space<hbm>>
    %dma_wait3A_332 = arith.constant 0 : i32
    %dma_wait3A_333 = tpu.memref_slice %arg11[%dma_wait3A_327, %dma_wait3A_332] : memref<8x64xi32, #tpu.memory_space<vmem>> -> memref<1x64xi32, #tpu.memory_space<vmem>>
    %dma_wait3A_334 = tpu.memref_squeeze %dma_wait3A_333 : memref<1x64xi32, #tpu.memory_space<vmem>> -> memref<64xi32, #tpu.memory_space<vmem>>
    %dma_wait3A_335 = tpu.memref_slice %arg3[%add3A_83] : memref<16384xi32, #tpu.memory_space<hbm>> -> memref<64xi32, #tpu.memory_space<hbm>>
    tpu.wait_dma2 semaphore(%arg18 : memref<!tpu.dma_semaphore, #tpu.memory_space<semaphore_mem>>) src(%dma_wait3A_335 : memref<64xi32, #tpu.memory_space<hbm>>) dst(%dma_wait3A_334 : memref<64xi32, #tpu.memory_space<vmem>>)
    %dma_wait3A_336 = arith.constant 3 : i32
    %dma_wait3A_337 = arith.constant 0 : i32
    %dma_wait3A_338 = tpu.memref_slice %arg10[%dma_wait3A_336, %dma_wait3A_337] : memref<8x128xi32, #tpu.memory_space<vmem>> -> memref<1x64xi32, #tpu.memory_space<vmem>>
    %dma_wait3A_339 = tpu.memref_squeeze %dma_wait3A_338 : memref<1x64xi32, #tpu.memory_space<vmem>> -> memref<64xi32, #tpu.memory_space<vmem>>
    %dma_wait3A_340 = tpu.memref_slice %arg2[%add3A_112] : memref<16384xi32, #tpu.memory_space<hbm>> -> memref<64xi32, #tpu.memory_space<hbm>>
    %dma_wait3A_341 = arith.constant 0 : i32
    %dma_wait3A_342 = tpu.memref_slice %arg10[%dma_wait3A_336, %dma_wait3A_341] : memref<8x128xi32, #tpu.memory_space<vmem>> -> memref<1x64xi32, #tpu.memory_space<vmem>>
    %dma_wait3A_343 = tpu.memref_squeeze %dma_wait3A_342 : memref<1x64xi32, #tpu.memory_space<vmem>> -> memref<64xi32, #tpu.memory_space<vmem>>
    %dma_wait3A_344 = tpu.memref_slice %arg2[%add3A_112] : memref<16384xi32, #tpu.memory_space<hbm>> -> memref<64xi32, #tpu.memory_space<hbm>>
    tpu.wait_dma2 semaphore(%arg18 : memref<!tpu.dma_semaphore, #tpu.memory_space<semaphore_mem>>) src(%dma_wait3A_344 : memref<64xi32, #tpu.memory_space<hbm>>) dst(%dma_wait3A_343 : memref<64xi32, #tpu.memory_space<vmem>>)
    %dma_wait3A_345 = arith.constant 3 : i32
    %dma_wait3A_346 = arith.constant 64 : i32
    %dma_wait3A_347 = tpu.memref_slice %arg10[%dma_wait3A_345, %dma_wait3A_346] : memref<8x128xi32, #tpu.memory_space<vmem>> -> memref<1x64xi32, #tpu.memory_space<vmem>>
    %dma_wait3A_348 = tpu.memref_squeeze %dma_wait3A_347 : memref<1x64xi32, #tpu.memory_space<vmem>> -> memref<64xi32, #tpu.memory_space<vmem>>
    %dma_wait3A_349 = tpu.memref_slice %arg4[%add3A_112] : memref<16384xi32, #tpu.memory_space<hbm>> -> memref<64xi32, #tpu.memory_space<hbm>>
    %dma_wait3A_350 = arith.constant 64 : i32
    %dma_wait3A_351 = tpu.memref_slice %arg10[%dma_wait3A_345, %dma_wait3A_350] : memref<8x128xi32, #tpu.memory_space<vmem>> -> memref<1x64xi32, #tpu.memory_space<vmem>>
    %dma_wait3A_352 = tpu.memref_squeeze %dma_wait3A_351 : memref<1x64xi32, #tpu.memory_space<vmem>> -> memref<64xi32, #tpu.memory_space<vmem>>
    %dma_wait3A_353 = tpu.memref_slice %arg4[%add3A_112] : memref<16384xi32, #tpu.memory_space<hbm>> -> memref<64xi32, #tpu.memory_space<hbm>>
    tpu.wait_dma2 semaphore(%arg18 : memref<!tpu.dma_semaphore, #tpu.memory_space<semaphore_mem>>) src(%dma_wait3A_353 : memref<64xi32, #tpu.memory_space<hbm>>) dst(%dma_wait3A_352 : memref<64xi32, #tpu.memory_space<vmem>>)
    %dma_wait3A_354 = arith.constant 3 : i32
    %dma_wait3A_355 = arith.constant 0 : i32
    %dma_wait3A_356 = tpu.memref_slice %arg11[%dma_wait3A_354, %dma_wait3A_355] : memref<8x64xi32, #tpu.memory_space<vmem>> -> memref<1x64xi32, #tpu.memory_space<vmem>>
    %dma_wait3A_357 = tpu.memref_squeeze %dma_wait3A_356 : memref<1x64xi32, #tpu.memory_space<vmem>> -> memref<64xi32, #tpu.memory_space<vmem>>
    %dma_wait3A_358 = tpu.memref_slice %arg3[%add3A_112] : memref<16384xi32, #tpu.memory_space<hbm>> -> memref<64xi32, #tpu.memory_space<hbm>>
    %dma_wait3A_359 = arith.constant 0 : i32
    %dma_wait3A_360 = tpu.memref_slice %arg11[%dma_wait3A_354, %dma_wait3A_359] : memref<8x64xi32, #tpu.memory_space<vmem>> -> memref<1x64xi32, #tpu.memory_space<vmem>>
    %dma_wait3A_361 = tpu.memref_squeeze %dma_wait3A_360 : memref<1x64xi32, #tpu.memory_space<vmem>> -> memref<64xi32, #tpu.memory_space<vmem>>
    %dma_wait3A_362 = tpu.memref_slice %arg3[%add3A_112] : memref<16384xi32, #tpu.memory_space<hbm>> -> memref<64xi32, #tpu.memory_space<hbm>>
    tpu.wait_dma2 semaphore(%arg18 : memref<!tpu.dma_semaphore, #tpu.memory_space<semaphore_mem>>) src(%dma_wait3A_362 : memref<64xi32, #tpu.memory_space<hbm>>) dst(%dma_wait3A_361 : memref<64xi32, #tpu.memory_space<vmem>>)
    %dma_wait3A_363 = arith.constant 4 : i32
    %dma_wait3A_364 = arith.constant 0 : i32
    %dma_wait3A_365 = tpu.memref_slice %arg10[%dma_wait3A_363, %dma_wait3A_364] : memref<8x128xi32, #tpu.memory_space<vmem>> -> memref<1x64xi32, #tpu.memory_space<vmem>>
    %dma_wait3A_366 = tpu.memref_squeeze %dma_wait3A_365 : memref<1x64xi32, #tpu.memory_space<vmem>> -> memref<64xi32, #tpu.memory_space<vmem>>
    %dma_wait3A_367 = tpu.memref_slice %arg2[%add3A_141] : memref<16384xi32, #tpu.memory_space<hbm>> -> memref<64xi32, #tpu.memory_space<hbm>>
    %dma_wait3A_368 = arith.constant 0 : i32
    %dma_wait3A_369 = tpu.memref_slice %arg10[%dma_wait3A_363, %dma_wait3A_368] : memref<8x128xi32, #tpu.memory_space<vmem>> -> memref<1x64xi32, #tpu.memory_space<vmem>>
    %dma_wait3A_370 = tpu.memref_squeeze %dma_wait3A_369 : memref<1x64xi32, #tpu.memory_space<vmem>> -> memref<64xi32, #tpu.memory_space<vmem>>
    %dma_wait3A_371 = tpu.memref_slice %arg2[%add3A_141] : memref<16384xi32, #tpu.memory_space<hbm>> -> memref<64xi32, #tpu.memory_space<hbm>>
    tpu.wait_dma2 semaphore(%arg18 : memref<!tpu.dma_semaphore, #tpu.memory_space<semaphore_mem>>) src(%dma_wait3A_371 : memref<64xi32, #tpu.memory_space<hbm>>) dst(%dma_wait3A_370 : memref<64xi32, #tpu.memory_space<vmem>>)
    %dma_wait3A_372 = arith.constant 4 : i32
    %dma_wait3A_373 = arith.constant 64 : i32
    %dma_wait3A_374 = tpu.memref_slice %arg10[%dma_wait3A_372, %dma_wait3A_373] : memref<8x128xi32, #tpu.memory_space<vmem>> -> memref<1x64xi32, #tpu.memory_space<vmem>>
    %dma_wait3A_375 = tpu.memref_squeeze %dma_wait3A_374 : memref<1x64xi32, #tpu.memory_space<vmem>> -> memref<64xi32, #tpu.memory_space<vmem>>
    %dma_wait3A_376 = tpu.memref_slice %arg4[%add3A_141] : memref<16384xi32, #tpu.memory_space<hbm>> -> memref<64xi32, #tpu.memory_space<hbm>>
    %dma_wait3A_377 = arith.constant 64 : i32
    %dma_wait3A_378 = tpu.memref_slice %arg10[%dma_wait3A_372, %dma_wait3A_377] : memref<8x128xi32, #tpu.memory_space<vmem>> -> memref<1x64xi32, #tpu.memory_space<vmem>>
    %dma_wait3A_379 = tpu.memref_squeeze %dma_wait3A_378 : memref<1x64xi32, #tpu.memory_space<vmem>> -> memref<64xi32, #tpu.memory_space<vmem>>
    %dma_wait3A_380 = tpu.memref_slice %arg4[%add3A_141] : memref<16384xi32, #tpu.memory_space<hbm>> -> memref<64xi32, #tpu.memory_space<hbm>>
    tpu.wait_dma2 semaphore(%arg18 : memref<!tpu.dma_semaphore, #tpu.memory_space<semaphore_mem>>) src(%dma_wait3A_380 : memref<64xi32, #tpu.memory_space<hbm>>) dst(%dma_wait3A_379 : memref<64xi32, #tpu.memory_space<vmem>>)
    %dma_wait3A_381 = arith.constant 4 : i32
    %dma_wait3A_382 = arith.constant 0 : i32
    %dma_wait3A_383 = tpu.memref_slice %arg11[%dma_wait3A_381, %dma_wait3A_382] : memref<8x64xi32, #tpu.memory_space<vmem>> -> memref<1x64xi32, #tpu.memory_space<vmem>>
    %dma_wait3A_384 = tpu.memref_squeeze %dma_wait3A_383 : memref<1x64xi32, #tpu.memory_space<vmem>> -> memref<64xi32, #tpu.memory_space<vmem>>
    %dma_wait3A_385 = tpu.memref_slice %arg3[%add3A_141] : memref<16384xi32, #tpu.memory_space<hbm>> -> memref<64xi32, #tpu.memory_space<hbm>>
    %dma_wait3A_386 = arith.constant 0 : i32
    %dma_wait3A_387 = tpu.memref_slice %arg11[%dma_wait3A_381, %dma_wait3A_386] : memref<8x64xi32, #tpu.memory_space<vmem>> -> memref<1x64xi32, #tpu.memory_space<vmem>>
    %dma_wait3A_388 = tpu.memref_squeeze %dma_wait3A_387 : memref<1x64xi32, #tpu.memory_space<vmem>> -> memref<64xi32, #tpu.memory_space<vmem>>
    %dma_wait3A_389 = tpu.memref_slice %arg3[%add3A_141] : memref<16384xi32, #tpu.memory_space<hbm>> -> memref<64xi32, #tpu.memory_space<hbm>>
    tpu.wait_dma2 semaphore(%arg18 : memref<!tpu.dma_semaphore, #tpu.memory_space<semaphore_mem>>) src(%dma_wait3A_389 : memref<64xi32, #tpu.memory_space<hbm>>) dst(%dma_wait3A_388 : memref<64xi32, #tpu.memory_space<vmem>>)
    %dma_wait3A_390 = arith.constant 5 : i32
    %dma_wait3A_391 = arith.constant 0 : i32
    %dma_wait3A_392 = tpu.memref_slice %arg10[%dma_wait3A_390, %dma_wait3A_391] : memref<8x128xi32, #tpu.memory_space<vmem>> -> memref<1x64xi32, #tpu.memory_space<vmem>>
    %dma_wait3A_393 = tpu.memref_squeeze %dma_wait3A_392 : memref<1x64xi32, #tpu.memory_space<vmem>> -> memref<64xi32, #tpu.memory_space<vmem>>
    %dma_wait3A_394 = tpu.memref_slice %arg2[%add3A_170] : memref<16384xi32, #tpu.memory_space<hbm>> -> memref<64xi32, #tpu.memory_space<hbm>>
    %dma_wait3A_395 = arith.constant 0 : i32
    %dma_wait3A_396 = tpu.memref_slice %arg10[%dma_wait3A_390, %dma_wait3A_395] : memref<8x128xi32, #tpu.memory_space<vmem>> -> memref<1x64xi32, #tpu.memory_space<vmem>>
    %dma_wait3A_397 = tpu.memref_squeeze %dma_wait3A_396 : memref<1x64xi32, #tpu.memory_space<vmem>> -> memref<64xi32, #tpu.memory_space<vmem>>
    %dma_wait3A_398 = tpu.memref_slice %arg2[%add3A_170] : memref<16384xi32, #tpu.memory_space<hbm>> -> memref<64xi32, #tpu.memory_space<hbm>>
    tpu.wait_dma2 semaphore(%arg18 : memref<!tpu.dma_semaphore, #tpu.memory_space<semaphore_mem>>) src(%dma_wait3A_398 : memref<64xi32, #tpu.memory_space<hbm>>) dst(%dma_wait3A_397 : memref<64xi32, #tpu.memory_space<vmem>>)
    %dma_wait3A_399 = arith.constant 5 : i32
    %dma_wait3A_400 = arith.constant 64 : i32
    %dma_wait3A_401 = tpu.memref_slice %arg10[%dma_wait3A_399, %dma_wait3A_400] : memref<8x128xi32, #tpu.memory_space<vmem>> -> memref<1x64xi32, #tpu.memory_space<vmem>>
    %dma_wait3A_402 = tpu.memref_squeeze %dma_wait3A_401 : memref<1x64xi32, #tpu.memory_space<vmem>> -> memref<64xi32, #tpu.memory_space<vmem>>
    %dma_wait3A_403 = tpu.memref_slice %arg4[%add3A_170] : memref<16384xi32, #tpu.memory_space<hbm>> -> memref<64xi32, #tpu.memory_space<hbm>>
    %dma_wait3A_404 = arith.constant 64 : i32
    %dma_wait3A_405 = tpu.memref_slice %arg10[%dma_wait3A_399, %dma_wait3A_404] : memref<8x128xi32, #tpu.memory_space<vmem>> -> memref<1x64xi32, #tpu.memory_space<vmem>>
    %dma_wait3A_406 = tpu.memref_squeeze %dma_wait3A_405 : memref<1x64xi32, #tpu.memory_space<vmem>> -> memref<64xi32, #tpu.memory_space<vmem>>
    %dma_wait3A_407 = tpu.memref_slice %arg4[%add3A_170] : memref<16384xi32, #tpu.memory_space<hbm>> -> memref<64xi32, #tpu.memory_space<hbm>>
    tpu.wait_dma2 semaphore(%arg18 : memref<!tpu.dma_semaphore, #tpu.memory_space<semaphore_mem>>) src(%dma_wait3A_407 : memref<64xi32, #tpu.memory_space<hbm>>) dst(%dma_wait3A_406 : memref<64xi32, #tpu.memory_space<vmem>>)
    %dma_wait3A_408 = arith.constant 5 : i32
    %dma_wait3A_409 = arith.constant 0 : i32
    %dma_wait3A_410 = tpu.memref_slice %arg11[%dma_wait3A_408, %dma_wait3A_409] : memref<8x64xi32, #tpu.memory_space<vmem>> -> memref<1x64xi32, #tpu.memory_space<vmem>>
    %dma_wait3A_411 = tpu.memref_squeeze %dma_wait3A_410 : memref<1x64xi32, #tpu.memory_space<vmem>> -> memref<64xi32, #tpu.memory_space<vmem>>
    %dma_wait3A_412 = tpu.memref_slice %arg3[%add3A_170] : memref<16384xi32, #tpu.memory_space<hbm>> -> memref<64xi32, #tpu.memory_space<hbm>>
    %dma_wait3A_413 = arith.constant 0 : i32
    %dma_wait3A_414 = tpu.memref_slice %arg11[%dma_wait3A_408, %dma_wait3A_413] : memref<8x64xi32, #tpu.memory_space<vmem>> -> memref<1x64xi32, #tpu.memory_space<vmem>>
    %dma_wait3A_415 = tpu.memref_squeeze %dma_wait3A_414 : memref<1x64xi32, #tpu.memory_space<vmem>> -> memref<64xi32, #tpu.memory_space<vmem>>
    %dma_wait3A_416 = tpu.memref_slice %arg3[%add3A_170] : memref<16384xi32, #tpu.memory_space<hbm>> -> memref<64xi32, #tpu.memory_space<hbm>>
    tpu.wait_dma2 semaphore(%arg18 : memref<!tpu.dma_semaphore, #tpu.memory_space<semaphore_mem>>) src(%dma_wait3A_416 : memref<64xi32, #tpu.memory_space<hbm>>) dst(%dma_wait3A_415 : memref<64xi32, #tpu.memory_space<vmem>>)
    %dma_wait3A_417 = arith.constant 6 : i32
    %dma_wait3A_418 = arith.constant 0 : i32
    %dma_wait3A_419 = tpu.memref_slice %arg10[%dma_wait3A_417, %dma_wait3A_418] : memref<8x128xi32, #tpu.memory_space<vmem>> -> memref<1x64xi32, #tpu.memory_space<vmem>>
    %dma_wait3A_420 = tpu.memref_squeeze %dma_wait3A_419 : memref<1x64xi32, #tpu.memory_space<vmem>> -> memref<64xi32, #tpu.memory_space<vmem>>
    %dma_wait3A_421 = tpu.memref_slice %arg2[%add3A_199] : memref<16384xi32, #tpu.memory_space<hbm>> -> memref<64xi32, #tpu.memory_space<hbm>>
    %dma_wait3A_422 = arith.constant 0 : i32
    %dma_wait3A_423 = tpu.memref_slice %arg10[%dma_wait3A_417, %dma_wait3A_422] : memref<8x128xi32, #tpu.memory_space<vmem>> -> memref<1x64xi32, #tpu.memory_space<vmem>>
    %dma_wait3A_424 = tpu.memref_squeeze %dma_wait3A_423 : memref<1x64xi32, #tpu.memory_space<vmem>> -> memref<64xi32, #tpu.memory_space<vmem>>
    %dma_wait3A_425 = tpu.memref_slice %arg2[%add3A_199] : memref<16384xi32, #tpu.memory_space<hbm>> -> memref<64xi32, #tpu.memory_space<hbm>>
    tpu.wait_dma2 semaphore(%arg18 : memref<!tpu.dma_semaphore, #tpu.memory_space<semaphore_mem>>) src(%dma_wait3A_425 : memref<64xi32, #tpu.memory_space<hbm>>) dst(%dma_wait3A_424 : memref<64xi32, #tpu.memory_space<vmem>>)
    %dma_wait3A_426 = arith.constant 6 : i32
    %dma_wait3A_427 = arith.constant 64 : i32
    %dma_wait3A_428 = tpu.memref_slice %arg10[%dma_wait3A_426, %dma_wait3A_427] : memref<8x128xi32, #tpu.memory_space<vmem>> -> memref<1x64xi32, #tpu.memory_space<vmem>>
    %dma_wait3A_429 = tpu.memref_squeeze %dma_wait3A_428 : memref<1x64xi32, #tpu.memory_space<vmem>> -> memref<64xi32, #tpu.memory_space<vmem>>
    %dma_wait3A_430 = tpu.memref_slice %arg4[%add3A_199] : memref<16384xi32, #tpu.memory_space<hbm>> -> memref<64xi32, #tpu.memory_space<hbm>>
    %dma_wait3A_431 = arith.constant 64 : i32
    %dma_wait3A_432 = tpu.memref_slice %arg10[%dma_wait3A_426, %dma_wait3A_431] : memref<8x128xi32, #tpu.memory_space<vmem>> -> memref<1x64xi32, #tpu.memory_space<vmem>>
    %dma_wait3A_433 = tpu.memref_squeeze %dma_wait3A_432 : memref<1x64xi32, #tpu.memory_space<vmem>> -> memref<64xi32, #tpu.memory_space<vmem>>
    %dma_wait3A_434 = tpu.memref_slice %arg4[%add3A_199] : memref<16384xi32, #tpu.memory_space<hbm>> -> memref<64xi32, #tpu.memory_space<hbm>>
    tpu.wait_dma2 semaphore(%arg18 : memref<!tpu.dma_semaphore, #tpu.memory_space<semaphore_mem>>) src(%dma_wait3A_434 : memref<64xi32, #tpu.memory_space<hbm>>) dst(%dma_wait3A_433 : memref<64xi32, #tpu.memory_space<vmem>>)
    %dma_wait3A_435 = arith.constant 6 : i32
    %dma_wait3A_436 = arith.constant 0 : i32
    %dma_wait3A_437 = tpu.memref_slice %arg11[%dma_wait3A_435, %dma_wait3A_436] : memref<8x64xi32, #tpu.memory_space<vmem>> -> memref<1x64xi32, #tpu.memory_space<vmem>>
    %dma_wait3A_438 = tpu.memref_squeeze %dma_wait3A_437 : memref<1x64xi32, #tpu.memory_space<vmem>> -> memref<64xi32, #tpu.memory_space<vmem>>
    %dma_wait3A_439 = tpu.memref_slice %arg3[%add3A_199] : memref<16384xi32, #tpu.memory_space<hbm>> -> memref<64xi32, #tpu.memory_space<hbm>>
    %dma_wait3A_440 = arith.constant 0 : i32
    %dma_wait3A_441 = tpu.memref_slice %arg11[%dma_wait3A_435, %dma_wait3A_440] : memref<8x64xi32, #tpu.memory_space<vmem>> -> memref<1x64xi32, #tpu.memory_space<vmem>>
    %dma_wait3A_442 = tpu.memref_squeeze %dma_wait3A_441 : memref<1x64xi32, #tpu.memory_space<vmem>> -> memref<64xi32, #tpu.memory_space<vmem>>
    %dma_wait3A_443 = tpu.memref_slice %arg3[%add3A_199] : memref<16384xi32, #tpu.memory_space<hbm>> -> memref<64xi32, #tpu.memory_space<hbm>>
    tpu.wait_dma2 semaphore(%arg18 : memref<!tpu.dma_semaphore, #tpu.memory_space<semaphore_mem>>) src(%dma_wait3A_443 : memref<64xi32, #tpu.memory_space<hbm>>) dst(%dma_wait3A_442 : memref<64xi32, #tpu.memory_space<vmem>>)
    %dma_wait3A_444 = arith.constant 7 : i32
    %dma_wait3A_445 = arith.constant 0 : i32
    %dma_wait3A_446 = tpu.memref_slice %arg10[%dma_wait3A_444, %dma_wait3A_445] : memref<8x128xi32, #tpu.memory_space<vmem>> -> memref<1x64xi32, #tpu.memory_space<vmem>>
    %dma_wait3A_447 = tpu.memref_squeeze %dma_wait3A_446 : memref<1x64xi32, #tpu.memory_space<vmem>> -> memref<64xi32, #tpu.memory_space<vmem>>
    %dma_wait3A_448 = tpu.memref_slice %arg2[%add3A_228] : memref<16384xi32, #tpu.memory_space<hbm>> -> memref<64xi32, #tpu.memory_space<hbm>>
    %dma_wait3A_449 = arith.constant 0 : i32
    %dma_wait3A_450 = tpu.memref_slice %arg10[%dma_wait3A_444, %dma_wait3A_449] : memref<8x128xi32, #tpu.memory_space<vmem>> -> memref<1x64xi32, #tpu.memory_space<vmem>>
    %dma_wait3A_451 = tpu.memref_squeeze %dma_wait3A_450 : memref<1x64xi32, #tpu.memory_space<vmem>> -> memref<64xi32, #tpu.memory_space<vmem>>
    %dma_wait3A_452 = tpu.memref_slice %arg2[%add3A_228] : memref<16384xi32, #tpu.memory_space<hbm>> -> memref<64xi32, #tpu.memory_space<hbm>>
    tpu.wait_dma2 semaphore(%arg18 : memref<!tpu.dma_semaphore, #tpu.memory_space<semaphore_mem>>) src(%dma_wait3A_452 : memref<64xi32, #tpu.memory_space<hbm>>) dst(%dma_wait3A_451 : memref<64xi32, #tpu.memory_space<vmem>>)
    %dma_wait3A_453 = arith.constant 7 : i32
    %dma_wait3A_454 = arith.constant 64 : i32
    %dma_wait3A_455 = tpu.memref_slice %arg10[%dma_wait3A_453, %dma_wait3A_454] : memref<8x128xi32, #tpu.memory_space<vmem>> -> memref<1x64xi32, #tpu.memory_space<vmem>>
    %dma_wait3A_456 = tpu.memref_squeeze %dma_wait3A_455 : memref<1x64xi32, #tpu.memory_space<vmem>> -> memref<64xi32, #tpu.memory_space<vmem>>
    %dma_wait3A_457 = tpu.memref_slice %arg4[%add3A_228] : memref<16384xi32, #tpu.memory_space<hbm>> -> memref<64xi32, #tpu.memory_space<hbm>>
    %dma_wait3A_458 = arith.constant 64 : i32
    %dma_wait3A_459 = tpu.memref_slice %arg10[%dma_wait3A_453, %dma_wait3A_458] : memref<8x128xi32, #tpu.memory_space<vmem>> -> memref<1x64xi32, #tpu.memory_space<vmem>>
    %dma_wait3A_460 = tpu.memref_squeeze %dma_wait3A_459 : memref<1x64xi32, #tpu.memory_space<vmem>> -> memref<64xi32, #tpu.memory_space<vmem>>
    %dma_wait3A_461 = tpu.memref_slice %arg4[%add3A_228] : memref<16384xi32, #tpu.memory_space<hbm>> -> memref<64xi32, #tpu.memory_space<hbm>>
    tpu.wait_dma2 semaphore(%arg18 : memref<!tpu.dma_semaphore, #tpu.memory_space<semaphore_mem>>) src(%dma_wait3A_461 : memref<64xi32, #tpu.memory_space<hbm>>) dst(%dma_wait3A_460 : memref<64xi32, #tpu.memory_space<vmem>>)
    %dma_wait3A_462 = arith.constant 7 : i32
    %dma_wait3A_463 = arith.constant 0 : i32
    %dma_wait3A_464 = tpu.memref_slice %arg11[%dma_wait3A_462, %dma_wait3A_463] : memref<8x64xi32, #tpu.memory_space<vmem>> -> memref<1x64xi32, #tpu.memory_space<vmem>>
    %dma_wait3A_465 = tpu.memref_squeeze %dma_wait3A_464 : memref<1x64xi32, #tpu.memory_space<vmem>> -> memref<64xi32, #tpu.memory_space<vmem>>
    %dma_wait3A_466 = tpu.memref_slice %arg3[%add3A_228] : memref<16384xi32, #tpu.memory_space<hbm>> -> memref<64xi32, #tpu.memory_space<hbm>>
    %dma_wait3A_467 = arith.constant 0 : i32
    %dma_wait3A_468 = tpu.memref_slice %arg11[%dma_wait3A_462, %dma_wait3A_467] : memref<8x64xi32, #tpu.memory_space<vmem>> -> memref<1x64xi32, #tpu.memory_space<vmem>>
    %dma_wait3A_469 = tpu.memref_squeeze %dma_wait3A_468 : memref<1x64xi32, #tpu.memory_space<vmem>> -> memref<64xi32, #tpu.memory_space<vmem>>
    %dma_wait3A_470 = tpu.memref_slice %arg3[%add3A_228] : memref<16384xi32, #tpu.memory_space<hbm>> -> memref<64xi32, #tpu.memory_space<hbm>>
    tpu.wait_dma2 semaphore(%arg18 : memref<!tpu.dma_semaphore, #tpu.memory_space<semaphore_mem>>) src(%dma_wait3A_470 : memref<64xi32, #tpu.memory_space<hbm>>) dst(%dma_wait3A_469 : memref<64xi32, #tpu.memory_space<vmem>>)
    %dma_start3A_471 = arith.constant 0 : i32
    %dma_start3A_472 = arith.constant 0 : i32
    %dma_start3A_473 = arith.constant 0 : i32
    %dma_start3A_474 = arith.constant 0 : i32
    %dma_start3A_475 = arith.constant 0 : i32
    %dma_start3A_476 = tpu.memref_slice %arg12[%dma_start3A_472, %dma_start3A_474, %dma_start3A_475] : memref<2x128x128xf32, #tpu.memory_space<vmem>> -> memref<1x128x128xf32, #tpu.memory_space<vmem>>
    %dma_start3A_477 = tpu.memref_squeeze %dma_start3A_476 : memref<1x128x128xf32, #tpu.memory_space<vmem>> -> memref<128x128xf32, #tpu.memory_space<vmem>>
    %dma_start3A_478 = arith.constant 0 : i32
    %dma_start3A_479 = tpu.memref_slice %arg10[%dma_start3A_471, %dma_start3A_478] : memref<8x128xi32, #tpu.memory_space<vmem>> -> memref<1x128xi32, #tpu.memory_space<vmem>>
    %dma_start3A_480 = tpu.memref_squeeze %dma_start3A_479 : memref<1x128xi32, #tpu.memory_space<vmem>> -> memref<128xi32, #tpu.memory_space<vmem>>
    %dma_start3A_481 = arith.constant 0 : i32
    %dma_start3A_482 = arith.constant 0 : i32
    %dma_start3A_483 = tpu.memref_slice %arg5[%dma_start3A_481, %dma_start3A_482] : memref<100000x128xf32, #tpu.memory_space<hbm>> -> memref<100000x128xf32, #tpu.memory_space<hbm>>
    %dma_start3A_484 = tpu.memref_slice %arg19[%dma_start3A_473] : memref<2x!tpu.dma_semaphore, #tpu.memory_space<semaphore_mem>> -> memref<1x!tpu.dma_semaphore, #tpu.memory_space<semaphore_mem>>
    %dma_start3A_485 = tpu.memref_squeeze %dma_start3A_484 : memref<1x!tpu.dma_semaphore, #tpu.memory_space<semaphore_mem>> -> memref<!tpu.dma_semaphore, #tpu.memory_space<semaphore_mem>>
    tpu.enqueue_indirect_dma source(%dma_start3A_483 : memref<100000x128xf32, #tpu.memory_space<hbm>>) target(%dma_start3A_477 : memref<128x128xf32, #tpu.memory_space<vmem>>) offsets(%dma_start3A_480 : memref<128xi32, #tpu.memory_space<vmem>>) semaphore(%dma_start3A_485 : memref<!tpu.dma_semaphore, #tpu.memory_space<semaphore_mem>>)
    %dma_start3A_486 = arith.constant 0 : i32
    %dma_start3A_487 = arith.constant 0 : i32
    %dma_start3A_488 = arith.constant 0 : i32
    %dma_start3A_489 = arith.constant 0 : i32
    %dma_start3A_490 = arith.constant 0 : i32
    %dma_start3A_491 = tpu.memref_slice %arg13[%dma_start3A_487, %dma_start3A_489, %dma_start3A_490] : memref<2x128x128xf32, #tpu.memory_space<vmem>> -> memref<1x128x128xf32, #tpu.memory_space<vmem>>
    %dma_start3A_492 = tpu.memref_squeeze %dma_start3A_491 : memref<1x128x128xf32, #tpu.memory_space<vmem>> -> memref<128x128xf32, #tpu.memory_space<vmem>>
    %dma_start3A_493 = arith.constant 0 : i32
    %dma_start3A_494 = tpu.memref_slice %arg10[%dma_start3A_486, %dma_start3A_493] : memref<8x128xi32, #tpu.memory_space<vmem>> -> memref<1x128xi32, #tpu.memory_space<vmem>>
    %dma_start3A_495 = tpu.memref_squeeze %dma_start3A_494 : memref<1x128xi32, #tpu.memory_space<vmem>> -> memref<128xi32, #tpu.memory_space<vmem>>
    %dma_start3A_496 = arith.constant 0 : i32
    %dma_start3A_497 = arith.constant 0 : i32
    %dma_start3A_498 = tpu.memref_slice %arg6[%dma_start3A_496, %dma_start3A_497] : memref<100000x128xf32, #tpu.memory_space<hbm>> -> memref<100000x128xf32, #tpu.memory_space<hbm>>
    %dma_start3A_499 = tpu.memref_slice %arg19[%dma_start3A_488] : memref<2x!tpu.dma_semaphore, #tpu.memory_space<semaphore_mem>> -> memref<1x!tpu.dma_semaphore, #tpu.memory_space<semaphore_mem>>
    %dma_start3A_500 = tpu.memref_squeeze %dma_start3A_499 : memref<1x!tpu.dma_semaphore, #tpu.memory_space<semaphore_mem>> -> memref<!tpu.dma_semaphore, #tpu.memory_space<semaphore_mem>>
    tpu.enqueue_indirect_dma source(%dma_start3A_498 : memref<100000x128xf32, #tpu.memory_space<hbm>>) target(%dma_start3A_492 : memref<128x128xf32, #tpu.memory_space<vmem>>) offsets(%dma_start3A_495 : memref<128xi32, #tpu.memory_space<vmem>>) semaphore(%dma_start3A_500 : memref<!tpu.dma_semaphore, #tpu.memory_space<semaphore_mem>>)
    %dma_start3A_501 = arith.constant 1 : i32
    %dma_start3A_502 = arith.constant 1 : i32
    %dma_start3A_503 = arith.constant 1 : i32
    %dma_start3A_504 = arith.constant 0 : i32
    %dma_start3A_505 = arith.constant 0 : i32
    %dma_start3A_506 = tpu.memref_slice %arg12[%dma_start3A_502, %dma_start3A_504, %dma_start3A_505] : memref<2x128x128xf32, #tpu.memory_space<vmem>> -> memref<1x128x128xf32, #tpu.memory_space<vmem>>
    %dma_start3A_507 = tpu.memref_squeeze %dma_start3A_506 : memref<1x128x128xf32, #tpu.memory_space<vmem>> -> memref<128x128xf32, #tpu.memory_space<vmem>>
    %dma_start3A_508 = arith.constant 0 : i32
    %dma_start3A_509 = tpu.memref_slice %arg10[%dma_start3A_501, %dma_start3A_508] : memref<8x128xi32, #tpu.memory_space<vmem>> -> memref<1x128xi32, #tpu.memory_space<vmem>>
    %dma_start3A_510 = tpu.memref_squeeze %dma_start3A_509 : memref<1x128xi32, #tpu.memory_space<vmem>> -> memref<128xi32, #tpu.memory_space<vmem>>
    %dma_start3A_511 = arith.constant 0 : i32
    %dma_start3A_512 = arith.constant 0 : i32
    %dma_start3A_513 = tpu.memref_slice %arg5[%dma_start3A_511, %dma_start3A_512] : memref<100000x128xf32, #tpu.memory_space<hbm>> -> memref<100000x128xf32, #tpu.memory_space<hbm>>
    %dma_start3A_514 = tpu.memref_slice %arg19[%dma_start3A_503] : memref<2x!tpu.dma_semaphore, #tpu.memory_space<semaphore_mem>> -> memref<1x!tpu.dma_semaphore, #tpu.memory_space<semaphore_mem>>
    %dma_start3A_515 = tpu.memref_squeeze %dma_start3A_514 : memref<1x!tpu.dma_semaphore, #tpu.memory_space<semaphore_mem>> -> memref<!tpu.dma_semaphore, #tpu.memory_space<semaphore_mem>>
    tpu.enqueue_indirect_dma source(%dma_start3A_513 : memref<100000x128xf32, #tpu.memory_space<hbm>>) target(%dma_start3A_507 : memref<128x128xf32, #tpu.memory_space<vmem>>) offsets(%dma_start3A_510 : memref<128xi32, #tpu.memory_space<vmem>>) semaphore(%dma_start3A_515 : memref<!tpu.dma_semaphore, #tpu.memory_space<semaphore_mem>>)
    %dma_start3A_516 = arith.constant 1 : i32
    %dma_start3A_517 = arith.constant 1 : i32
    %dma_start3A_518 = arith.constant 1 : i32
    %dma_start3A_519 = arith.constant 0 : i32
    %dma_start3A_520 = arith.constant 0 : i32
    %dma_start3A_521 = tpu.memref_slice %arg13[%dma_start3A_517, %dma_start3A_519, %dma_start3A_520] : memref<2x128x128xf32, #tpu.memory_space<vmem>> -> memref<1x128x128xf32, #tpu.memory_space<vmem>>
    %dma_start3A_522 = tpu.memref_squeeze %dma_start3A_521 : memref<1x128x128xf32, #tpu.memory_space<vmem>> -> memref<128x128xf32, #tpu.memory_space<vmem>>
    %dma_start3A_523 = arith.constant 0 : i32
    %dma_start3A_524 = tpu.memref_slice %arg10[%dma_start3A_516, %dma_start3A_523] : memref<8x128xi32, #tpu.memory_space<vmem>> -> memref<1x128xi32, #tpu.memory_space<vmem>>
    %dma_start3A_525 = tpu.memref_squeeze %dma_start3A_524 : memref<1x128xi32, #tpu.memory_space<vmem>> -> memref<128xi32, #tpu.memory_space<vmem>>
    %dma_start3A_526 = arith.constant 0 : i32
    %dma_start3A_527 = arith.constant 0 : i32
    %dma_start3A_528 = tpu.memref_slice %arg6[%dma_start3A_526, %dma_start3A_527] : memref<100000x128xf32, #tpu.memory_space<hbm>> -> memref<100000x128xf32, #tpu.memory_space<hbm>>
    %dma_start3A_529 = tpu.memref_slice %arg19[%dma_start3A_518] : memref<2x!tpu.dma_semaphore, #tpu.memory_space<semaphore_mem>> -> memref<1x!tpu.dma_semaphore, #tpu.memory_space<semaphore_mem>>
    %dma_start3A_530 = tpu.memref_squeeze %dma_start3A_529 : memref<1x!tpu.dma_semaphore, #tpu.memory_space<semaphore_mem>> -> memref<!tpu.dma_semaphore, #tpu.memory_space<semaphore_mem>>
    tpu.enqueue_indirect_dma source(%dma_start3A_528 : memref<100000x128xf32, #tpu.memory_space<hbm>>) target(%dma_start3A_522 : memref<128x128xf32, #tpu.memory_space<vmem>>) offsets(%dma_start3A_525 : memref<128xi32, #tpu.memory_space<vmem>>) semaphore(%dma_start3A_530 : memref<!tpu.dma_semaphore, #tpu.memory_space<semaphore_mem>>)
    %dma_wait3A_531 = arith.constant 0 : i32
    %dma_wait3A_532 = tpu.memref_slice %arg7[%min3A_20, %dma_wait3A_531] : memref<1000x128xf32, #tpu.memory_space<hbm>> -> memref<64x128xf32, #tpu.memory_space<hbm>>
    %dma_wait3A_533 = arith.constant 0 : i32
    %dma_wait3A_534 = tpu.memref_slice %arg7[%min3A_20, %dma_wait3A_533] : memref<1000x128xf32, #tpu.memory_space<hbm>> -> memref<64x128xf32, #tpu.memory_space<hbm>>
    tpu.wait_dma2 semaphore(%arg20 : memref<!tpu.dma_semaphore, #tpu.memory_space<semaphore_mem>>) src(%dma_wait3A_534 : memref<64x128xf32, #tpu.memory_space<hbm>>) dst(%arg16 : memref<64x128xf32, #tpu.memory_space<vmem>>)
    %scan3A = arith.constant 0 : i32
    %scan3A_535 = arith.constant 0 : i32
    %scan3A_536 = arith.constant 64 : i32
    %scan3A_537 = arith.addi %scan3A_535, %scan3A_536 : i32
    %scan3A_538 = arith.constant 1 : i32
    scf.for %scan3A_576 = %scan3A_535 to %scan3A_537 step %scan3A_538  : i32 {
      %get3A = arith.index_cast %scan3A_576 : i32 to index
      %get3A_577 = arith.constant 0 : index
      %get3A_578 = tpu.vector_load %arg16[%get3A, %get3A_577] {strides = array<i32>} : memref<64x128xf32, #tpu.memory_space<vmem>>, vector<1x16xf32>,
      %get3A_579 = vector.shape_cast %get3A_578 : vector<1x16xf32> to vector<16xf32>
      %ge3A = arith.constant 0.000000e+00 : f32
      %ge3A_580 = vector.broadcast %ge3A : f32 to vector<16xf32>
      %ge3A_581 = arith.cmpf oge, %get3A_579, %ge3A_580 : vector<16xf32>
      %jit3A = arith.constant 5.000000e-01 : f32
      %jit3A_582 = arith.constant -5.000000e-01 : f32
      %broadcast_in_dim3A = vector.broadcast %jit3A : f32 to vector<16xf32>
      %broadcast_in_dim3A_583 = vector.broadcast %jit3A_582 : f32 to vector<16xf32>
      %select_n3A = arith.select %ge3A_581, %broadcast_in_dim3A, %broadcast_in_dim3A_583 : vector<16xi1>, vector<16xf32>
      %mul3A_584 = arith.constant 0.159154937 : f32
      %mul3A_585 = vector.broadcast %mul3A_584 : f32 to vector<16xf32>
      %mul3A_586 = arith.mulf %get3A_579, %mul3A_585 : vector<16xf32>
      %add3A_587 = arith.addf %mul3A_586, %select_n3A : vector<16xf32>
      %convert_element_type3A = arith.fptosi %add3A_587 : vector<16xf32> to vector<16xi32>
      %convert_element_type3A_588 = arith.sitofp %convert_element_type3A : vector<16xi32> to vector<16xf32>
      %mul3A_589 = arith.constant 6.28318548 : f32
      %mul3A_590 = vector.broadcast %mul3A_589 : f32 to vector<16xf32>
      %mul3A_591 = arith.mulf %convert_element_type3A_588, %mul3A_590 : vector<16xf32>
      %sub3A = arith.subf %get3A_579, %mul3A_591 : vector<16xf32>
      %mul3A_592 = arith.constant -1.74845553E-7 : f32
      %mul3A_593 = vector.broadcast %mul3A_592 : f32 to vector<16xf32>
      %mul3A_594 = arith.mulf %convert_element_type3A_588, %mul3A_593 : vector<16xf32>
      %sub3A_595 = arith.subf %sub3A, %mul3A_594 : vector<16xf32>
      %mul3A_596 = arith.mulf %sub3A_595, %sub3A_595 : vector<16xf32>
      %broadcast_in_dim3A_597 = arith.constant -1.47736457E-4 : f32
      %broadcast_in_dim3A_598 = vector.broadcast %broadcast_in_dim3A_597 : f32 to vector<16xf32>
      %mul3A_599 = arith.mulf %broadcast_in_dim3A_598, %mul3A_596 : vector<16xf32>
      %add3A_600 = arith.constant 0.0079985205 : f32
      %add3A_601 = vector.broadcast %add3A_600 : f32 to vector<16xf32>
      %add3A_602 = arith.addf %mul3A_599, %add3A_601 : vector<16xf32>
      %mul3A_603 = arith.mulf %add3A_602, %mul3A_596 : vector<16xf32>
      %add3A_604 = arith.constant -0.165838227 : f32
      %add3A_605 = vector.broadcast %add3A_604 : f32 to vector<16xf32>
      %add3A_606 = arith.addf %mul3A_603, %add3A_605 : vector<16xf32>
      %mul3A_607 = arith.mulf %add3A_606, %mul3A_596 : vector<16xf32>
      %add3A_608 = arith.constant 0.999449968 : f32
      %add3A_609 = vector.broadcast %add3A_608 : f32 to vector<16xf32>
      %add3A_610 = arith.addf %mul3A_607, %add3A_609 : vector<16xf32>
      %mul3A_611 = arith.mulf %sub3A_595, %add3A_610 : vector<16xf32>
      %broadcast_in_dim3A_612 = arith.constant 1.90647588E-5 : f32
      %broadcast_in_dim3A_613 = vector.broadcast %broadcast_in_dim3A_612 : f32 to vector<16xf32>
      %mul3A_614 = arith.mulf %broadcast_in_dim3A_613, %mul3A_596 : vector<16xf32>
      %add3A_615 = arith.constant -0.00134409941 : f32
      %add3A_616 = vector.broadcast %add3A_615 : f32 to vector<16xf32>
      %add3A_617 = arith.addf %mul3A_614, %add3A_616 : vector<16xf32>
      %mul3A_618 = arith.mulf %add3A_617, %mul3A_596 : vector<16xf32>
      %add3A_619 = arith.constant 0.0415222682 : f32
      %add3A_620 = vector.broadcast %add3A_619 : f32 to vector<16xf32>
      %add3A_621 = arith.addf %mul3A_618, %add3A_620 : vector<16xf32>
      %mul3A_622 = arith.mulf %add3A_621, %mul3A_596 : vector<16xf32>
      %add3A_623 = arith.constant -0.499837548 : f32
      %add3A_624 = vector.broadcast %add3A_623 : f32 to vector<16xf32>
      %add3A_625 = arith.addf %mul3A_622, %add3A_624 : vector<16xf32>
      %mul3A_626 = arith.mulf %add3A_625, %mul3A_596 : vector<16xf32>
      %add3A_627 = arith.constant 0.999971091 : f32
      %add3A_628 = vector.broadcast %add3A_627 : f32 to vector<16xf32>
      %add3A_629 = arith.addf %mul3A_626, %add3A_628 : vector<16xf32>
      %bitcast_convert_type3A = tpu.bitcast %add3A_629 : vector<16xf32> -> vector<16xi32>
      %add3A_630 = arith.constant 32768 : i32
      %add3A_631 = vector.broadcast %add3A_630 : i32 to vector<16xi32>
      %add3A_632 = arith.addi %bitcast_convert_type3A, %add3A_631 : vector<16xi32>
      %bitcast_convert_type3A_633 = tpu.bitcast %mul3A_611 : vector<16xf32> -> vector<16xi32>
      %add3A_634 = arith.constant 32768 : i32
      %add3A_635 = vector.broadcast %add3A_634 : i32 to vector<16xi32>
      %add3A_636 = arith.addi %bitcast_convert_type3A_633, %add3A_635 : vector<16xi32>
      %and3A = arith.constant -65536 : i32
      %and3A_637 = vector.broadcast %and3A : i32 to vector<16xi32>
      %and3A_638 = arith.andi %add3A_632, %and3A_637 : vector<16xi32>
      %shift_right_logical3A = arith.constant 16 : i32
      %shift_right_logical3A_639 = vector.broadcast %shift_right_logical3A : i32 to vector<16xi32>
      %shift_right_logical3A_640 = arith.shrui %add3A_636, %shift_right_logical3A_639 : vector<16xi32>
      %or3A = arith.ori %and3A_638, %shift_right_logical3A_640 : vector<16xi32>
      %swap3A = arith.index_cast %scan3A_576 : i32 to index
      %swap3A_641 = arith.constant 0 : index
      %swap3A_642 = tpu.vector_load %arg17[%swap3A, %swap3A_641] {strides = array<i32>} : memref<64x128xi32, #tpu.memory_space<vmem>>, vector<1x16xi32>,
      %swap3A_643 = vector.shape_cast %swap3A_642 : vector<1x16xi32> to vector<16xi32>
      %swap3A_644 = vector.shape_cast %or3A : vector<16xi32> to vector<1x16xi32>
      tpu.vector_store %arg17[%swap3A, %swap3A_641], %swap3A_644 {strides = array<i32>} : memref<64x128xi32, #tpu.memory_space<vmem>>, vector<1x16xi32>,
      %get3A_645 = arith.index_cast %scan3A_576 : i32 to index
      %get3A_646 = arith.constant 16 : index
      %get3A_647 = tpu.vector_load %arg16[%get3A_645, %get3A_646] {strides = array<i32>} : memref<64x128xf32, #tpu.memory_space<vmem>>, vector<1x16xf32>,
      %get3A_648 = vector.shape_cast %get3A_647 : vector<1x16xf32> to vector<16xf32>
      %ge3A_649 = arith.constant 0.000000e+00 : f32
      %ge3A_650 = vector.broadcast %ge3A_649 : f32 to vector<16xf32>
      %ge3A_651 = arith.cmpf oge, %get3A_648, %ge3A_650 : vector<16xf32>
      %jit3A_652 = arith.constant 5.000000e-01 : f32
      %jit3A_653 = arith.constant -5.000000e-01 : f32
      %broadcast_in_dim3A_654 = vector.broadcast %jit3A_652 : f32 to vector<16xf32>
      %broadcast_in_dim3A_655 = vector.broadcast %jit3A_653 : f32 to vector<16xf32>
      %select_n3A_656 = arith.select %ge3A_651, %broadcast_in_dim3A_654, %broadcast_in_dim3A_655 : vector<16xi1>, vector<16xf32>
      %mul3A_657 = arith.constant 0.159154937 : f32
      %mul3A_658 = vector.broadcast %mul3A_657 : f32 to vector<16xf32>
      %mul3A_659 = arith.mulf %get3A_648, %mul3A_658 : vector<16xf32>
      %add3A_660 = arith.addf %mul3A_659, %select_n3A_656 : vector<16xf32>
      %convert_element_type3A_661 = arith.fptosi %add3A_660 : vector<16xf32> to vector<16xi32>
      %convert_element_type3A_662 = arith.sitofp %convert_element_type3A_661 : vector<16xi32> to vector<16xf32>
      %mul3A_663 = arith.constant 6.28318548 : f32
      %mul3A_664 = vector.broadcast %mul3A_663 : f32 to vector<16xf32>
      %mul3A_665 = arith.mulf %convert_element_type3A_662, %mul3A_664 : vector<16xf32>
      %sub3A_666 = arith.subf %get3A_648, %mul3A_665 : vector<16xf32>
      %mul3A_667 = arith.constant -1.74845553E-7 : f32
      %mul3A_668 = vector.broadcast %mul3A_667 : f32 to vector<16xf32>
      %mul3A_669 = arith.mulf %convert_element_type3A_662, %mul3A_668 : vector<16xf32>
      %sub3A_670 = arith.subf %sub3A_666, %mul3A_669 : vector<16xf32>
      %mul3A_671 = arith.mulf %sub3A_670, %sub3A_670 : vector<16xf32>
      %broadcast_in_dim3A_672 = arith.constant -1.47736457E-4 : f32
      %broadcast_in_dim3A_673 = vector.broadcast %broadcast_in_dim3A_672 : f32 to vector<16xf32>
      %mul3A_674 = arith.mulf %broadcast_in_dim3A_673, %mul3A_671 : vector<16xf32>
      %add3A_675 = arith.constant 0.0079985205 : f32
      %add3A_676 = vector.broadcast %add3A_675 : f32 to vector<16xf32>
      %add3A_677 = arith.addf %mul3A_674, %add3A_676 : vector<16xf32>
      %mul3A_678 = arith.mulf %add3A_677, %mul3A_671 : vector<16xf32>
      %add3A_679 = arith.constant -0.165838227 : f32
      %add3A_680 = vector.broadcast %add3A_679 : f32 to vector<16xf32>
      %add3A_681 = arith.addf %mul3A_678, %add3A_680 : vector<16xf32>
      %mul3A_682 = arith.mulf %add3A_681, %mul3A_671 : vector<16xf32>
      %add3A_683 = arith.constant 0.999449968 : f32
      %add3A_684 = vector.broadcast %add3A_683 : f32 to vector<16xf32>
      %add3A_685 = arith.addf %mul3A_682, %add3A_684 : vector<16xf32>
      %mul3A_686 = arith.mulf %sub3A_670, %add3A_685 : vector<16xf32>
      %broadcast_in_dim3A_687 = arith.constant 1.90647588E-5 : f32
      %broadcast_in_dim3A_688 = vector.broadcast %broadcast_in_dim3A_687 : f32 to vector<16xf32>
      %mul3A_689 = arith.mulf %broadcast_in_dim3A_688, %mul3A_671 : vector<16xf32>
      %add3A_690 = arith.constant -0.00134409941 : f32
      %add3A_691 = vector.broadcast %add3A_690 : f32 to vector<16xf32>
      %add3A_692 = arith.addf %mul3A_689, %add3A_691 : vector<16xf32>
      %mul3A_693 = arith.mulf %add3A_692, %mul3A_671 : vector<16xf32>
      %add3A_694 = arith.constant 0.0415222682 : f32
      %add3A_695 = vector.broadcast %add3A_694 : f32 to vector<16xf32>
      %add3A_696 = arith.addf %mul3A_693, %add3A_695 : vector<16xf32>
      %mul3A_697 = arith.mulf %add3A_696, %mul3A_671 : vector<16xf32>
      %add3A_698 = arith.constant -0.499837548 : f32
      %add3A_699 = vector.broadcast %add3A_698 : f32 to vector<16xf32>
      %add3A_700 = arith.addf %mul3A_697, %add3A_699 : vector<16xf32>
      %mul3A_701 = arith.mulf %add3A_700, %mul3A_671 : vector<16xf32>
      %add3A_702 = arith.constant 0.999971091 : f32
      %add3A_703 = vector.broadcast %add3A_702 : f32 to vector<16xf32>
      %add3A_704 = arith.addf %mul3A_701, %add3A_703 : vector<16xf32>
      %bitcast_convert_type3A_705 = tpu.bitcast %add3A_704 : vector<16xf32> -> vector<16xi32>
      %add3A_706 = arith.constant 32768 : i32
      %add3A_707 = vector.broadcast %add3A_706 : i32 to vector<16xi32>
      %add3A_708 = arith.addi %bitcast_convert_type3A_705, %add3A_707 : vector<16xi32>
      %bitcast_convert_type3A_709 = tpu.bitcast %mul3A_686 : vector<16xf32> -> vector<16xi32>
      %add3A_710 = arith.constant 32768 : i32
      %add3A_711 = vector.broadcast %add3A_710 : i32 to vector<16xi32>
      %add3A_712 = arith.addi %bitcast_convert_type3A_709, %add3A_711 : vector<16xi32>
      %and3A_713 = arith.constant -65536 : i32
      %and3A_714 = vector.broadcast %and3A_713 : i32 to vector<16xi32>
      %and3A_715 = arith.andi %add3A_708, %and3A_714 : vector<16xi32>
      %shift_right_logical3A_716 = arith.constant 16 : i32
      %shift_right_logical3A_717 = vector.broadcast %shift_right_logical3A_716 : i32 to vector<16xi32>
      %shift_right_logical3A_718 = arith.shrui %add3A_712, %shift_right_logical3A_717 : vector<16xi32>
      %or3A_719 = arith.ori %and3A_715, %shift_right_logical3A_718 : vector<16xi32>
      %swap3A_720 = arith.index_cast %scan3A_576 : i32 to index
      %swap3A_721 = arith.constant 16 : index
      %swap3A_722 = tpu.vector_load %arg17[%swap3A_720, %swap3A_721] {strides = array<i32>} : memref<64x128xi32, #tpu.memory_space<vmem>>, vector<1x16xi32>,
      %swap3A_723 = vector.shape_cast %swap3A_722 : vector<1x16xi32> to vector<16xi32>
      %swap3A_724 = vector.shape_cast %or3A_719 : vector<16xi32> to vector<1x16xi32>
      tpu.vector_store %arg17[%swap3A_720, %swap3A_721], %swap3A_724 {strides = array<i32>} : memref<64x128xi32, #tpu.memory_space<vmem>>, vector<1x16xi32>,
      %get3A_725 = arith.index_cast %scan3A_576 : i32 to index
      %get3A_726 = arith.constant 32 : index
      %get3A_727 = tpu.vector_load %arg16[%get3A_725, %get3A_726] {strides = array<i32>} : memref<64x128xf32, #tpu.memory_space<vmem>>, vector<1x16xf32>,
      %get3A_728 = vector.shape_cast %get3A_727 : vector<1x16xf32> to vector<16xf32>
      %ge3A_729 = arith.constant 0.000000e+00 : f32
      %ge3A_730 = vector.broadcast %ge3A_729 : f32 to vector<16xf32>
      %ge3A_731 = arith.cmpf oge, %get3A_728, %ge3A_730 : vector<16xf32>
      %jit3A_732 = arith.constant 5.000000e-01 : f32
      %jit3A_733 = arith.constant -5.000000e-01 : f32
      %broadcast_in_dim3A_734 = vector.broadcast %jit3A_732 : f32 to vector<16xf32>
      %broadcast_in_dim3A_735 = vector.broadcast %jit3A_733 : f32 to vector<16xf32>
      %select_n3A_736 = arith.select %ge3A_731, %broadcast_in_dim3A_734, %broadcast_in_dim3A_735 : vector<16xi1>, vector<16xf32>
      %mul3A_737 = arith.constant 0.159154937 : f32
      %mul3A_738 = vector.broadcast %mul3A_737 : f32 to vector<16xf32>
      %mul3A_739 = arith.mulf %get3A_728, %mul3A_738 : vector<16xf32>
      %add3A_740 = arith.addf %mul3A_739, %select_n3A_736 : vector<16xf32>
      %convert_element_type3A_741 = arith.fptosi %add3A_740 : vector<16xf32> to vector<16xi32>
      %convert_element_type3A_742 = arith.sitofp %convert_element_type3A_741 : vector<16xi32> to vector<16xf32>
      %mul3A_743 = arith.constant 6.28318548 : f32
      %mul3A_744 = vector.broadcast %mul3A_743 : f32 to vector<16xf32>
      %mul3A_745 = arith.mulf %convert_element_type3A_742, %mul3A_744 : vector<16xf32>
      %sub3A_746 = arith.subf %get3A_728, %mul3A_745 : vector<16xf32>
      %mul3A_747 = arith.constant -1.74845553E-7 : f32
      %mul3A_748 = vector.broadcast %mul3A_747 : f32 to vector<16xf32>
      %mul3A_749 = arith.mulf %convert_element_type3A_742, %mul3A_748 : vector<16xf32>
      %sub3A_750 = arith.subf %sub3A_746, %mul3A_749 : vector<16xf32>
      %mul3A_751 = arith.mulf %sub3A_750, %sub3A_750 : vector<16xf32>
      %broadcast_in_dim3A_752 = arith.constant -1.47736457E-4 : f32
      %broadcast_in_dim3A_753 = vector.broadcast %broadcast_in_dim3A_752 : f32 to vector<16xf32>
      %mul3A_754 = arith.mulf %broadcast_in_dim3A_753, %mul3A_751 : vector<16xf32>
      %add3A_755 = arith.constant 0.0079985205 : f32
      %add3A_756 = vector.broadcast %add3A_755 : f32 to vector<16xf32>
      %add3A_757 = arith.addf %mul3A_754, %add3A_756 : vector<16xf32>
      %mul3A_758 = arith.mulf %add3A_757, %mul3A_751 : vector<16xf32>
      %add3A_759 = arith.constant -0.165838227 : f32
      %add3A_760 = vector.broadcast %add3A_759 : f32 to vector<16xf32>
      %add3A_761 = arith.addf %mul3A_758, %add3A_760 : vector<16xf32>
      %mul3A_762 = arith.mulf %add3A_761, %mul3A_751 : vector<16xf32>
      %add3A_763 = arith.constant 0.999449968 : f32
      %add3A_764 = vector.broadcast %add3A_763 : f32 to vector<16xf32>
      %add3A_765 = arith.addf %mul3A_762, %add3A_764 : vector<16xf32>
      %mul3A_766 = arith.mulf %sub3A_750, %add3A_765 : vector<16xf32>
      %broadcast_in_dim3A_767 = arith.constant 1.90647588E-5 : f32
      %broadcast_in_dim3A_768 = vector.broadcast %broadcast_in_dim3A_767 : f32 to vector<16xf32>
      %mul3A_769 = arith.mulf %broadcast_in_dim3A_768, %mul3A_751 : vector<16xf32>
      %add3A_770 = arith.constant -0.00134409941 : f32
      %add3A_771 = vector.broadcast %add3A_770 : f32 to vector<16xf32>
      %add3A_772 = arith.addf %mul3A_769, %add3A_771 : vector<16xf32>
      %mul3A_773 = arith.mulf %add3A_772, %mul3A_751 : vector<16xf32>
      %add3A_774 = arith.constant 0.0415222682 : f32
      %add3A_775 = vector.broadcast %add3A_774 : f32 to vector<16xf32>
      %add3A_776 = arith.addf %mul3A_773, %add3A_775 : vector<16xf32>
      %mul3A_777 = arith.mulf %add3A_776, %mul3A_751 : vector<16xf32>
      %add3A_778 = arith.constant -0.499837548 : f32
      %add3A_779 = vector.broadcast %add3A_778 : f32 to vector<16xf32>
      %add3A_780 = arith.addf %mul3A_777, %add3A_779 : vector<16xf32>
      %mul3A_781 = arith.mulf %add3A_780, %mul3A_751 : vector<16xf32>
      %add3A_782 = arith.constant 0.999971091 : f32
      %add3A_783 = vector.broadcast %add3A_782 : f32 to vector<16xf32>
      %add3A_784 = arith.addf %mul3A_781, %add3A_783 : vector<16xf32>
      %bitcast_convert_type3A_785 = tpu.bitcast %add3A_784 : vector<16xf32> -> vector<16xi32>
      %add3A_786 = arith.constant 32768 : i32
      %add3A_787 = vector.broadcast %add3A_786 : i32 to vector<16xi32>
      %add3A_788 = arith.addi %bitcast_convert_type3A_785, %add3A_787 : vector<16xi32>
      %bitcast_convert_type3A_789 = tpu.bitcast %mul3A_766 : vector<16xf32> -> vector<16xi32>
      %add3A_790 = arith.constant 32768 : i32
      %add3A_791 = vector.broadcast %add3A_790 : i32 to vector<16xi32>
      %add3A_792 = arith.addi %bitcast_convert_type3A_789, %add3A_791 : vector<16xi32>
      %and3A_793 = arith.constant -65536 : i32
      %and3A_794 = vector.broadcast %and3A_793 : i32 to vector<16xi32>
      %and3A_795 = arith.andi %add3A_788, %and3A_794 : vector<16xi32>
      %shift_right_logical3A_796 = arith.constant 16 : i32
      %shift_right_logical3A_797 = vector.broadcast %shift_right_logical3A_796 : i32 to vector<16xi32>
      %shift_right_logical3A_798 = arith.shrui %add3A_792, %shift_right_logical3A_797 : vector<16xi32>
      %or3A_799 = arith.ori %and3A_795, %shift_right_logical3A_798 : vector<16xi32>
      %swap3A_800 = arith.index_cast %scan3A_576 : i32 to index
      %swap3A_801 = arith.constant 32 : index
      %swap3A_802 = tpu.vector_load %arg17[%swap3A_800, %swap3A_801] {strides = array<i32>} : memref<64x128xi32, #tpu.memory_space<vmem>>, vector<1x16xi32>,
      %swap3A_803 = vector.shape_cast %swap3A_802 : vector<1x16xi32> to vector<16xi32>
      %swap3A_804 = vector.shape_cast %or3A_799 : vector<16xi32> to vector<1x16xi32>
      tpu.vector_store %arg17[%swap3A_800, %swap3A_801], %swap3A_804 {strides = array<i32>} : memref<64x128xi32, #tpu.memory_space<vmem>>, vector<1x16xi32>,
      %get3A_805 = arith.index_cast %scan3A_576 : i32 to index
      %get3A_806 = arith.constant 48 : index
      %get3A_807 = tpu.vector_load %arg16[%get3A_805, %get3A_806] {strides = array<i32>} : memref<64x128xf32, #tpu.memory_space<vmem>>, vector<1x16xf32>,
      %get3A_808 = vector.shape_cast %get3A_807 : vector<1x16xf32> to vector<16xf32>
      %ge3A_809 = arith.constant 0.000000e+00 : f32
      %ge3A_810 = vector.broadcast %ge3A_809 : f32 to vector<16xf32>
      %ge3A_811 = arith.cmpf oge, %get3A_808, %ge3A_810 : vector<16xf32>
      %jit3A_812 = arith.constant 5.000000e-01 : f32
      %jit3A_813 = arith.constant -5.000000e-01 : f32
      %broadcast_in_dim3A_814 = vector.broadcast %jit3A_812 : f32 to vector<16xf32>
      %broadcast_in_dim3A_815 = vector.broadcast %jit3A_813 : f32 to vector<16xf32>
      %select_n3A_816 = arith.select %ge3A_811, %broadcast_in_dim3A_814, %broadcast_in_dim3A_815 : vector<16xi1>, vector<16xf32>
      %mul3A_817 = arith.constant 0.159154937 : f32
      %mul3A_818 = vector.broadcast %mul3A_817 : f32 to vector<16xf32>
      %mul3A_819 = arith.mulf %get3A_808, %mul3A_818 : vector<16xf32>
      %add3A_820 = arith.addf %mul3A_819, %select_n3A_816 : vector<16xf32>
      %convert_element_type3A_821 = arith.fptosi %add3A_820 : vector<16xf32> to vector<16xi32>
      %convert_element_type3A_822 = arith.sitofp %convert_element_type3A_821 : vector<16xi32> to vector<16xf32>
      %mul3A_823 = arith.constant 6.28318548 : f32
      %mul3A_824 = vector.broadcast %mul3A_823 : f32 to vector<16xf32>
      %mul3A_825 = arith.mulf %convert_element_type3A_822, %mul3A_824 : vector<16xf32>
      %sub3A_826 = arith.subf %get3A_808, %mul3A_825 : vector<16xf32>
      %mul3A_827 = arith.constant -1.74845553E-7 : f32
      %mul3A_828 = vector.broadcast %mul3A_827 : f32 to vector<16xf32>
      %mul3A_829 = arith.mulf %convert_element_type3A_822, %mul3A_828 : vector<16xf32>
      %sub3A_830 = arith.subf %sub3A_826, %mul3A_829 : vector<16xf32>
      %mul3A_831 = arith.mulf %sub3A_830, %sub3A_830 : vector<16xf32>
      %broadcast_in_dim3A_832 = arith.constant -1.47736457E-4 : f32
      %broadcast_in_dim3A_833 = vector.broadcast %broadcast_in_dim3A_832 : f32 to vector<16xf32>
      %mul3A_834 = arith.mulf %broadcast_in_dim3A_833, %mul3A_831 : vector<16xf32>
      %add3A_835 = arith.constant 0.0079985205 : f32
      %add3A_836 = vector.broadcast %add3A_835 : f32 to vector<16xf32>
      %add3A_837 = arith.addf %mul3A_834, %add3A_836 : vector<16xf32>
      %mul3A_838 = arith.mulf %add3A_837, %mul3A_831 : vector<16xf32>
      %add3A_839 = arith.constant -0.165838227 : f32
      %add3A_840 = vector.broadcast %add3A_839 : f32 to vector<16xf32>
      %add3A_841 = arith.addf %mul3A_838, %add3A_840 : vector<16xf32>
      %mul3A_842 = arith.mulf %add3A_841, %mul3A_831 : vector<16xf32>
      %add3A_843 = arith.constant 0.999449968 : f32
      %add3A_844 = vector.broadcast %add3A_843 : f32 to vector<16xf32>
      %add3A_845 = arith.addf %mul3A_842, %add3A_844 : vector<16xf32>
      %mul3A_846 = arith.mulf %sub3A_830, %add3A_845 : vector<16xf32>
      %broadcast_in_dim3A_847 = arith.constant 1.90647588E-5 : f32
      %broadcast_in_dim3A_848 = vector.broadcast %broadcast_in_dim3A_847 : f32 to vector<16xf32>
      %mul3A_849 = arith.mulf %broadcast_in_dim3A_848, %mul3A_831 : vector<16xf32>
      %add3A_850 = arith.constant -0.00134409941 : f32
      %add3A_851 = vector.broadcast %add3A_850 : f32 to vector<16xf32>
      %add3A_852 = arith.addf %mul3A_849, %add3A_851 : vector<16xf32>
      %mul3A_853 = arith.mulf %add3A_852, %mul3A_831 : vector<16xf32>
      %add3A_854 = arith.constant 0.0415222682 : f32
      %add3A_855 = vector.broadcast %add3A_854 : f32 to vector<16xf32>
      %add3A_856 = arith.addf %mul3A_853, %add3A_855 : vector<16xf32>
      %mul3A_857 = arith.mulf %add3A_856, %mul3A_831 : vector<16xf32>
      %add3A_858 = arith.constant -0.499837548 : f32
      %add3A_859 = vector.broadcast %add3A_858 : f32 to vector<16xf32>
      %add3A_860 = arith.addf %mul3A_857, %add3A_859 : vector<16xf32>
      %mul3A_861 = arith.mulf %add3A_860, %mul3A_831 : vector<16xf32>
      %add3A_862 = arith.constant 0.999971091 : f32
      %add3A_863 = vector.broadcast %add3A_862 : f32 to vector<16xf32>
      %add3A_864 = arith.addf %mul3A_861, %add3A_863 : vector<16xf32>
      %bitcast_convert_type3A_865 = tpu.bitcast %add3A_864 : vector<16xf32> -> vector<16xi32>
      %add3A_866 = arith.constant 32768 : i32
      %add3A_867 = vector.broadcast %add3A_866 : i32 to vector<16xi32>
      %add3A_868 = arith.addi %bitcast_convert_type3A_865, %add3A_867 : vector<16xi32>
      %bitcast_convert_type3A_869 = tpu.bitcast %mul3A_846 : vector<16xf32> -> vector<16xi32>
      %add3A_870 = arith.constant 32768 : i32
      %add3A_871 = vector.broadcast %add3A_870 : i32 to vector<16xi32>
      %add3A_872 = arith.addi %bitcast_convert_type3A_869, %add3A_871 : vector<16xi32>
      %and3A_873 = arith.constant -65536 : i32
      %and3A_874 = vector.broadcast %and3A_873 : i32 to vector<16xi32>
      %and3A_875 = arith.andi %add3A_868, %and3A_874 : vector<16xi32>
      %shift_right_logical3A_876 = arith.constant 16 : i32
      %shift_right_logical3A_877 = vector.broadcast %shift_right_logical3A_876 : i32 to vector<16xi32>
      %shift_right_logical3A_878 = arith.shrui %add3A_872, %shift_right_logical3A_877 : vector<16xi32>
      %or3A_879 = arith.ori %and3A_875, %shift_right_logical3A_878 : vector<16xi32>
      %swap3A_880 = arith.index_cast %scan3A_576 : i32 to index
      %swap3A_881 = arith.constant 48 : index
      %swap3A_882 = tpu.vector_load %arg17[%swap3A_880, %swap3A_881] {strides = array<i32>} : memref<64x128xi32, #tpu.memory_space<vmem>>, vector<1x16xi32>,
      %swap3A_883 = vector.shape_cast %swap3A_882 : vector<1x16xi32> to vector<16xi32>
      %swap3A_884 = vector.shape_cast %or3A_879 : vector<16xi32> to vector<1x16xi32>
      tpu.vector_store %arg17[%swap3A_880, %swap3A_881], %swap3A_884 {strides = array<i32>} : memref<64x128xi32, #tpu.memory_space<vmem>>, vector<1x16xi32>,
      %get3A_885 = arith.index_cast %scan3A_576 : i32 to index
      %get3A_886 = arith.constant 64 : index
      %get3A_887 = tpu.vector_load %arg16[%get3A_885, %get3A_886] {strides = array<i32>} : memref<64x128xf32, #tpu.memory_space<vmem>>, vector<1x16xf32>,
      %get3A_888 = vector.shape_cast %get3A_887 : vector<1x16xf32> to vector<16xf32>
      %ge3A_889 = arith.constant 0.000000e+00 : f32
      %ge3A_890 = vector.broadcast %ge3A_889 : f32 to vector<16xf32>
      %ge3A_891 = arith.cmpf oge, %get3A_888, %ge3A_890 : vector<16xf32>
      %jit3A_892 = arith.constant 5.000000e-01 : f32
      %jit3A_893 = arith.constant -5.000000e-01 : f32
      %broadcast_in_dim3A_894 = vector.broadcast %jit3A_892 : f32 to vector<16xf32>
      %broadcast_in_dim3A_895 = vector.broadcast %jit3A_893 : f32 to vector<16xf32>
      %select_n3A_896 = arith.select %ge3A_891, %broadcast_in_dim3A_894, %broadcast_in_dim3A_895 : vector<16xi1>, vector<16xf32>
      %mul3A_897 = arith.constant 0.159154937 : f32
      %mul3A_898 = vector.broadcast %mul3A_897 : f32 to vector<16xf32>
      %mul3A_899 = arith.mulf %get3A_888, %mul3A_898 : vector<16xf32>
      %add3A_900 = arith.addf %mul3A_899, %select_n3A_896 : vector<16xf32>
      %convert_element_type3A_901 = arith.fptosi %add3A_900 : vector<16xf32> to vector<16xi32>
      %convert_element_type3A_902 = arith.sitofp %convert_element_type3A_901 : vector<16xi32> to vector<16xf32>
      %mul3A_903 = arith.constant 6.28318548 : f32
      %mul3A_904 = vector.broadcast %mul3A_903 : f32 to vector<16xf32>
      %mul3A_905 = arith.mulf %convert_element_type3A_902, %mul3A_904 : vector<16xf32>
      %sub3A_906 = arith.subf %get3A_888, %mul3A_905 : vector<16xf32>
      %mul3A_907 = arith.constant -1.74845553E-7 : f32
      %mul3A_908 = vector.broadcast %mul3A_907 : f32 to vector<16xf32>
      %mul3A_909 = arith.mulf %convert_element_type3A_902, %mul3A_908 : vector<16xf32>
      %sub3A_910 = arith.subf %sub3A_906, %mul3A_909 : vector<16xf32>
      %mul3A_911 = arith.mulf %sub3A_910, %sub3A_910 : vector<16xf32>
      %broadcast_in_dim3A_912 = arith.constant -1.47736457E-4 : f32
      %broadcast_in_dim3A_913 = vector.broadcast %broadcast_in_dim3A_912 : f32 to vector<16xf32>
      %mul3A_914 = arith.mulf %broadcast_in_dim3A_913, %mul3A_911 : vector<16xf32>
      %add3A_915 = arith.constant 0.0079985205 : f32
      %add3A_916 = vector.broadcast %add3A_915 : f32 to vector<16xf32>
      %add3A_917 = arith.addf %mul3A_914, %add3A_916 : vector<16xf32>
      %mul3A_918 = arith.mulf %add3A_917, %mul3A_911 : vector<16xf32>
      %add3A_919 = arith.constant -0.165838227 : f32
      %add3A_920 = vector.broadcast %add3A_919 : f32 to vector<16xf32>
      %add3A_921 = arith.addf %mul3A_918, %add3A_920 : vector<16xf32>
      %mul3A_922 = arith.mulf %add3A_921, %mul3A_911 : vector<16xf32>
      %add3A_923 = arith.constant 0.999449968 : f32
      %add3A_924 = vector.broadcast %add3A_923 : f32 to vector<16xf32>
      %add3A_925 = arith.addf %mul3A_922, %add3A_924 : vector<16xf32>
      %mul3A_926 = arith.mulf %sub3A_910, %add3A_925 : vector<16xf32>
      %broadcast_in_dim3A_927 = arith.constant 1.90647588E-5 : f32
      %broadcast_in_dim3A_928 = vector.broadcast %broadcast_in_dim3A_927 : f32 to vector<16xf32>
      %mul3A_929 = arith.mulf %broadcast_in_dim3A_928, %mul3A_911 : vector<16xf32>
      %add3A_930 = arith.constant -0.00134409941 : f32
      %add3A_931 = vector.broadcast %add3A_930 : f32 to vector<16xf32>
      %add3A_932 = arith.addf %mul3A_929, %add3A_931 : vector<16xf32>
      %mul3A_933 = arith.mulf %add3A_932, %mul3A_911 : vector<16xf32>
      %add3A_934 = arith.constant 0.0415222682 : f32
      %add3A_935 = vector.broadcast %add3A_934 : f32 to vector<16xf32>
      %add3A_936 = arith.addf %mul3A_933, %add3A_935 : vector<16xf32>
      %mul3A_937 = arith.mulf %add3A_936, %mul3A_911 : vector<16xf32>
      %add3A_938 = arith.constant -0.499837548 : f32
      %add3A_939 = vector.broadcast %add3A_938 : f32 to vector<16xf32>
      %add3A_940 = arith.addf %mul3A_937, %add3A_939 : vector<16xf32>
      %mul3A_941 = arith.mulf %add3A_940, %mul3A_911 : vector<16xf32>
      %add3A_942 = arith.constant 0.999971091 : f32
      %add3A_943 = vector.broadcast %add3A_942 : f32 to vector<16xf32>
      %add3A_944 = arith.addf %mul3A_941, %add3A_943 : vector<16xf32>
      %bitcast_convert_type3A_945 = tpu.bitcast %add3A_944 : vector<16xf32> -> vector<16xi32>
      %add3A_946 = arith.constant 32768 : i32
      %add3A_947 = vector.broadcast %add3A_946 : i32 to vector<16xi32>
      %add3A_948 = arith.addi %bitcast_convert_type3A_945, %add3A_947 : vector<16xi32>
      %bitcast_convert_type3A_949 = tpu.bitcast %mul3A_926 : vector<16xf32> -> vector<16xi32>
      %add3A_950 = arith.constant 32768 : i32
      %add3A_951 = vector.broadcast %add3A_950 : i32 to vector<16xi32>
      %add3A_952 = arith.addi %bitcast_convert_type3A_949, %add3A_951 : vector<16xi32>
      %and3A_953 = arith.constant -65536 : i32
      %and3A_954 = vector.broadcast %and3A_953 : i32 to vector<16xi32>
      %and3A_955 = arith.andi %add3A_948, %and3A_954 : vector<16xi32>
      %shift_right_logical3A_956 = arith.constant 16 : i32
      %shift_right_logical3A_957 = vector.broadcast %shift_right_logical3A_956 : i32 to vector<16xi32>
      %shift_right_logical3A_958 = arith.shrui %add3A_952, %shift_right_logical3A_957 : vector<16xi32>
      %or3A_959 = arith.ori %and3A_955, %shift_right_logical3A_958 : vector<16xi32>
      %swap3A_960 = arith.index_cast %scan3A_576 : i32 to index
      %swap3A_961 = arith.constant 64 : index
      %swap3A_962 = tpu.vector_load %arg17[%swap3A_960, %swap3A_961] {strides = array<i32>} : memref<64x128xi32, #tpu.memory_space<vmem>>, vector<1x16xi32>,
      %swap3A_963 = vector.shape_cast %swap3A_962 : vector<1x16xi32> to vector<16xi32>
      %swap3A_964 = vector.shape_cast %or3A_959 : vector<16xi32> to vector<1x16xi32>
      tpu.vector_store %arg17[%swap3A_960, %swap3A_961], %swap3A_964 {strides = array<i32>} : memref<64x128xi32, #tpu.memory_space<vmem>>, vector<1x16xi32>,
      %get3A_965 = arith.index_cast %scan3A_576 : i32 to index
      %get3A_966 = arith.constant 80 : index
      %get3A_967 = tpu.vector_load %arg16[%get3A_965, %get3A_966] {strides = array<i32>} : memref<64x128xf32, #tpu.memory_space<vmem>>, vector<1x16xf32>,
      %get3A_968 = vector.shape_cast %get3A_967 : vector<1x16xf32> to vector<16xf32>
      %ge3A_969 = arith.constant 0.000000e+00 : f32
      %ge3A_970 = vector.broadcast %ge3A_969 : f32 to vector<16xf32>
      %ge3A_971 = arith.cmpf oge, %get3A_968, %ge3A_970 : vector<16xf32>
      %jit3A_972 = arith.constant 5.000000e-01 : f32
      %jit3A_973 = arith.constant -5.000000e-01 : f32
      %broadcast_in_dim3A_974 = vector.broadcast %jit3A_972 : f32 to vector<16xf32>
      %broadcast_in_dim3A_975 = vector.broadcast %jit3A_973 : f32 to vector<16xf32>
      %select_n3A_976 = arith.select %ge3A_971, %broadcast_in_dim3A_974, %broadcast_in_dim3A_975 : vector<16xi1>, vector<16xf32>
      %mul3A_977 = arith.constant 0.159154937 : f32
      %mul3A_978 = vector.broadcast %mul3A_977 : f32 to vector<16xf32>
      %mul3A_979 = arith.mulf %get3A_968, %mul3A_978 : vector<16xf32>
      %add3A_980 = arith.addf %mul3A_979, %select_n3A_976 : vector<16xf32>
      %convert_element_type3A_981 = arith.fptosi %add3A_980 : vector<16xf32> to vector<16xi32>
      %convert_element_type3A_982 = arith.sitofp %convert_element_type3A_981 : vector<16xi32> to vector<16xf32>
      %mul3A_983 = arith.constant 6.28318548 : f32
      %mul3A_984 = vector.broadcast %mul3A_983 : f32 to vector<16xf32>
      %mul3A_985 = arith.mulf %convert_element_type3A_982, %mul3A_984 : vector<16xf32>
      %sub3A_986 = arith.subf %get3A_968, %mul3A_985 : vector<16xf32>
      %mul3A_987 = arith.constant -1.74845553E-7 : f32
      %mul3A_988 = vector.broadcast %mul3A_987 : f32 to vector<16xf32>
      %mul3A_989 = arith.mulf %convert_element_type3A_982, %mul3A_988 : vector<16xf32>
      %sub3A_990 = arith.subf %sub3A_986, %mul3A_989 : vector<16xf32>
      %mul3A_991 = arith.mulf %sub3A_990, %sub3A_990 : vector<16xf32>
      %broadcast_in_dim3A_992 = arith.constant -1.47736457E-4 : f32
      %broadcast_in_dim3A_993 = vector.broadcast %broadcast_in_dim3A_992 : f32 to vector<16xf32>
      %mul3A_994 = arith.mulf %broadcast_in_dim3A_993, %mul3A_991 : vector<16xf32>
      %add3A_995 = arith.constant 0.0079985205 : f32
      %add3A_996 = vector.broadcast %add3A_995 : f32 to vector<16xf32>
      %add3A_997 = arith.addf %mul3A_994, %add3A_996 : vector<16xf32>
      %mul3A_998 = arith.mulf %add3A_997, %mul3A_991 : vector<16xf32>
      %add3A_999 = arith.constant -0.165838227 : f32
      %add3A_1000 = vector.broadcast %add3A_999 : f32 to vector<16xf32>
      %add3A_1001 = arith.addf %mul3A_998, %add3A_1000 : vector<16xf32>
      %mul3A_1002 = arith.mulf %add3A_1001, %mul3A_991 : vector<16xf32>
      %add3A_1003 = arith.constant 0.999449968 : f32
      %add3A_1004 = vector.broadcast %add3A_1003 : f32 to vector<16xf32>
      %add3A_1005 = arith.addf %mul3A_1002, %add3A_1004 : vector<16xf32>
      %mul3A_1006 = arith.mulf %sub3A_990, %add3A_1005 : vector<16xf32>
      %broadcast_in_dim3A_1007 = arith.constant 1.90647588E-5 : f32
      %broadcast_in_dim3A_1008 = vector.broadcast %broadcast_in_dim3A_1007 : f32 to vector<16xf32>
      %mul3A_1009 = arith.mulf %broadcast_in_dim3A_1008, %mul3A_991 : vector<16xf32>
      %add3A_1010 = arith.constant -0.00134409941 : f32
      %add3A_1011 = vector.broadcast %add3A_1010 : f32 to vector<16xf32>
      %add3A_1012 = arith.addf %mul3A_1009, %add3A_1011 : vector<16xf32>
      %mul3A_1013 = arith.mulf %add3A_1012, %mul3A_991 : vector<16xf32>
      %add3A_1014 = arith.constant 0.0415222682 : f32
      %add3A_1015 = vector.broadcast %add3A_1014 : f32 to vector<16xf32>
      %add3A_1016 = arith.addf %mul3A_1013, %add3A_1015 : vector<16xf32>
      %mul3A_1017 = arith.mulf %add3A_1016, %mul3A_991 : vector<16xf32>
      %add3A_1018 = arith.constant -0.499837548 : f32
      %add3A_1019 = vector.broadcast %add3A_1018 : f32 to vector<16xf32>
      %add3A_1020 = arith.addf %mul3A_1017, %add3A_1019 : vector<16xf32>
      %mul3A_1021 = arith.mulf %add3A_1020, %mul3A_991 : vector<16xf32>
      %add3A_1022 = arith.constant 0.999971091 : f32
      %add3A_1023 = vector.broadcast %add3A_1022 : f32 to vector<16xf32>
      %add3A_1024 = arith.addf %mul3A_1021, %add3A_1023 : vector<16xf32>
      %bitcast_convert_type3A_1025 = tpu.bitcast %add3A_1024 : vector<16xf32> -> vector<16xi32>
      %add3A_1026 = arith.constant 32768 : i32
      %add3A_1027 = vector.broadcast %add3A_1026 : i32 to vector<16xi32>
      %add3A_1028 = arith.addi %bitcast_convert_type3A_1025, %add3A_1027 : vector<16xi32>
      %bitcast_convert_type3A_1029 = tpu.bitcast %mul3A_1006 : vector<16xf32> -> vector<16xi32>
      %add3A_1030 = arith.constant 32768 : i32
      %add3A_1031 = vector.broadcast %add3A_1030 : i32 to vector<16xi32>
      %add3A_1032 = arith.addi %bitcast_convert_type3A_1029, %add3A_1031 : vector<16xi32>
      %and3A_1033 = arith.constant -65536 : i32
      %and3A_1034 = vector.broadcast %and3A_1033 : i32 to vector<16xi32>
      %and3A_1035 = arith.andi %add3A_1028, %and3A_1034 : vector<16xi32>
      %shift_right_logical3A_1036 = arith.constant 16 : i32
      %shift_right_logical3A_1037 = vector.broadcast %shift_right_logical3A_1036 : i32 to vector<16xi32>
      %shift_right_logical3A_1038 = arith.shrui %add3A_1032, %shift_right_logical3A_1037 : vector<16xi32>
      %or3A_1039 = arith.ori %and3A_1035, %shift_right_logical3A_1038 : vector<16xi32>
      %swap3A_1040 = arith.index_cast %scan3A_576 : i32 to index
      %swap3A_1041 = arith.constant 80 : index
      %swap3A_1042 = tpu.vector_load %arg17[%swap3A_1040, %swap3A_1041] {strides = array<i32>} : memref<64x128xi32, #tpu.memory_space<vmem>>, vector<1x16xi32>,
      %swap3A_1043 = vector.shape_cast %swap3A_1042 : vector<1x16xi32> to vector<16xi32>
      %swap3A_1044 = vector.shape_cast %or3A_1039 : vector<16xi32> to vector<1x16xi32>
      tpu.vector_store %arg17[%swap3A_1040, %swap3A_1041], %swap3A_1044 {strides = array<i32>} : memref<64x128xi32, #tpu.memory_space<vmem>>, vector<1x16xi32>,
      %get3A_1045 = arith.index_cast %scan3A_576 : i32 to index
      %get3A_1046 = arith.constant 96 : index
      %get3A_1047 = tpu.vector_load %arg16[%get3A_1045, %get3A_1046] {strides = array<i32>} : memref<64x128xf32, #tpu.memory_space<vmem>>, vector<1x16xf32>,
      %get3A_1048 = vector.shape_cast %get3A_1047 : vector<1x16xf32> to vector<16xf32>
      %ge3A_1049 = arith.constant 0.000000e+00 : f32
      %ge3A_1050 = vector.broadcast %ge3A_1049 : f32 to vector<16xf32>
      %ge3A_1051 = arith.cmpf oge, %get3A_1048, %ge3A_1050 : vector<16xf32>
      %jit3A_1052 = arith.constant 5.000000e-01 : f32
      %jit3A_1053 = arith.constant -5.000000e-01 : f32
      %broadcast_in_dim3A_1054 = vector.broadcast %jit3A_1052 : f32 to vector<16xf32>
      %broadcast_in_dim3A_1055 = vector.broadcast %jit3A_1053 : f32 to vector<16xf32>
      %select_n3A_1056 = arith.select %ge3A_1051, %broadcast_in_dim3A_1054, %broadcast_in_dim3A_1055 : vector<16xi1>, vector<16xf32>
      %mul3A_1057 = arith.constant 0.159154937 : f32
      %mul3A_1058 = vector.broadcast %mul3A_1057 : f32 to vector<16xf32>
      %mul3A_1059 = arith.mulf %get3A_1048, %mul3A_1058 : vector<16xf32>
      %add3A_1060 = arith.addf %mul3A_1059, %select_n3A_1056 : vector<16xf32>
      %convert_element_type3A_1061 = arith.fptosi %add3A_1060 : vector<16xf32> to vector<16xi32>
      %convert_element_type3A_1062 = arith.sitofp %convert_element_type3A_1061 : vector<16xi32> to vector<16xf32>
      %mul3A_1063 = arith.constant 6.28318548 : f32
      %mul3A_1064 = vector.broadcast %mul3A_1063 : f32 to vector<16xf32>
      %mul3A_1065 = arith.mulf %convert_element_type3A_1062, %mul3A_1064 : vector<16xf32>
      %sub3A_1066 = arith.subf %get3A_1048, %mul3A_1065 : vector<16xf32>
      %mul3A_1067 = arith.constant -1.74845553E-7 : f32
      %mul3A_1068 = vector.broadcast %mul3A_1067 : f32 to vector<16xf32>
      %mul3A_1069 = arith.mulf %convert_element_type3A_1062, %mul3A_1068 : vector<16xf32>
      %sub3A_1070 = arith.subf %sub3A_1066, %mul3A_1069 : vector<16xf32>
      %mul3A_1071 = arith.mulf %sub3A_1070, %sub3A_1070 : vector<16xf32>
      %broadcast_in_dim3A_1072 = arith.constant -1.47736457E-4 : f32
      %broadcast_in_dim3A_1073 = vector.broadcast %broadcast_in_dim3A_1072 : f32 to vector<16xf32>
      %mul3A_1074 = arith.mulf %broadcast_in_dim3A_1073, %mul3A_1071 : vector<16xf32>
      %add3A_1075 = arith.constant 0.0079985205 : f32
      %add3A_1076 = vector.broadcast %add3A_1075 : f32 to vector<16xf32>
      %add3A_1077 = arith.addf %mul3A_1074, %add3A_1076 : vector<16xf32>
      %mul3A_1078 = arith.mulf %add3A_1077, %mul3A_1071 : vector<16xf32>
      %add3A_1079 = arith.constant -0.165838227 : f32
      %add3A_1080 = vector.broadcast %add3A_1079 : f32 to vector<16xf32>
      %add3A_1081 = arith.addf %mul3A_1078, %add3A_1080 : vector<16xf32>
      %mul3A_1082 = arith.mulf %add3A_1081, %mul3A_1071 : vector<16xf32>
      %add3A_1083 = arith.constant 0.999449968 : f32
      %add3A_1084 = vector.broadcast %add3A_1083 : f32 to vector<16xf32>
      %add3A_1085 = arith.addf %mul3A_1082, %add3A_1084 : vector<16xf32>
      %mul3A_1086 = arith.mulf %sub3A_1070, %add3A_1085 : vector<16xf32>
      %broadcast_in_dim3A_1087 = arith.constant 1.90647588E-5 : f32
      %broadcast_in_dim3A_1088 = vector.broadcast %broadcast_in_dim3A_1087 : f32 to vector<16xf32>
      %mul3A_1089 = arith.mulf %broadcast_in_dim3A_1088, %mul3A_1071 : vector<16xf32>
      %add3A_1090 = arith.constant -0.00134409941 : f32
      %add3A_1091 = vector.broadcast %add3A_1090 : f32 to vector<16xf32>
      %add3A_1092 = arith.addf %mul3A_1089, %add3A_1091 : vector<16xf32>
      %mul3A_1093 = arith.mulf %add3A_1092, %mul3A_1071 : vector<16xf32>
      %add3A_1094 = arith.constant 0.0415222682 : f32
      %add3A_1095 = vector.broadcast %add3A_1094 : f32 to vector<16xf32>
      %add3A_1096 = arith.addf %mul3A_1093, %add3A_1095 : vector<16xf32>
      %mul3A_1097 = arith.mulf %add3A_1096, %mul3A_1071 : vector<16xf32>
      %add3A_1098 = arith.constant -0.499837548 : f32
      %add3A_1099 = vector.broadcast %add3A_1098 : f32 to vector<16xf32>
      %add3A_1100 = arith.addf %mul3A_1097, %add3A_1099 : vector<16xf32>
      %mul3A_1101 = arith.mulf %add3A_1100, %mul3A_1071 : vector<16xf32>
      %add3A_1102 = arith.constant 0.999971091 : f32
      %add3A_1103 = vector.broadcast %add3A_1102 : f32 to vector<16xf32>
      %add3A_1104 = arith.addf %mul3A_1101, %add3A_1103 : vector<16xf32>
      %bitcast_convert_type3A_1105 = tpu.bitcast %add3A_1104 : vector<16xf32> -> vector<16xi32>
      %add3A_1106 = arith.constant 32768 : i32
      %add3A_1107 = vector.broadcast %add3A_1106 : i32 to vector<16xi32>
      %add3A_1108 = arith.addi %bitcast_convert_type3A_1105, %add3A_1107 : vector<16xi32>
      %bitcast_convert_type3A_1109 = tpu.bitcast %mul3A_1086 : vector<16xf32> -> vector<16xi32>
      %add3A_1110 = arith.constant 32768 : i32
      %add3A_1111 = vector.broadcast %add3A_1110 : i32 to vector<16xi32>
      %add3A_1112 = arith.addi %bitcast_convert_type3A_1109, %add3A_1111 : vector<16xi32>
      %and3A_1113 = arith.constant -65536 : i32
      %and3A_1114 = vector.broadcast %and3A_1113 : i32 to vector<16xi32>
      %and3A_1115 = arith.andi %add3A_1108, %and3A_1114 : vector<16xi32>
      %shift_right_logical3A_1116 = arith.constant 16 : i32
      %shift_right_logical3A_1117 = vector.broadcast %shift_right_logical3A_1116 : i32 to vector<16xi32>
      %shift_right_logical3A_1118 = arith.shrui %add3A_1112, %shift_right_logical3A_1117 : vector<16xi32>
      %or3A_1119 = arith.ori %and3A_1115, %shift_right_logical3A_1118 : vector<16xi32>
      %swap3A_1120 = arith.index_cast %scan3A_576 : i32 to index
      %swap3A_1121 = arith.constant 96 : index
      %swap3A_1122 = tpu.vector_load %arg17[%swap3A_1120, %swap3A_1121] {strides = array<i32>} : memref<64x128xi32, #tpu.memory_space<vmem>>, vector<1x16xi32>,
      %swap3A_1123 = vector.shape_cast %swap3A_1122 : vector<1x16xi32> to vector<16xi32>
      %swap3A_1124 = vector.shape_cast %or3A_1119 : vector<16xi32> to vector<1x16xi32>
      tpu.vector_store %arg17[%swap3A_1120, %swap3A_1121], %swap3A_1124 {strides = array<i32>} : memref<64x128xi32, #tpu.memory_space<vmem>>, vector<1x16xi32>,
      %get3A_1125 = arith.index_cast %scan3A_576 : i32 to index
      %get3A_1126 = arith.constant 112 : index
      %get3A_1127 = tpu.vector_load %arg16[%get3A_1125, %get3A_1126] {strides = array<i32>} : memref<64x128xf32, #tpu.memory_space<vmem>>, vector<1x16xf32>,
      %get3A_1128 = vector.shape_cast %get3A_1127 : vector<1x16xf32> to vector<16xf32>
      %ge3A_1129 = arith.constant 0.000000e+00 : f32
      %ge3A_1130 = vector.broadcast %ge3A_1129 : f32 to vector<16xf32>
      %ge3A_1131 = arith.cmpf oge, %get3A_1128, %ge3A_1130 : vector<16xf32>
      %jit3A_1132 = arith.constant 5.000000e-01 : f32
      %jit3A_1133 = arith.constant -5.000000e-01 : f32
      %broadcast_in_dim3A_1134 = vector.broadcast %jit3A_1132 : f32 to vector<16xf32>
      %broadcast_in_dim3A_1135 = vector.broadcast %jit3A_1133 : f32 to vector<16xf32>
      %select_n3A_1136 = arith.select %ge3A_1131, %broadcast_in_dim3A_1134, %broadcast_in_dim3A_1135 : vector<16xi1>, vector<16xf32>
      %mul3A_1137 = arith.constant 0.159154937 : f32
      %mul3A_1138 = vector.broadcast %mul3A_1137 : f32 to vector<16xf32>
      %mul3A_1139 = arith.mulf %get3A_1128, %mul3A_1138 : vector<16xf32>
      %add3A_1140 = arith.addf %mul3A_1139, %select_n3A_1136 : vector<16xf32>
      %convert_element_type3A_1141 = arith.fptosi %add3A_1140 : vector<16xf32> to vector<16xi32>
      %convert_element_type3A_1142 = arith.sitofp %convert_element_type3A_1141 : vector<16xi32> to vector<16xf32>
      %mul3A_1143 = arith.constant 6.28318548 : f32
      %mul3A_1144 = vector.broadcast %mul3A_1143 : f32 to vector<16xf32>
      %mul3A_1145 = arith.mulf %convert_element_type3A_1142, %mul3A_1144 : vector<16xf32>
      %sub3A_1146 = arith.subf %get3A_1128, %mul3A_1145 : vector<16xf32>
      %mul3A_1147 = arith.constant -1.74845553E-7 : f32
      %mul3A_1148 = vector.broadcast %mul3A_1147 : f32 to vector<16xf32>
      %mul3A_1149 = arith.mulf %convert_element_type3A_1142, %mul3A_1148 : vector<16xf32>
      %sub3A_1150 = arith.subf %sub3A_1146, %mul3A_1149 : vector<16xf32>
      %mul3A_1151 = arith.mulf %sub3A_1150, %sub3A_1150 : vector<16xf32>
      %broadcast_in_dim3A_1152 = arith.constant -1.47736457E-4 : f32
      %broadcast_in_dim3A_1153 = vector.broadcast %broadcast_in_dim3A_1152 : f32 to vector<16xf32>
      %mul3A_1154 = arith.mulf %broadcast_in_dim3A_1153, %mul3A_1151 : vector<16xf32>
      %add3A_1155 = arith.constant 0.0079985205 : f32
      %add3A_1156 = vector.broadcast %add3A_1155 : f32 to vector<16xf32>
      %add3A_1157 = arith.addf %mul3A_1154, %add3A_1156 : vector<16xf32>
      %mul3A_1158 = arith.mulf %add3A_1157, %mul3A_1151 : vector<16xf32>
      %add3A_1159 = arith.constant -0.165838227 : f32
      %add3A_1160 = vector.broadcast %add3A_1159 : f32 to vector<16xf32>
      %add3A_1161 = arith.addf %mul3A_1158, %add3A_1160 : vector<16xf32>
      %mul3A_1162 = arith.mulf %add3A_1161, %mul3A_1151 : vector<16xf32>
      %add3A_1163 = arith.constant 0.999449968 : f32
      %add3A_1164 = vector.broadcast %add3A_1163 : f32 to vector<16xf32>
      %add3A_1165 = arith.addf %mul3A_1162, %add3A_1164 : vector<16xf32>
      %mul3A_1166 = arith.mulf %sub3A_1150, %add3A_1165 : vector<16xf32>
      %broadcast_in_dim3A_1167 = arith.constant 1.90647588E-5 : f32
      %broadcast_in_dim3A_1168 = vector.broadcast %broadcast_in_dim3A_1167 : f32 to vector<16xf32>
      %mul3A_1169 = arith.mulf %broadcast_in_dim3A_1168, %mul3A_1151 : vector<16xf32>
      %add3A_1170 = arith.constant -0.00134409941 : f32
      %add3A_1171 = vector.broadcast %add3A_1170 : f32 to vector<16xf32>
      %add3A_1172 = arith.addf %mul3A_1169, %add3A_1171 : vector<16xf32>
      %mul3A_1173 = arith.mulf %add3A_1172, %mul3A_1151 : vector<16xf32>
      %add3A_1174 = arith.constant 0.0415222682 : f32
      %add3A_1175 = vector.broadcast %add3A_1174 : f32 to vector<16xf32>
      %add3A_1176 = arith.addf %mul3A_1173, %add3A_1175 : vector<16xf32>
      %mul3A_1177 = arith.mulf %add3A_1176, %mul3A_1151 : vector<16xf32>
      %add3A_1178 = arith.constant -0.499837548 : f32
      %add3A_1179 = vector.broadcast %add3A_1178 : f32 to vector<16xf32>
      %add3A_1180 = arith.addf %mul3A_1177, %add3A_1179 : vector<16xf32>
      %mul3A_1181 = arith.mulf %add3A_1180, %mul3A_1151 : vector<16xf32>
      %add3A_1182 = arith.constant 0.999971091 : f32
      %add3A_1183 = vector.broadcast %add3A_1182 : f32 to vector<16xf32>
      %add3A_1184 = arith.addf %mul3A_1181, %add3A_1183 : vector<16xf32>
      %bitcast_convert_type3A_1185 = tpu.bitcast %add3A_1184 : vector<16xf32> -> vector<16xi32>
      %add3A_1186 = arith.constant 32768 : i32
      %add3A_1187 = vector.broadcast %add3A_1186 : i32 to vector<16xi32>
      %add3A_1188 = arith.addi %bitcast_convert_type3A_1185, %add3A_1187 : vector<16xi32>
      %bitcast_convert_type3A_1189 = tpu.bitcast %mul3A_1166 : vector<16xf32> -> vector<16xi32>
      %add3A_1190 = arith.constant 32768 : i32
      %add3A_1191 = vector.broadcast %add3A_1190 : i32 to vector<16xi32>
      %add3A_1192 = arith.addi %bitcast_convert_type3A_1189, %add3A_1191 : vector<16xi32>
      %and3A_1193 = arith.constant -65536 : i32
      %and3A_1194 = vector.broadcast %and3A_1193 : i32 to vector<16xi32>
      %and3A_1195 = arith.andi %add3A_1188, %and3A_1194 : vector<16xi32>
      %shift_right_logical3A_1196 = arith.constant 16 : i32
      %shift_right_logical3A_1197 = vector.broadcast %shift_right_logical3A_1196 : i32 to vector<16xi32>
      %shift_right_logical3A_1198 = arith.shrui %add3A_1192, %shift_right_logical3A_1197 : vector<16xi32>
      %or3A_1199 = arith.ori %and3A_1195, %shift_right_logical3A_1198 : vector<16xi32>
      %swap3A_1200 = arith.index_cast %scan3A_576 : i32 to index
      %swap3A_1201 = arith.constant 112 : index
      %swap3A_1202 = tpu.vector_load %arg17[%swap3A_1200, %swap3A_1201] {strides = array<i32>} : memref<64x128xi32, #tpu.memory_space<vmem>>, vector<1x16xi32>,
      %swap3A_1203 = vector.shape_cast %swap3A_1202 : vector<1x16xi32> to vector<16xi32>
      %swap3A_1204 = vector.shape_cast %or3A_1199 : vector<16xi32> to vector<1x16xi32>
      tpu.vector_store %arg17[%swap3A_1200, %swap3A_1201], %swap3A_1204 {strides = array<i32>} : memref<64x128xi32, #tpu.memory_space<vmem>>, vector<1x16xi32>,
    }
    %scan3A_539 = arith.constant 64 : i32
    "tpu.region"() ({
      %run_scoped3A = tpu.sem_alloc : memref<!tpu.dma_semaphore, #tpu.memory_space<semaphore_mem>>
      %dma_start3A_576 = arith.constant 0 : i32
      %dma_start3A_577 = tpu.memref_slice %arg9[%min3A_20, %dma_start3A_576] : memref<1000x128xi32, #tpu.memory_space<hbm>> -> memref<64x128xi32, #tpu.memory_space<hbm>>
      %dma_start3A_578 = arith.constant 0 : i32
      %dma_start3A_579 = tpu.memref_slice %arg9[%min3A_20, %dma_start3A_578] : memref<1000x128xi32, #tpu.memory_space<hbm>> -> memref<64x128xi32, #tpu.memory_space<hbm>>
      tpu.enqueue_dma source(%arg17 : memref<64x128xi32, #tpu.memory_space<vmem>>) target(%dma_start3A_579 : memref<64x128xi32, #tpu.memory_space<hbm>>) target_semaphore(%run_scoped3A : memref<!tpu.dma_semaphore, #tpu.memory_space<semaphore_mem>>)
      %dma_wait3A_580 = arith.constant 0 : i32
      %dma_wait3A_581 = tpu.memref_slice %arg9[%min3A_20, %dma_wait3A_580] : memref<1000x128xi32, #tpu.memory_space<hbm>> -> memref<64x128xi32, #tpu.memory_space<hbm>>
      %dma_wait3A_582 = arith.constant 0 : i32
      %dma_wait3A_583 = tpu.memref_slice %arg9[%min3A_20, %dma_wait3A_582] : memref<1000x128xi32, #tpu.memory_space<hbm>> -> memref<64x128xi32, #tpu.memory_space<hbm>>
      tpu.wait_dma2 semaphore(%run_scoped3A : memref<!tpu.dma_semaphore, #tpu.memory_space<semaphore_mem>>) src(%arg17 : memref<64x128xi32, #tpu.memory_space<vmem>>) dst(%dma_wait3A_583 : memref<64x128xi32, #tpu.memory_space<hbm>>)
      tpu.yield
    }) : () -> ()
    %barrier3A = arith.constant 0 : index
    tpu.barrier barrier_id(%barrier3A)
    %dma_start3A_540 = arith.constant 0 : i32
    %dma_start3A_541 = arith.constant 0 : i32
    %dma_start3A_542 = arith.constant 0 : i32
    %dma_start3A_543 = arith.constant 0 : i32
    %dma_start3A_544 = arith.constant 0 : i32
    %dma_start3A_545 = tpu.memref_slice %arg14[%dma_start3A_541, %dma_start3A_543, %dma_start3A_544] : memref<2x64x128xi32, #tpu.memory_space<vmem>> -> memref<1x64x128xi32, #tpu.memory_space<vmem>>
    %dma_start3A_546 = tpu.memref_squeeze %dma_start3A_545 : memref<1x64x128xi32, #tpu.memory_space<vmem>> -> memref<64x128xi32, #tpu.memory_space<vmem>>
    %dma_start3A_547 = arith.constant 0 : i32
    %dma_start3A_548 = tpu.memref_slice %arg11[%dma_start3A_540, %dma_start3A_547] : memref<8x64xi32, #tpu.memory_space<vmem>> -> memref<1x64xi32, #tpu.memory_space<vmem>>
    %dma_start3A_549 = tpu.memref_squeeze %dma_start3A_548 : memref<1x64xi32, #tpu.memory_space<vmem>> -> memref<64xi32, #tpu.memory_space<vmem>>
    %dma_start3A_550 = arith.constant 0 : i32
    %dma_start3A_551 = arith.constant 0 : i32
    %dma_start3A_552 = tpu.memref_slice %arg9[%dma_start3A_550, %dma_start3A_551] : memref<1000x128xi32, #tpu.memory_space<hbm>> -> memref<1000x128xi32, #tpu.memory_space<hbm>>
    %dma_start3A_553 = tpu.memref_slice %arg19[%dma_start3A_542] : memref<2x!tpu.dma_semaphore, #tpu.memory_space<semaphore_mem>> -> memref<1x!tpu.dma_semaphore, #tpu.memory_space<semaphore_mem>>
    %dma_start3A_554 = tpu.memref_squeeze %dma_start3A_553 : memref<1x!tpu.dma_semaphore, #tpu.memory_space<semaphore_mem>> -> memref<!tpu.dma_semaphore, #tpu.memory_space<semaphore_mem>>
    tpu.enqueue_indirect_dma source(%dma_start3A_552 : memref<1000x128xi32, #tpu.memory_space<hbm>>) target(%dma_start3A_546 : memref<64x128xi32, #tpu.memory_space<vmem>>) offsets(%dma_start3A_549 : memref<64xi32, #tpu.memory_space<vmem>>) semaphore(%dma_start3A_554 : memref<!tpu.dma_semaphore, #tpu.memory_space<semaphore_mem>>)
    %dma_start3A_555 = arith.constant 1 : i32
    %dma_start3A_556 = arith.constant 1 : i32
    %dma_start3A_557 = arith.constant 1 : i32
    %dma_start3A_558 = arith.constant 0 : i32
    %dma_start3A_559 = arith.constant 0 : i32
    %dma_start3A_560 = tpu.memref_slice %arg14[%dma_start3A_556, %dma_start3A_558, %dma_start3A_559] : memref<2x64x128xi32, #tpu.memory_space<vmem>> -> memref<1x64x128xi32, #tpu.memory_space<vmem>>
    %dma_start3A_561 = tpu.memref_squeeze %dma_start3A_560 : memref<1x64x128xi32, #tpu.memory_space<vmem>> -> memref<64x128xi32, #tpu.memory_space<vmem>>
    %dma_start3A_562 = arith.constant 0 : i32
    %dma_start3A_563 = tpu.memref_slice %arg11[%dma_start3A_555, %dma_start3A_562] : memref<8x64xi32, #tpu.memory_space<vmem>> -> memref<1x64xi32, #tpu.memory_space<vmem>>
    %dma_start3A_564 = tpu.memref_squeeze %dma_start3A_563 : memref<1x64xi32, #tpu.memory_space<vmem>> -> memref<64xi32, #tpu.memory_space<vmem>>
    %dma_start3A_565 = arith.constant 0 : i32
    %dma_start3A_566 = arith.constant 0 : i32
    %dma_start3A_567 = tpu.memref_slice %arg9[%dma_start3A_565, %dma_start3A_566] : memref<1000x128xi32, #tpu.memory_space<hbm>> -> memref<1000x128xi32, #tpu.memory_space<hbm>>
    %dma_start3A_568 = tpu.memref_slice %arg19[%dma_start3A_557] : memref<2x!tpu.dma_semaphore, #tpu.memory_space<semaphore_mem>> -> memref<1x!tpu.dma_semaphore, #tpu.memory_space<semaphore_mem>>
    %dma_start3A_569 = tpu.memref_squeeze %dma_start3A_568 : memref<1x!tpu.dma_semaphore, #tpu.memory_space<semaphore_mem>> -> memref<!tpu.dma_semaphore, #tpu.memory_space<semaphore_mem>>
    tpu.enqueue_indirect_dma source(%dma_start3A_567 : memref<1000x128xi32, #tpu.memory_space<hbm>>) target(%dma_start3A_561 : memref<64x128xi32, #tpu.memory_space<vmem>>) offsets(%dma_start3A_564 : memref<64xi32, #tpu.memory_space<vmem>>) semaphore(%dma_start3A_569 : memref<!tpu.dma_semaphore, #tpu.memory_space<semaphore_mem>>)
    %scan3A_570 = arith.constant 0 : i32
    %scan3A_571 = arith.constant 0 : i32
    %scan3A_572 = arith.constant 8 : i32
    %scan3A_573 = arith.addi %scan3A_571, %scan3A_572 : i32
    %scan3A_574 = arith.constant 1 : i32
    scf.for %scan3A_576 = %scan3A_571 to %scan3A_573 step %scan3A_574  : i32 {
      %rem3A = arith.constant 2 : i32
      %rem3A_577 = arith.remsi %scan3A_576, %rem3A : i32
      %dma_wait3A_578 = arith.constant 0 : i32
      %dma_wait3A_579 = arith.constant 0 : i32
      %dma_wait3A_580 = tpu.memref_slice %arg12[%rem3A_577, %dma_wait3A_578, %dma_wait3A_579] : memref<2x128x128xf32, #tpu.memory_space<vmem>> -> memref<1x128x128xf32, #tpu.memory_space<vmem>>
      %dma_wait3A_581 = tpu.memref_squeeze %dma_wait3A_580 : memref<1x128x128xf32, #tpu.memory_space<vmem>> -> memref<128x128xf32, #tpu.memory_space<vmem>>
      %dma_wait3A_582 = arith.constant 0 : i32
      %dma_wait3A_583 = tpu.memref_slice %arg10[%scan3A_576, %dma_wait3A_582] : memref<8x128xi32, #tpu.memory_space<vmem>> -> memref<1x128xi32, #tpu.memory_space<vmem>>
      %dma_wait3A_584 = tpu.memref_squeeze %dma_wait3A_583 : memref<1x128xi32, #tpu.memory_space<vmem>> -> memref<128xi32, #tpu.memory_space<vmem>>
      %dma_wait3A_585 = arith.constant 0 : i32
      %dma_wait3A_586 = arith.constant 0 : i32
      %dma_wait3A_587 = tpu.memref_slice %arg5[%dma_wait3A_585, %dma_wait3A_586] : memref<100000x128xf32, #tpu.memory_space<hbm>> -> memref<100000x128xf32, #tpu.memory_space<hbm>>
      %dma_wait3A_588 = tpu.memref_slice %arg19[%rem3A_577] : memref<2x!tpu.dma_semaphore, #tpu.memory_space<semaphore_mem>> -> memref<1x!tpu.dma_semaphore, #tpu.memory_space<semaphore_mem>>
      %dma_wait3A_589 = tpu.memref_squeeze %dma_wait3A_588 : memref<1x!tpu.dma_semaphore, #tpu.memory_space<semaphore_mem>> -> memref<!tpu.dma_semaphore, #tpu.memory_space<semaphore_mem>>
      tpu.wait_indirect_dma semaphore(%dma_wait3A_589 : memref<!tpu.dma_semaphore, #tpu.memory_space<semaphore_mem>>) src(%dma_wait3A_587 : memref<100000x128xf32, #tpu.memory_space<hbm>>) dst(%dma_wait3A_581 : memref<128x128xf32, #tpu.memory_space<vmem>>)
      %dma_wait3A_590 = arith.constant 0 : i32
      %dma_wait3A_591 = arith.constant 0 : i32
      %dma_wait3A_592 = tpu.memref_slice %arg13[%rem3A_577, %dma_wait3A_590, %dma_wait3A_591] : memref<2x128x128xf32, #tpu.memory_space<vmem>> -> memref<1x128x128xf32, #tpu.memory_space<vmem>>
      %dma_wait3A_593 = tpu.memref_squeeze %dma_wait3A_592 : memref<1x128x128xf32, #tpu.memory_space<vmem>> -> memref<128x128xf32, #tpu.memory_space<vmem>>
      %dma_wait3A_594 = arith.constant 0 : i32
      %dma_wait3A_595 = tpu.memref_slice %arg10[%scan3A_576, %dma_wait3A_594] : memref<8x128xi32, #tpu.memory_space<vmem>> -> memref<1x128xi32, #tpu.memory_space<vmem>>
      %dma_wait3A_596 = tpu.memref_squeeze %dma_wait3A_595 : memref<1x128xi32, #tpu.memory_space<vmem>> -> memref<128xi32, #tpu.memory_space<vmem>>
      %dma_wait3A_597 = arith.constant 0 : i32
      %dma_wait3A_598 = arith.constant 0 : i32
      %dma_wait3A_599 = tpu.memref_slice %arg6[%dma_wait3A_597, %dma_wait3A_598] : memref<100000x128xf32, #tpu.memory_space<hbm>> -> memref<100000x128xf32, #tpu.memory_space<hbm>>
      %dma_wait3A_600 = tpu.memref_slice %arg19[%rem3A_577] : memref<2x!tpu.dma_semaphore, #tpu.memory_space<semaphore_mem>> -> memref<1x!tpu.dma_semaphore, #tpu.memory_space<semaphore_mem>>
      %dma_wait3A_601 = tpu.memref_squeeze %dma_wait3A_600 : memref<1x!tpu.dma_semaphore, #tpu.memory_space<semaphore_mem>> -> memref<!tpu.dma_semaphore, #tpu.memory_space<semaphore_mem>>
      tpu.wait_indirect_dma semaphore(%dma_wait3A_601 : memref<!tpu.dma_semaphore, #tpu.memory_space<semaphore_mem>>) src(%dma_wait3A_599 : memref<100000x128xf32, #tpu.memory_space<hbm>>) dst(%dma_wait3A_593 : memref<128x128xf32, #tpu.memory_space<vmem>>)
      %dma_wait3A_602 = arith.constant 0 : i32
      %dma_wait3A_603 = arith.constant 0 : i32
      %dma_wait3A_604 = tpu.memref_slice %arg14[%rem3A_577, %dma_wait3A_602, %dma_wait3A_603] : memref<2x64x128xi32, #tpu.memory_space<vmem>> -> memref<1x64x128xi32, #tpu.memory_space<vmem>>
      %dma_wait3A_605 = tpu.memref_squeeze %dma_wait3A_604 : memref<1x64x128xi32, #tpu.memory_space<vmem>> -> memref<64x128xi32, #tpu.memory_space<vmem>>
      %dma_wait3A_606 = arith.constant 0 : i32
      %dma_wait3A_607 = tpu.memref_slice %arg11[%scan3A_576, %dma_wait3A_606] : memref<8x64xi32, #tpu.memory_space<vmem>> -> memref<1x64xi32, #tpu.memory_space<vmem>>
      %dma_wait3A_608 = tpu.memref_squeeze %dma_wait3A_607 : memref<1x64xi32, #tpu.memory_space<vmem>> -> memref<64xi32, #tpu.memory_space<vmem>>
      %dma_wait3A_609 = arith.constant 0 : i32
      %dma_wait3A_610 = arith.constant 0 : i32
      %dma_wait3A_611 = tpu.memref_slice %arg9[%dma_wait3A_609, %dma_wait3A_610] : memref<1000x128xi32, #tpu.memory_space<hbm>> -> memref<1000x128xi32, #tpu.memory_space<hbm>>
      %dma_wait3A_612 = tpu.memref_slice %arg19[%rem3A_577] : memref<2x!tpu.dma_semaphore, #tpu.memory_space<semaphore_mem>> -> memref<1x!tpu.dma_semaphore, #tpu.memory_space<semaphore_mem>>
      %dma_wait3A_613 = tpu.memref_squeeze %dma_wait3A_612 : memref<1x!tpu.dma_semaphore, #tpu.memory_space<semaphore_mem>> -> memref<!tpu.dma_semaphore, #tpu.memory_space<semaphore_mem>>
      tpu.wait_indirect_dma semaphore(%dma_wait3A_613 : memref<!tpu.dma_semaphore, #tpu.memory_space<semaphore_mem>>) src(%dma_wait3A_611 : memref<1000x128xi32, #tpu.memory_space<hbm>>) dst(%dma_wait3A_605 : memref<64x128xi32, #tpu.memory_space<vmem>>)
      %scan3A_614 = arith.constant 0 : i32
      %scan3A_615 = arith.constant 0 : i32
      %scan3A_616 = arith.constant 4 : i32
      %scan3A_617 = arith.addi %scan3A_615, %scan3A_616 : i32
      %scan3A_618 = arith.constant 1 : i32
      scf.for %scan3A_624 = %scan3A_615 to %scan3A_617 step %scan3A_618  : i32 {
        %broadcast_in_dim3A = arith.constant 0.000000e+00 : f32
        %broadcast_in_dim3A_625 = vector.broadcast %broadcast_in_dim3A : f32 to vector<16xf32>
        %scan3A_626 = arith.constant 0 : i32
        %scan3A_627 = arith.constant 16 : i32
        %scan3A_628 = arith.addi %scan3A_626, %scan3A_627 : i32
        %scan3A_629 = arith.constant 1 : i32
        %scan3A_630 = scf.for %scan3A_677 = %scan3A_626 to %scan3A_628 step %scan3A_629 iter_args(%scan3A_678 = %broadcast_in_dim3A_625) -> (vector<16xf32>)  : i32 {
          %mul3A_679 = arith.constant 16 : i32
          %mul3A_680 = arith.muli %scan3A_624, %mul3A_679 : i32
          %add3A_681 = arith.addi %mul3A_680, %scan3A_677 : i32
          %broadcast_in_dim3A_682 = arith.constant 0.000000e+00 : f32
          %broadcast_in_dim3A_683 = vector.broadcast %broadcast_in_dim3A_682 : f32 to vector<16xf32>
          %get3A = arith.index_cast %rem3A_577 : i32 to index
          %get3A_684 = arith.index_cast %add3A_681 : i32 to index
          %get3A_685 = arith.constant 0 : index
          %get3A_686 = tpu.vector_load %arg14[%get3A, %get3A_684, %get3A_685] {strides = array<i32>} : memref<2x64x128xi32, #tpu.memory_space<vmem>>, vector<1x1x16xi32>,
          %get3A_687 = vector.shape_cast %get3A_686 : vector<1x1x16xi32> to vector<16xi32>
          %and3A = arith.constant -65536 : i32
          %and3A_688 = vector.broadcast %and3A : i32 to vector<16xi32>
          %and3A_689 = arith.andi %get3A_687, %and3A_688 : vector<16xi32>
          %bitcast_convert_type3A_690 = tpu.bitcast %and3A_689 : vector<16xi32> -> vector<16xf32>
          %shift_left3A = arith.constant 16 : i32
          %shift_left3A_691 = vector.broadcast %shift_left3A : i32 to vector<16xi32>
          %shift_left3A_692 = arith.shli %get3A_687, %shift_left3A_691 : vector<16xi32>
          %bitcast_convert_type3A_693 = tpu.bitcast %shift_left3A_692 : vector<16xi32> -> vector<16xf32>
          %get3A_694 = arith.index_cast %rem3A_577 : i32 to index
          %get3A_695 = arith.index_cast %add3A_681 : i32 to index
          %get3A_696 = arith.constant 0 : index
          %get3A_697 = tpu.vector_load %arg12[%get3A_694, %get3A_695, %get3A_696] {strides = array<i32>} : memref<2x128x128xf32, #tpu.memory_space<vmem>>, vector<1x1x16xf32>,
          %get3A_698 = vector.shape_cast %get3A_697 : vector<1x1x16xf32> to vector<16xf32>
          %get3A_699 = arith.index_cast %rem3A_577 : i32 to index
          %get3A_700 = arith.index_cast %add3A_681 : i32 to index
          %get3A_701 = arith.constant 0 : index
          %get3A_702 = tpu.vector_load %arg13[%get3A_699, %get3A_700, %get3A_701] {strides = array<i32>} : memref<2x128x128xf32, #tpu.memory_space<vmem>>, vector<1x1x16xf32>,
          %get3A_703 = vector.shape_cast %get3A_702 : vector<1x1x16xf32> to vector<16xf32>
          %add3A_704 = arith.constant 64 : i32
          %add3A_705 = arith.addi %add3A_704, %add3A_681 : i32
          %get3A_706 = arith.index_cast %rem3A_577 : i32 to index
          %get3A_707 = arith.index_cast %add3A_705 : i32 to index
          %get3A_708 = arith.constant 0 : index
          %get3A_709 = tpu.vector_load %arg12[%get3A_706, %get3A_707, %get3A_708] {strides = array<i32>} : memref<2x128x128xf32, #tpu.memory_space<vmem>>, vector<1x1x16xf32>,
          %get3A_710 = vector.shape_cast %get3A_709 : vector<1x1x16xf32> to vector<16xf32>
          %add3A_711 = arith.constant 64 : i32
          %add3A_712 = arith.addi %add3A_711, %add3A_681 : i32
          %get3A_713 = arith.index_cast %rem3A_577 : i32 to index
          %get3A_714 = arith.index_cast %add3A_712 : i32 to index
          %get3A_715 = arith.constant 0 : index
          %get3A_716 = tpu.vector_load %arg13[%get3A_713, %get3A_714, %get3A_715] {strides = array<i32>} : memref<2x128x128xf32, #tpu.memory_space<vmem>>, vector<1x1x16xf32>,
          %get3A_717 = vector.shape_cast %get3A_716 : vector<1x1x16xf32> to vector<16xf32>
          %mul3A_718 = arith.mulf %bitcast_convert_type3A_690, %get3A_698 : vector<16xf32>
          %mul3A_719 = arith.mulf %bitcast_convert_type3A_693, %get3A_703 : vector<16xf32>
          %sub3A_720 = arith.subf %mul3A_718, %mul3A_719 : vector<16xf32>
          %sub3A_721 = arith.subf %sub3A_720, %get3A_710 : vector<16xf32>
          %mul3A_722 = arith.mulf %bitcast_convert_type3A_690, %get3A_703 : vector<16xf32>
          %mul3A_723 = arith.mulf %bitcast_convert_type3A_693, %get3A_698 : vector<16xf32>
          %add3A_724 = arith.addf %mul3A_722, %mul3A_723 : vector<16xf32>
          %sub3A_725 = arith.subf %add3A_724, %get3A_717 : vector<16xf32>
          %mul3A_726 = arith.mulf %sub3A_721, %sub3A_721 : vector<16xf32>
          %mul3A_727 = arith.mulf %sub3A_725, %sub3A_725 : vector<16xf32>
          %add3A_728 = arith.addf %mul3A_726, %mul3A_727 : vector<16xf32>
          %add3A_729 = arith.addf %broadcast_in_dim3A_683, %add3A_728 : vector<16xf32>
          %get3A_730 = arith.index_cast %rem3A_577 : i32 to index
          %get3A_731 = arith.index_cast %add3A_681 : i32 to index
          %get3A_732 = arith.constant 16 : index
          %get3A_733 = tpu.vector_load %arg14[%get3A_730, %get3A_731, %get3A_732] {strides = array<i32>} : memref<2x64x128xi32, #tpu.memory_space<vmem>>, vector<1x1x16xi32>,
          %get3A_734 = vector.shape_cast %get3A_733 : vector<1x1x16xi32> to vector<16xi32>
          %and3A_735 = arith.constant -65536 : i32
          %and3A_736 = vector.broadcast %and3A_735 : i32 to vector<16xi32>
          %and3A_737 = arith.andi %get3A_734, %and3A_736 : vector<16xi32>
          %bitcast_convert_type3A_738 = tpu.bitcast %and3A_737 : vector<16xi32> -> vector<16xf32>
          %shift_left3A_739 = arith.constant 16 : i32
          %shift_left3A_740 = vector.broadcast %shift_left3A_739 : i32 to vector<16xi32>
          %shift_left3A_741 = arith.shli %get3A_734, %shift_left3A_740 : vector<16xi32>
          %bitcast_convert_type3A_742 = tpu.bitcast %shift_left3A_741 : vector<16xi32> -> vector<16xf32>
          %get3A_743 = arith.index_cast %rem3A_577 : i32 to index
          %get3A_744 = arith.index_cast %add3A_681 : i32 to index
          %get3A_745 = arith.constant 16 : index
          %get3A_746 = tpu.vector_load %arg12[%get3A_743, %get3A_744, %get3A_745] {strides = array<i32>} : memref<2x128x128xf32, #tpu.memory_space<vmem>>, vector<1x1x16xf32>,
          %get3A_747 = vector.shape_cast %get3A_746 : vector<1x1x16xf32> to vector<16xf32>
          %get3A_748 = arith.index_cast %rem3A_577 : i32 to index
          %get3A_749 = arith.index_cast %add3A_681 : i32 to index
          %get3A_750 = arith.constant 16 : index
          %get3A_751 = tpu.vector_load %arg13[%get3A_748, %get3A_749, %get3A_750] {strides = array<i32>} : memref<2x128x128xf32, #tpu.memory_space<vmem>>, vector<1x1x16xf32>,
          %get3A_752 = vector.shape_cast %get3A_751 : vector<1x1x16xf32> to vector<16xf32>
          %add3A_753 = arith.constant 64 : i32
          %add3A_754 = arith.addi %add3A_753, %add3A_681 : i32
          %get3A_755 = arith.index_cast %rem3A_577 : i32 to index
          %get3A_756 = arith.index_cast %add3A_754 : i32 to index
          %get3A_757 = arith.constant 16 : index
          %get3A_758 = tpu.vector_load %arg12[%get3A_755, %get3A_756, %get3A_757] {strides = array<i32>} : memref<2x128x128xf32, #tpu.memory_space<vmem>>, vector<1x1x16xf32>,
          %get3A_759 = vector.shape_cast %get3A_758 : vector<1x1x16xf32> to vector<16xf32>
          %add3A_760 = arith.constant 64 : i32
          %add3A_761 = arith.addi %add3A_760, %add3A_681 : i32
          %get3A_762 = arith.index_cast %rem3A_577 : i32 to index
          %get3A_763 = arith.index_cast %add3A_761 : i32 to index
          %get3A_764 = arith.constant 16 : index
          %get3A_765 = tpu.vector_load %arg13[%get3A_762, %get3A_763, %get3A_764] {strides = array<i32>} : memref<2x128x128xf32, #tpu.memory_space<vmem>>, vector<1x1x16xf32>,
          %get3A_766 = vector.shape_cast %get3A_765 : vector<1x1x16xf32> to vector<16xf32>
          %mul3A_767 = arith.mulf %bitcast_convert_type3A_738, %get3A_747 : vector<16xf32>
          %mul3A_768 = arith.mulf %bitcast_convert_type3A_742, %get3A_752 : vector<16xf32>
          %sub3A_769 = arith.subf %mul3A_767, %mul3A_768 : vector<16xf32>
          %sub3A_770 = arith.subf %sub3A_769, %get3A_759 : vector<16xf32>
          %mul3A_771 = arith.mulf %bitcast_convert_type3A_738, %get3A_752 : vector<16xf32>
          %mul3A_772 = arith.mulf %bitcast_convert_type3A_742, %get3A_747 : vector<16xf32>
          %add3A_773 = arith.addf %mul3A_771, %mul3A_772 : vector<16xf32>
          %sub3A_774 = arith.subf %add3A_773, %get3A_766 : vector<16xf32>
          %mul3A_775 = arith.mulf %sub3A_770, %sub3A_770 : vector<16xf32>
          %mul3A_776 = arith.mulf %sub3A_774, %sub3A_774 : vector<16xf32>
          %add3A_777 = arith.addf %mul3A_775, %mul3A_776 : vector<16xf32>
          %add3A_778 = arith.addf %add3A_729, %add3A_777 : vector<16xf32>
          %get3A_779 = arith.index_cast %rem3A_577 : i32 to index
          %get3A_780 = arith.index_cast %add3A_681 : i32 to index
          %get3A_781 = arith.constant 32 : index
          %get3A_782 = tpu.vector_load %arg14[%get3A_779, %get3A_780, %get3A_781] {strides = array<i32>} : memref<2x64x128xi32, #tpu.memory_space<vmem>>, vector<1x1x16xi32>,
          %get3A_783 = vector.shape_cast %get3A_782 : vector<1x1x16xi32> to vector<16xi32>
          %and3A_784 = arith.constant -65536 : i32
          %and3A_785 = vector.broadcast %and3A_784 : i32 to vector<16xi32>
          %and3A_786 = arith.andi %get3A_783, %and3A_785 : vector<16xi32>
          %bitcast_convert_type3A_787 = tpu.bitcast %and3A_786 : vector<16xi32> -> vector<16xf32>
          %shift_left3A_788 = arith.constant 16 : i32
          %shift_left3A_789 = vector.broadcast %shift_left3A_788 : i32 to vector<16xi32>
          %shift_left3A_790 = arith.shli %get3A_783, %shift_left3A_789 : vector<16xi32>
          %bitcast_convert_type3A_791 = tpu.bitcast %shift_left3A_790 : vector<16xi32> -> vector<16xf32>
          %get3A_792 = arith.index_cast %rem3A_577 : i32 to index
          %get3A_793 = arith.index_cast %add3A_681 : i32 to index
          %get3A_794 = arith.constant 32 : index
          %get3A_795 = tpu.vector_load %arg12[%get3A_792, %get3A_793, %get3A_794] {strides = array<i32>} : memref<2x128x128xf32, #tpu.memory_space<vmem>>, vector<1x1x16xf32>,
          %get3A_796 = vector.shape_cast %get3A_795 : vector<1x1x16xf32> to vector<16xf32>
          %get3A_797 = arith.index_cast %rem3A_577 : i32 to index
          %get3A_798 = arith.index_cast %add3A_681 : i32 to index
          %get3A_799 = arith.constant 32 : index
          %get3A_800 = tpu.vector_load %arg13[%get3A_797, %get3A_798, %get3A_799] {strides = array<i32>} : memref<2x128x128xf32, #tpu.memory_space<vmem>>, vector<1x1x16xf32>,
          %get3A_801 = vector.shape_cast %get3A_800 : vector<1x1x16xf32> to vector<16xf32>
          %add3A_802 = arith.constant 64 : i32
          %add3A_803 = arith.addi %add3A_802, %add3A_681 : i32
          %get3A_804 = arith.index_cast %rem3A_577 : i32 to index
          %get3A_805 = arith.index_cast %add3A_803 : i32 to index
          %get3A_806 = arith.constant 32 : index
          %get3A_807 = tpu.vector_load %arg12[%get3A_804, %get3A_805, %get3A_806] {strides = array<i32>} : memref<2x128x128xf32, #tpu.memory_space<vmem>>, vector<1x1x16xf32>,
          %get3A_808 = vector.shape_cast %get3A_807 : vector<1x1x16xf32> to vector<16xf32>
          %add3A_809 = arith.constant 64 : i32
          %add3A_810 = arith.addi %add3A_809, %add3A_681 : i32
          %get3A_811 = arith.index_cast %rem3A_577 : i32 to index
          %get3A_812 = arith.index_cast %add3A_810 : i32 to index
          %get3A_813 = arith.constant 32 : index
          %get3A_814 = tpu.vector_load %arg13[%get3A_811, %get3A_812, %get3A_813] {strides = array<i32>} : memref<2x128x128xf32, #tpu.memory_space<vmem>>, vector<1x1x16xf32>,
          %get3A_815 = vector.shape_cast %get3A_814 : vector<1x1x16xf32> to vector<16xf32>
          %mul3A_816 = arith.mulf %bitcast_convert_type3A_787, %get3A_796 : vector<16xf32>
          %mul3A_817 = arith.mulf %bitcast_convert_type3A_791, %get3A_801 : vector<16xf32>
          %sub3A_818 = arith.subf %mul3A_816, %mul3A_817 : vector<16xf32>
          %sub3A_819 = arith.subf %sub3A_818, %get3A_808 : vector<16xf32>
          %mul3A_820 = arith.mulf %bitcast_convert_type3A_787, %get3A_801 : vector<16xf32>
          %mul3A_821 = arith.mulf %bitcast_convert_type3A_791, %get3A_796 : vector<16xf32>
          %add3A_822 = arith.addf %mul3A_820, %mul3A_821 : vector<16xf32>
          %sub3A_823 = arith.subf %add3A_822, %get3A_815 : vector<16xf32>
          %mul3A_824 = arith.mulf %sub3A_819, %sub3A_819 : vector<16xf32>
          %mul3A_825 = arith.mulf %sub3A_823, %sub3A_823 : vector<16xf32>
          %add3A_826 = arith.addf %mul3A_824, %mul3A_825 : vector<16xf32>
          %add3A_827 = arith.addf %add3A_778, %add3A_826 : vector<16xf32>
          %get3A_828 = arith.index_cast %rem3A_577 : i32 to index
          %get3A_829 = arith.index_cast %add3A_681 : i32 to index
          %get3A_830 = arith.constant 48 : index
          %get3A_831 = tpu.vector_load %arg14[%get3A_828, %get3A_829, %get3A_830] {strides = array<i32>} : memref<2x64x128xi32, #tpu.memory_space<vmem>>, vector<1x1x16xi32>,
          %get3A_832 = vector.shape_cast %get3A_831 : vector<1x1x16xi32> to vector<16xi32>
          %and3A_833 = arith.constant -65536 : i32
          %and3A_834 = vector.broadcast %and3A_833 : i32 to vector<16xi32>
          %and3A_835 = arith.andi %get3A_832, %and3A_834 : vector<16xi32>
          %bitcast_convert_type3A_836 = tpu.bitcast %and3A_835 : vector<16xi32> -> vector<16xf32>
          %shift_left3A_837 = arith.constant 16 : i32
          %shift_left3A_838 = vector.broadcast %shift_left3A_837 : i32 to vector<16xi32>
          %shift_left3A_839 = arith.shli %get3A_832, %shift_left3A_838 : vector<16xi32>
          %bitcast_convert_type3A_840 = tpu.bitcast %shift_left3A_839 : vector<16xi32> -> vector<16xf32>
          %get3A_841 = arith.index_cast %rem3A_577 : i32 to index
          %get3A_842 = arith.index_cast %add3A_681 : i32 to index
          %get3A_843 = arith.constant 48 : index
          %get3A_844 = tpu.vector_load %arg12[%get3A_841, %get3A_842, %get3A_843] {strides = array<i32>} : memref<2x128x128xf32, #tpu.memory_space<vmem>>, vector<1x1x16xf32>,
          %get3A_845 = vector.shape_cast %get3A_844 : vector<1x1x16xf32> to vector<16xf32>
          %get3A_846 = arith.index_cast %rem3A_577 : i32 to index
          %get3A_847 = arith.index_cast %add3A_681 : i32 to index
          %get3A_848 = arith.constant 48 : index
          %get3A_849 = tpu.vector_load %arg13[%get3A_846, %get3A_847, %get3A_848] {strides = array<i32>} : memref<2x128x128xf32, #tpu.memory_space<vmem>>, vector<1x1x16xf32>,
          %get3A_850 = vector.shape_cast %get3A_849 : vector<1x1x16xf32> to vector<16xf32>
          %add3A_851 = arith.constant 64 : i32
          %add3A_852 = arith.addi %add3A_851, %add3A_681 : i32
          %get3A_853 = arith.index_cast %rem3A_577 : i32 to index
          %get3A_854 = arith.index_cast %add3A_852 : i32 to index
          %get3A_855 = arith.constant 48 : index
          %get3A_856 = tpu.vector_load %arg12[%get3A_853, %get3A_854, %get3A_855] {strides = array<i32>} : memref<2x128x128xf32, #tpu.memory_space<vmem>>, vector<1x1x16xf32>,
          %get3A_857 = vector.shape_cast %get3A_856 : vector<1x1x16xf32> to vector<16xf32>
          %add3A_858 = arith.constant 64 : i32
          %add3A_859 = arith.addi %add3A_858, %add3A_681 : i32
          %get3A_860 = arith.index_cast %rem3A_577 : i32 to index
          %get3A_861 = arith.index_cast %add3A_859 : i32 to index
          %get3A_862 = arith.constant 48 : index
          %get3A_863 = tpu.vector_load %arg13[%get3A_860, %get3A_861, %get3A_862] {strides = array<i32>} : memref<2x128x128xf32, #tpu.memory_space<vmem>>, vector<1x1x16xf32>,
          %get3A_864 = vector.shape_cast %get3A_863 : vector<1x1x16xf32> to vector<16xf32>
          %mul3A_865 = arith.mulf %bitcast_convert_type3A_836, %get3A_845 : vector<16xf32>
          %mul3A_866 = arith.mulf %bitcast_convert_type3A_840, %get3A_850 : vector<16xf32>
          %sub3A_867 = arith.subf %mul3A_865, %mul3A_866 : vector<16xf32>
          %sub3A_868 = arith.subf %sub3A_867, %get3A_857 : vector<16xf32>
          %mul3A_869 = arith.mulf %bitcast_convert_type3A_836, %get3A_850 : vector<16xf32>
          %mul3A_870 = arith.mulf %bitcast_convert_type3A_840, %get3A_845 : vector<16xf32>
          %add3A_871 = arith.addf %mul3A_869, %mul3A_870 : vector<16xf32>
          %sub3A_872 = arith.subf %add3A_871, %get3A_864 : vector<16xf32>
          %mul3A_873 = arith.mulf %sub3A_868, %sub3A_868 : vector<16xf32>
          %mul3A_874 = arith.mulf %sub3A_872, %sub3A_872 : vector<16xf32>
          %add3A_875 = arith.addf %mul3A_873, %mul3A_874 : vector<16xf32>
          %add3A_876 = arith.addf %add3A_827, %add3A_875 : vector<16xf32>
          %get3A_877 = arith.index_cast %rem3A_577 : i32 to index
          %get3A_878 = arith.index_cast %add3A_681 : i32 to index
          %get3A_879 = arith.constant 64 : index
          %get3A_880 = tpu.vector_load %arg14[%get3A_877, %get3A_878, %get3A_879] {strides = array<i32>} : memref<2x64x128xi32, #tpu.memory_space<vmem>>, vector<1x1x16xi32>,
          %get3A_881 = vector.shape_cast %get3A_880 : vector<1x1x16xi32> to vector<16xi32>
          %and3A_882 = arith.constant -65536 : i32
          %and3A_883 = vector.broadcast %and3A_882 : i32 to vector<16xi32>
          %and3A_884 = arith.andi %get3A_881, %and3A_883 : vector<16xi32>
          %bitcast_convert_type3A_885 = tpu.bitcast %and3A_884 : vector<16xi32> -> vector<16xf32>
          %shift_left3A_886 = arith.constant 16 : i32
          %shift_left3A_887 = vector.broadcast %shift_left3A_886 : i32 to vector<16xi32>
          %shift_left3A_888 = arith.shli %get3A_881, %shift_left3A_887 : vector<16xi32>
          %bitcast_convert_type3A_889 = tpu.bitcast %shift_left3A_888 : vector<16xi32> -> vector<16xf32>
          %get3A_890 = arith.index_cast %rem3A_577 : i32 to index
          %get3A_891 = arith.index_cast %add3A_681 : i32 to index
          %get3A_892 = arith.constant 64 : index
          %get3A_893 = tpu.vector_load %arg12[%get3A_890, %get3A_891, %get3A_892] {strides = array<i32>} : memref<2x128x128xf32, #tpu.memory_space<vmem>>, vector<1x1x16xf32>,
          %get3A_894 = vector.shape_cast %get3A_893 : vector<1x1x16xf32> to vector<16xf32>
          %get3A_895 = arith.index_cast %rem3A_577 : i32 to index
          %get3A_896 = arith.index_cast %add3A_681 : i32 to index
          %get3A_897 = arith.constant 64 : index
          %get3A_898 = tpu.vector_load %arg13[%get3A_895, %get3A_896, %get3A_897] {strides = array<i32>} : memref<2x128x128xf32, #tpu.memory_space<vmem>>, vector<1x1x16xf32>,
          %get3A_899 = vector.shape_cast %get3A_898 : vector<1x1x16xf32> to vector<16xf32>
          %add3A_900 = arith.constant 64 : i32
          %add3A_901 = arith.addi %add3A_900, %add3A_681 : i32
          %get3A_902 = arith.index_cast %rem3A_577 : i32 to index
          %get3A_903 = arith.index_cast %add3A_901 : i32 to index
          %get3A_904 = arith.constant 64 : index
          %get3A_905 = tpu.vector_load %arg12[%get3A_902, %get3A_903, %get3A_904] {strides = array<i32>} : memref<2x128x128xf32, #tpu.memory_space<vmem>>, vector<1x1x16xf32>,
          %get3A_906 = vector.shape_cast %get3A_905 : vector<1x1x16xf32> to vector<16xf32>
          %add3A_907 = arith.constant 64 : i32
          %add3A_908 = arith.addi %add3A_907, %add3A_681 : i32
          %get3A_909 = arith.index_cast %rem3A_577 : i32 to index
          %get3A_910 = arith.index_cast %add3A_908 : i32 to index
          %get3A_911 = arith.constant 64 : index
          %get3A_912 = tpu.vector_load %arg13[%get3A_909, %get3A_910, %get3A_911] {strides = array<i32>} : memref<2x128x128xf32, #tpu.memory_space<vmem>>, vector<1x1x16xf32>,
          %get3A_913 = vector.shape_cast %get3A_912 : vector<1x1x16xf32> to vector<16xf32>
          %mul3A_914 = arith.mulf %bitcast_convert_type3A_885, %get3A_894 : vector<16xf32>
          %mul3A_915 = arith.mulf %bitcast_convert_type3A_889, %get3A_899 : vector<16xf32>
          %sub3A_916 = arith.subf %mul3A_914, %mul3A_915 : vector<16xf32>
          %sub3A_917 = arith.subf %sub3A_916, %get3A_906 : vector<16xf32>
          %mul3A_918 = arith.mulf %bitcast_convert_type3A_885, %get3A_899 : vector<16xf32>
          %mul3A_919 = arith.mulf %bitcast_convert_type3A_889, %get3A_894 : vector<16xf32>
          %add3A_920 = arith.addf %mul3A_918, %mul3A_919 : vector<16xf32>
          %sub3A_921 = arith.subf %add3A_920, %get3A_913 : vector<16xf32>
          %mul3A_922 = arith.mulf %sub3A_917, %sub3A_917 : vector<16xf32>
          %mul3A_923 = arith.mulf %sub3A_921, %sub3A_921 : vector<16xf32>
          %add3A_924 = arith.addf %mul3A_922, %mul3A_923 : vector<16xf32>
          %add3A_925 = arith.addf %add3A_876, %add3A_924 : vector<16xf32>
          %get3A_926 = arith.index_cast %rem3A_577 : i32 to index
          %get3A_927 = arith.index_cast %add3A_681 : i32 to index
          %get3A_928 = arith.constant 80 : index
          %get3A_929 = tpu.vector_load %arg14[%get3A_926, %get3A_927, %get3A_928] {strides = array<i32>} : memref<2x64x128xi32, #tpu.memory_space<vmem>>, vector<1x1x16xi32>,
          %get3A_930 = vector.shape_cast %get3A_929 : vector<1x1x16xi32> to vector<16xi32>
          %and3A_931 = arith.constant -65536 : i32
          %and3A_932 = vector.broadcast %and3A_931 : i32 to vector<16xi32>
          %and3A_933 = arith.andi %get3A_930, %and3A_932 : vector<16xi32>
          %bitcast_convert_type3A_934 = tpu.bitcast %and3A_933 : vector<16xi32> -> vector<16xf32>
          %shift_left3A_935 = arith.constant 16 : i32
          %shift_left3A_936 = vector.broadcast %shift_left3A_935 : i32 to vector<16xi32>
          %shift_left3A_937 = arith.shli %get3A_930, %shift_left3A_936 : vector<16xi32>
          %bitcast_convert_type3A_938 = tpu.bitcast %shift_left3A_937 : vector<16xi32> -> vector<16xf32>
          %get3A_939 = arith.index_cast %rem3A_577 : i32 to index
          %get3A_940 = arith.index_cast %add3A_681 : i32 to index
          %get3A_941 = arith.constant 80 : index
          %get3A_942 = tpu.vector_load %arg12[%get3A_939, %get3A_940, %get3A_941] {strides = array<i32>} : memref<2x128x128xf32, #tpu.memory_space<vmem>>, vector<1x1x16xf32>,
          %get3A_943 = vector.shape_cast %get3A_942 : vector<1x1x16xf32> to vector<16xf32>
          %get3A_944 = arith.index_cast %rem3A_577 : i32 to index
          %get3A_945 = arith.index_cast %add3A_681 : i32 to index
          %get3A_946 = arith.constant 80 : index
          %get3A_947 = tpu.vector_load %arg13[%get3A_944, %get3A_945, %get3A_946] {strides = array<i32>} : memref<2x128x128xf32, #tpu.memory_space<vmem>>, vector<1x1x16xf32>,
          %get3A_948 = vector.shape_cast %get3A_947 : vector<1x1x16xf32> to vector<16xf32>
          %add3A_949 = arith.constant 64 : i32
          %add3A_950 = arith.addi %add3A_949, %add3A_681 : i32
          %get3A_951 = arith.index_cast %rem3A_577 : i32 to index
          %get3A_952 = arith.index_cast %add3A_950 : i32 to index
          %get3A_953 = arith.constant 80 : index
          %get3A_954 = tpu.vector_load %arg12[%get3A_951, %get3A_952, %get3A_953] {strides = array<i32>} : memref<2x128x128xf32, #tpu.memory_space<vmem>>, vector<1x1x16xf32>,
          %get3A_955 = vector.shape_cast %get3A_954 : vector<1x1x16xf32> to vector<16xf32>
          %add3A_956 = arith.constant 64 : i32
          %add3A_957 = arith.addi %add3A_956, %add3A_681 : i32
          %get3A_958 = arith.index_cast %rem3A_577 : i32 to index
          %get3A_959 = arith.index_cast %add3A_957 : i32 to index
          %get3A_960 = arith.constant 80 : index
          %get3A_961 = tpu.vector_load %arg13[%get3A_958, %get3A_959, %get3A_960] {strides = array<i32>} : memref<2x128x128xf32, #tpu.memory_space<vmem>>, vector<1x1x16xf32>,
          %get3A_962 = vector.shape_cast %get3A_961 : vector<1x1x16xf32> to vector<16xf32>
          %mul3A_963 = arith.mulf %bitcast_convert_type3A_934, %get3A_943 : vector<16xf32>
          %mul3A_964 = arith.mulf %bitcast_convert_type3A_938, %get3A_948 : vector<16xf32>
          %sub3A_965 = arith.subf %mul3A_963, %mul3A_964 : vector<16xf32>
          %sub3A_966 = arith.subf %sub3A_965, %get3A_955 : vector<16xf32>
          %mul3A_967 = arith.mulf %bitcast_convert_type3A_934, %get3A_948 : vector<16xf32>
          %mul3A_968 = arith.mulf %bitcast_convert_type3A_938, %get3A_943 : vector<16xf32>
          %add3A_969 = arith.addf %mul3A_967, %mul3A_968 : vector<16xf32>
          %sub3A_970 = arith.subf %add3A_969, %get3A_962 : vector<16xf32>
          %mul3A_971 = arith.mulf %sub3A_966, %sub3A_966 : vector<16xf32>
          %mul3A_972 = arith.mulf %sub3A_970, %sub3A_970 : vector<16xf32>
          %add3A_973 = arith.addf %mul3A_971, %mul3A_972 : vector<16xf32>
          %add3A_974 = arith.addf %add3A_925, %add3A_973 : vector<16xf32>
          %get3A_975 = arith.index_cast %rem3A_577 : i32 to index
          %get3A_976 = arith.index_cast %add3A_681 : i32 to index
          %get3A_977 = arith.constant 96 : index
          %get3A_978 = tpu.vector_load %arg14[%get3A_975, %get3A_976, %get3A_977] {strides = array<i32>} : memref<2x64x128xi32, #tpu.memory_space<vmem>>, vector<1x1x16xi32>,
          %get3A_979 = vector.shape_cast %get3A_978 : vector<1x1x16xi32> to vector<16xi32>
          %and3A_980 = arith.constant -65536 : i32
          %and3A_981 = vector.broadcast %and3A_980 : i32 to vector<16xi32>
          %and3A_982 = arith.andi %get3A_979, %and3A_981 : vector<16xi32>
          %bitcast_convert_type3A_983 = tpu.bitcast %and3A_982 : vector<16xi32> -> vector<16xf32>
          %shift_left3A_984 = arith.constant 16 : i32
          %shift_left3A_985 = vector.broadcast %shift_left3A_984 : i32 to vector<16xi32>
          %shift_left3A_986 = arith.shli %get3A_979, %shift_left3A_985 : vector<16xi32>
          %bitcast_convert_type3A_987 = tpu.bitcast %shift_left3A_986 : vector<16xi32> -> vector<16xf32>
          %get3A_988 = arith.index_cast %rem3A_577 : i32 to index
          %get3A_989 = arith.index_cast %add3A_681 : i32 to index
          %get3A_990 = arith.constant 96 : index
          %get3A_991 = tpu.vector_load %arg12[%get3A_988, %get3A_989, %get3A_990] {strides = array<i32>} : memref<2x128x128xf32, #tpu.memory_space<vmem>>, vector<1x1x16xf32>,
          %get3A_992 = vector.shape_cast %get3A_991 : vector<1x1x16xf32> to vector<16xf32>
          %get3A_993 = arith.index_cast %rem3A_577 : i32 to index
          %get3A_994 = arith.index_cast %add3A_681 : i32 to index
          %get3A_995 = arith.constant 96 : index
          %get3A_996 = tpu.vector_load %arg13[%get3A_993, %get3A_994, %get3A_995] {strides = array<i32>} : memref<2x128x128xf32, #tpu.memory_space<vmem>>, vector<1x1x16xf32>,
          %get3A_997 = vector.shape_cast %get3A_996 : vector<1x1x16xf32> to vector<16xf32>
          %add3A_998 = arith.constant 64 : i32
          %add3A_999 = arith.addi %add3A_998, %add3A_681 : i32
          %get3A_1000 = arith.index_cast %rem3A_577 : i32 to index
          %get3A_1001 = arith.index_cast %add3A_999 : i32 to index
          %get3A_1002 = arith.constant 96 : index
          %get3A_1003 = tpu.vector_load %arg12[%get3A_1000, %get3A_1001, %get3A_1002] {strides = array<i32>} : memref<2x128x128xf32, #tpu.memory_space<vmem>>, vector<1x1x16xf32>,
          %get3A_1004 = vector.shape_cast %get3A_1003 : vector<1x1x16xf32> to vector<16xf32>
          %add3A_1005 = arith.constant 64 : i32
          %add3A_1006 = arith.addi %add3A_1005, %add3A_681 : i32
          %get3A_1007 = arith.index_cast %rem3A_577 : i32 to index
          %get3A_1008 = arith.index_cast %add3A_1006 : i32 to index
          %get3A_1009 = arith.constant 96 : index
          %get3A_1010 = tpu.vector_load %arg13[%get3A_1007, %get3A_1008, %get3A_1009] {strides = array<i32>} : memref<2x128x128xf32, #tpu.memory_space<vmem>>, vector<1x1x16xf32>,
          %get3A_1011 = vector.shape_cast %get3A_1010 : vector<1x1x16xf32> to vector<16xf32>
          %mul3A_1012 = arith.mulf %bitcast_convert_type3A_983, %get3A_992 : vector<16xf32>
          %mul3A_1013 = arith.mulf %bitcast_convert_type3A_987, %get3A_997 : vector<16xf32>
          %sub3A_1014 = arith.subf %mul3A_1012, %mul3A_1013 : vector<16xf32>
          %sub3A_1015 = arith.subf %sub3A_1014, %get3A_1004 : vector<16xf32>
          %mul3A_1016 = arith.mulf %bitcast_convert_type3A_983, %get3A_997 : vector<16xf32>
          %mul3A_1017 = arith.mulf %bitcast_convert_type3A_987, %get3A_992 : vector<16xf32>
          %add3A_1018 = arith.addf %mul3A_1016, %mul3A_1017 : vector<16xf32>
          %sub3A_1019 = arith.subf %add3A_1018, %get3A_1011 : vector<16xf32>
          %mul3A_1020 = arith.mulf %sub3A_1015, %sub3A_1015 : vector<16xf32>
          %mul3A_1021 = arith.mulf %sub3A_1019, %sub3A_1019 : vector<16xf32>
          %add3A_1022 = arith.addf %mul3A_1020, %mul3A_1021 : vector<16xf32>
          %add3A_1023 = arith.addf %add3A_974, %add3A_1022 : vector<16xf32>
          %get3A_1024 = arith.index_cast %rem3A_577 : i32 to index
          %get3A_1025 = arith.index_cast %add3A_681 : i32 to index
          %get3A_1026 = arith.constant 112 : index
          %get3A_1027 = tpu.vector_load %arg14[%get3A_1024, %get3A_1025, %get3A_1026] {strides = array<i32>} : memref<2x64x128xi32, #tpu.memory_space<vmem>>, vector<1x1x16xi32>,
          %get3A_1028 = vector.shape_cast %get3A_1027 : vector<1x1x16xi32> to vector<16xi32>
          %and3A_1029 = arith.constant -65536 : i32
          %and3A_1030 = vector.broadcast %and3A_1029 : i32 to vector<16xi32>
          %and3A_1031 = arith.andi %get3A_1028, %and3A_1030 : vector<16xi32>
          %bitcast_convert_type3A_1032 = tpu.bitcast %and3A_1031 : vector<16xi32> -> vector<16xf32>
          %shift_left3A_1033 = arith.constant 16 : i32
          %shift_left3A_1034 = vector.broadcast %shift_left3A_1033 : i32 to vector<16xi32>
          %shift_left3A_1035 = arith.shli %get3A_1028, %shift_left3A_1034 : vector<16xi32>
          %bitcast_convert_type3A_1036 = tpu.bitcast %shift_left3A_1035 : vector<16xi32> -> vector<16xf32>
          %get3A_1037 = arith.index_cast %rem3A_577 : i32 to index
          %get3A_1038 = arith.index_cast %add3A_681 : i32 to index
          %get3A_1039 = arith.constant 112 : index
          %get3A_1040 = tpu.vector_load %arg12[%get3A_1037, %get3A_1038, %get3A_1039] {strides = array<i32>} : memref<2x128x128xf32, #tpu.memory_space<vmem>>, vector<1x1x16xf32>,
          %get3A_1041 = vector.shape_cast %get3A_1040 : vector<1x1x16xf32> to vector<16xf32>
          %get3A_1042 = arith.index_cast %rem3A_577 : i32 to index
          %get3A_1043 = arith.index_cast %add3A_681 : i32 to index
          %get3A_1044 = arith.constant 112 : index
          %get3A_1045 = tpu.vector_load %arg13[%get3A_1042, %get3A_1043, %get3A_1044] {strides = array<i32>} : memref<2x128x128xf32, #tpu.memory_space<vmem>>, vector<1x1x16xf32>,
          %get3A_1046 = vector.shape_cast %get3A_1045 : vector<1x1x16xf32> to vector<16xf32>
          %add3A_1047 = arith.constant 64 : i32
          %add3A_1048 = arith.addi %add3A_1047, %add3A_681 : i32
          %get3A_1049 = arith.index_cast %rem3A_577 : i32 to index
          %get3A_1050 = arith.index_cast %add3A_1048 : i32 to index
          %get3A_1051 = arith.constant 112 : index
          %get3A_1052 = tpu.vector_load %arg12[%get3A_1049, %get3A_1050, %get3A_1051] {strides = array<i32>} : memref<2x128x128xf32, #tpu.memory_space<vmem>>, vector<1x1x16xf32>,
          %get3A_1053 = vector.shape_cast %get3A_1052 : vector<1x1x16xf32> to vector<16xf32>
          %add3A_1054 = arith.constant 64 : i32
          %add3A_1055 = arith.addi %add3A_1054, %add3A_681 : i32
          %get3A_1056 = arith.index_cast %rem3A_577 : i32 to index
          %get3A_1057 = arith.index_cast %add3A_1055 : i32 to index
          %get3A_1058 = arith.constant 112 : index
          %get3A_1059 = tpu.vector_load %arg13[%get3A_1056, %get3A_1057, %get3A_1058] {strides = array<i32>} : memref<2x128x128xf32, #tpu.memory_space<vmem>>, vector<1x1x16xf32>,
          %get3A_1060 = vector.shape_cast %get3A_1059 : vector<1x1x16xf32> to vector<16xf32>
          %mul3A_1061 = arith.mulf %bitcast_convert_type3A_1032, %get3A_1041 : vector<16xf32>
          %mul3A_1062 = arith.mulf %bitcast_convert_type3A_1036, %get3A_1046 : vector<16xf32>
          %sub3A_1063 = arith.subf %mul3A_1061, %mul3A_1062 : vector<16xf32>
          %sub3A_1064 = arith.subf %sub3A_1063, %get3A_1053 : vector<16xf32>
          %mul3A_1065 = arith.mulf %bitcast_convert_type3A_1032, %get3A_1046 : vector<16xf32>
          %mul3A_1066 = arith.mulf %bitcast_convert_type3A_1036, %get3A_1041 : vector<16xf32>
          %add3A_1067 = arith.addf %mul3A_1065, %mul3A_1066 : vector<16xf32>
          %sub3A_1068 = arith.subf %add3A_1067, %get3A_1060 : vector<16xf32>
          %mul3A_1069 = arith.mulf %sub3A_1064, %sub3A_1064 : vector<16xf32>
          %mul3A_1070 = arith.mulf %sub3A_1068, %sub3A_1068 : vector<16xf32>
          %add3A_1071 = arith.addf %mul3A_1069, %mul3A_1070 : vector<16xf32>
          %add3A_1072 = arith.addf %add3A_1023, %add3A_1071 : vector<16xf32>
          %broadcast_in_dim3A_1073 = vector.shape_cast %xor3A_5 : vector<16xi32> to vector<16x1xi32>
          %gather3A = vector.shape_cast %broadcast_in_dim3A_1073 : vector<16x1xi32> to vector<16xi32>
          %gather3A_1074 = tpu.dynamic_gather %add3A_1072[%gather3A] in [0] : vector<16xf32>, vector<16xi32> -> vector<16xf32>
          %add3A_1075 = arith.addf %add3A_1072, %gather3A_1074 : vector<16xf32>
          %broadcast_in_dim3A_1076 = vector.shape_cast %xor3A_9 : vector<16xi32> to vector<16x1xi32>
          %gather3A_1077 = vector.shape_cast %broadcast_in_dim3A_1076 : vector<16x1xi32> to vector<16xi32>
          %gather3A_1078 = tpu.dynamic_gather %add3A_1075[%gather3A_1077] in [0] : vector<16xf32>, vector<16xi32> -> vector<16xf32>
          %add3A_1079 = arith.addf %add3A_1075, %gather3A_1078 : vector<16xf32>
          %broadcast_in_dim3A_1080 = vector.shape_cast %xor3A_13 : vector<16xi32> to vector<16x1xi32>
          %gather3A_1081 = vector.shape_cast %broadcast_in_dim3A_1080 : vector<16x1xi32> to vector<16xi32>
          %gather3A_1082 = tpu.dynamic_gather %add3A_1079[%gather3A_1081] in [0] : vector<16xf32>, vector<16xi32> -> vector<16xf32>
          %add3A_1083 = arith.addf %add3A_1079, %gather3A_1082 : vector<16xf32>
          %broadcast_in_dim3A_1084 = vector.shape_cast %xor3A_17 : vector<16xi32> to vector<16x1xi32>
          %gather3A_1085 = vector.shape_cast %broadcast_in_dim3A_1084 : vector<16x1xi32> to vector<16xi32>
          %gather3A_1086 = tpu.dynamic_gather %add3A_1083[%gather3A_1085] in [0] : vector<16xf32>, vector<16xi32> -> vector<16xf32>
          %add3A_1087 = arith.addf %add3A_1083, %gather3A_1086 : vector<16xf32>
          %eq3A = vector.broadcast %scan3A_677 : i32 to vector<16xi32>
          %eq3A_1088 = arith.cmpi eq, %iota3A, %eq3A : vector<16xi32>
          %select_n3A = arith.select %eq3A_1088, %add3A_1087, %scan3A_678 : vector<16xi1>, vector<16xf32>
          scf.yield %select_n3A : vector<16xf32>
        }
        %scan3A_631 = arith.constant 16 : i32
        %max3A = arith.constant 9.99999996E-13 : f32
        %max3A_632 = vector.broadcast %max3A : f32 to vector<16xf32>
        %max3A_633 = arith.maximumf %scan3A_630, %max3A_632 : vector<16xf32>
        %bitcast_convert_type3A = tpu.bitcast %max3A_633 : vector<16xf32> -> vector<16xi32>
        %shift_right_logical3A = arith.constant 1 : i32
        %shift_right_logical3A_634 = vector.broadcast %shift_right_logical3A : i32 to vector<16xi32>
        %shift_right_logical3A_635 = arith.shrui %bitcast_convert_type3A, %shift_right_logical3A_634 : vector<16xi32>
        %sub3A = arith.constant 1597463007 : i32
        %sub3A_636 = vector.broadcast %sub3A : i32 to vector<16xi32>
        %sub3A_637 = arith.subi %sub3A_636, %shift_right_logical3A_635 : vector<16xi32>
        %bitcast_convert_type3A_638 = tpu.bitcast %sub3A_637 : vector<16xi32> -> vector<16xf32>
        %mul3A_639 = arith.constant 5.000000e-01 : f32
        %mul3A_640 = vector.broadcast %mul3A_639 : f32 to vector<16xf32>
        %mul3A_641 = arith.mulf %mul3A_640, %max3A_633 : vector<16xf32>
        %mul3A_642 = arith.mulf %mul3A_641, %bitcast_convert_type3A_638 : vector<16xf32>
        %mul3A_643 = arith.mulf %mul3A_642, %bitcast_convert_type3A_638 : vector<16xf32>
        %sub3A_644 = arith.constant 1.500000e+00 : f32
        %sub3A_645 = vector.broadcast %sub3A_644 : f32 to vector<16xf32>
        %sub3A_646 = arith.subf %sub3A_645, %mul3A_643 : vector<16xf32>
        %mul3A_647 = arith.mulf %bitcast_convert_type3A_638, %sub3A_646 : vector<16xf32>
        %mul3A_648 = arith.constant 5.000000e-01 : f32
        %mul3A_649 = vector.broadcast %mul3A_648 : f32 to vector<16xf32>
        %mul3A_650 = arith.mulf %mul3A_649, %max3A_633 : vector<16xf32>
        %mul3A_651 = arith.mulf %mul3A_650, %mul3A_647 : vector<16xf32>
        %mul3A_652 = arith.mulf %mul3A_651, %mul3A_647 : vector<16xf32>
        %sub3A_653 = arith.constant 1.500000e+00 : f32
        %sub3A_654 = vector.broadcast %sub3A_653 : f32 to vector<16xf32>
        %sub3A_655 = arith.subf %sub3A_654, %mul3A_652 : vector<16xf32>
        %mul3A_656 = arith.mulf %mul3A_647, %sub3A_655 : vector<16xf32>
        %mul3A_657 = arith.constant 5.000000e-01 : f32
        %mul3A_658 = vector.broadcast %mul3A_657 : f32 to vector<16xf32>
        %mul3A_659 = arith.mulf %mul3A_658, %max3A_633 : vector<16xf32>
        %mul3A_660 = arith.mulf %mul3A_659, %mul3A_656 : vector<16xf32>
        %mul3A_661 = arith.mulf %mul3A_660, %mul3A_656 : vector<16xf32>
        %sub3A_662 = arith.constant 1.500000e+00 : f32
        %sub3A_663 = vector.broadcast %sub3A_662 : f32 to vector<16xf32>
        %sub3A_664 = arith.subf %sub3A_663, %mul3A_661 : vector<16xf32>
        %mul3A_665 = arith.mulf %mul3A_656, %sub3A_664 : vector<16xf32>
        %mul3A_666 = arith.mulf %max3A_633, %mul3A_665 : vector<16xf32>
        %neg3A = arith.constant 0.000000e+00 : f32
        %neg3A_667 = vector.broadcast %neg3A : f32 to vector<16xf32>
        %neg3A_668 = arith.subf %neg3A_667, %mul3A_666 : vector<16xf32>
        %mul3A_669 = arith.constant 64 : i32
        %mul3A_670 = arith.muli %scan3A_576, %mul3A_669 : i32
        %mul3A_671 = arith.constant 16 : i32
        %mul3A_672 = arith.muli %scan3A_624, %mul3A_671 : i32
        %add3A_673 = arith.addi %mul3A_670, %mul3A_672 : i32
        %swap3A = arith.index_cast %add3A_673 : i32 to index
        %swap3A_674 = tpu.vector_load %arg15[%swap3A] {strides = array<i32>} : memref<512xf32, #tpu.memory_space<vmem>>, vector<16xf32>,
        %swap3A_675 = vector.shape_cast %swap3A_674 : vector<16xf32> to vector<16xf32>
        %swap3A_676 = vector.shape_cast %neg3A_668 : vector<16xf32> to vector<16xf32>
        tpu.vector_store %arg15[%swap3A], %swap3A_676 {strides = array<i32>} : memref<512xf32, #tpu.memory_space<vmem>>, vector<16xf32>,
      }
      %scan3A_619 = arith.constant 4 : i32
      %add3A_620 = arith.constant 2 : i32
      %add3A_621 = arith.addi %scan3A_576, %add3A_620 : i32
      %lt3A = arith.constant 8 : i32
      %lt3A_622 = arith.cmpi slt, %add3A_621, %lt3A : i32
      %convert_element_type3A = arith.extui %lt3A_622 : i1 to i32
      %cond3A = arith.constant 0 : i32
      %cond3A_623 = arith.cmpi ne, %convert_element_type3A, %cond3A : i32
      scf.if %cond3A_623 {
        %add3A_624 = arith.constant 2 : i32
        %add3A_625 = arith.addi %scan3A_576, %add3A_624 : i32
        %dma_start3A_626 = arith.constant 0 : i32
        %dma_start3A_627 = arith.constant 0 : i32
        %dma_start3A_628 = tpu.memref_slice %arg12[%rem3A_577, %dma_start3A_626, %dma_start3A_627] : memref<2x128x128xf32, #tpu.memory_space<vmem>> -> memref<1x128x128xf32, #tpu.memory_space<vmem>>
        %dma_start3A_629 = tpu.memref_squeeze %dma_start3A_628 : memref<1x128x128xf32, #tpu.memory_space<vmem>> -> memref<128x128xf32, #tpu.memory_space<vmem>>
        %dma_start3A_630 = arith.constant 0 : i32
        %dma_start3A_631 = tpu.memref_slice %arg10[%add3A_625, %dma_start3A_630] : memref<8x128xi32, #tpu.memory_space<vmem>> -> memref<1x128xi32, #tpu.memory_space<vmem>>
        %dma_start3A_632 = tpu.memref_squeeze %dma_start3A_631 : memref<1x128xi32, #tpu.memory_space<vmem>> -> memref<128xi32, #tpu.memory_space<vmem>>
        %dma_start3A_633 = arith.constant 0 : i32
        %dma_start3A_634 = arith.constant 0 : i32
        %dma_start3A_635 = tpu.memref_slice %arg5[%dma_start3A_633, %dma_start3A_634] : memref<100000x128xf32, #tpu.memory_space<hbm>> -> memref<100000x128xf32, #tpu.memory_space<hbm>>
        %dma_start3A_636 = tpu.memref_slice %arg19[%rem3A_577] : memref<2x!tpu.dma_semaphore, #tpu.memory_space<semaphore_mem>> -> memref<1x!tpu.dma_semaphore, #tpu.memory_space<semaphore_mem>>
        %dma_start3A_637 = tpu.memref_squeeze %dma_start3A_636 : memref<1x!tpu.dma_semaphore, #tpu.memory_space<semaphore_mem>> -> memref<!tpu.dma_semaphore, #tpu.memory_space<semaphore_mem>>
        tpu.enqueue_indirect_dma source(%dma_start3A_635 : memref<100000x128xf32, #tpu.memory_space<hbm>>) target(%dma_start3A_629 : memref<128x128xf32, #tpu.memory_space<vmem>>) offsets(%dma_start3A_632 : memref<128xi32, #tpu.memory_space<vmem>>) semaphore(%dma_start3A_637 : memref<!tpu.dma_semaphore, #tpu.memory_space<semaphore_mem>>)
        %dma_start3A_638 = arith.constant 0 : i32
        %dma_start3A_639 = arith.constant 0 : i32
        %dma_start3A_640 = tpu.memref_slice %arg13[%rem3A_577, %dma_start3A_638, %dma_start3A_639] : memref<2x128x128xf32, #tpu.memory_space<vmem>> -> memref<1x128x128xf32, #tpu.memory_space<vmem>>
        %dma_start3A_641 = tpu.memref_squeeze %dma_start3A_640 : memref<1x128x128xf32, #tpu.memory_space<vmem>> -> memref<128x128xf32, #tpu.memory_space<vmem>>
        %dma_start3A_642 = arith.constant 0 : i32
        %dma_start3A_643 = tpu.memref_slice %arg10[%add3A_625, %dma_start3A_642] : memref<8x128xi32, #tpu.memory_space<vmem>> -> memref<1x128xi32, #tpu.memory_space<vmem>>
        %dma_start3A_644 = tpu.memref_squeeze %dma_start3A_643 : memref<1x128xi32, #tpu.memory_space<vmem>> -> memref<128xi32, #tpu.memory_space<vmem>>
        %dma_start3A_645 = arith.constant 0 : i32
        %dma_start3A_646 = arith.constant 0 : i32
        %dma_start3A_647 = tpu.memref_slice %arg6[%dma_start3A_645, %dma_start3A_646] : memref<100000x128xf32, #tpu.memory_space<hbm>> -> memref<100000x128xf32, #tpu.memory_space<hbm>>
        %dma_start3A_648 = tpu.memref_slice %arg19[%rem3A_577] : memref<2x!tpu.dma_semaphore, #tpu.memory_space<semaphore_mem>> -> memref<1x!tpu.dma_semaphore, #tpu.memory_space<semaphore_mem>>
        %dma_start3A_649 = tpu.memref_squeeze %dma_start3A_648 : memref<1x!tpu.dma_semaphore, #tpu.memory_space<semaphore_mem>> -> memref<!tpu.dma_semaphore, #tpu.memory_space<semaphore_mem>>
        tpu.enqueue_indirect_dma source(%dma_start3A_647 : memref<100000x128xf32, #tpu.memory_space<hbm>>) target(%dma_start3A_641 : memref<128x128xf32, #tpu.memory_space<vmem>>) offsets(%dma_start3A_644 : memref<128xi32, #tpu.memory_space<vmem>>) semaphore(%dma_start3A_649 : memref<!tpu.dma_semaphore, #tpu.memory_space<semaphore_mem>>)
        %add3A_650 = arith.constant 2 : i32
        %add3A_651 = arith.addi %scan3A_576, %add3A_650 : i32
        %dma_start3A_652 = arith.constant 0 : i32
        %dma_start3A_653 = arith.constant 0 : i32
        %dma_start3A_654 = tpu.memref_slice %arg14[%rem3A_577, %dma_start3A_652, %dma_start3A_653] : memref<2x64x128xi32, #tpu.memory_space<vmem>> -> memref<1x64x128xi32, #tpu.memory_space<vmem>>
        %dma_start3A_655 = tpu.memref_squeeze %dma_start3A_654 : memref<1x64x128xi32, #tpu.memory_space<vmem>> -> memref<64x128xi32, #tpu.memory_space<vmem>>
        %dma_start3A_656 = arith.constant 0 : i32
        %dma_start3A_657 = tpu.memref_slice %arg11[%add3A_651, %dma_start3A_656] : memref<8x64xi32, #tpu.memory_space<vmem>> -> memref<1x64xi32, #tpu.memory_space<vmem>>
        %dma_start3A_658 = tpu.memref_squeeze %dma_start3A_657 : memref<1x64xi32, #tpu.memory_space<vmem>> -> memref<64xi32, #tpu.memory_space<vmem>>
        %dma_start3A_659 = arith.constant 0 : i32
        %dma_start3A_660 = arith.constant 0 : i32
        %dma_start3A_661 = tpu.memref_slice %arg9[%dma_start3A_659, %dma_start3A_660] : memref<1000x128xi32, #tpu.memory_space<hbm>> -> memref<1000x128xi32, #tpu.memory_space<hbm>>
        %dma_start3A_662 = tpu.memref_slice %arg19[%rem3A_577] : memref<2x!tpu.dma_semaphore, #tpu.memory_space<semaphore_mem>> -> memref<1x!tpu.dma_semaphore, #tpu.memory_space<semaphore_mem>>
        %dma_start3A_663 = tpu.memref_squeeze %dma_start3A_662 : memref<1x!tpu.dma_semaphore, #tpu.memory_space<semaphore_mem>> -> memref<!tpu.dma_semaphore, #tpu.memory_space<semaphore_mem>>
        tpu.enqueue_indirect_dma source(%dma_start3A_661 : memref<1000x128xi32, #tpu.memory_space<hbm>>) target(%dma_start3A_655 : memref<64x128xi32, #tpu.memory_space<vmem>>) offsets(%dma_start3A_658 : memref<64xi32, #tpu.memory_space<vmem>>) semaphore(%dma_start3A_663 : memref<!tpu.dma_semaphore, #tpu.memory_space<semaphore_mem>>)
      } else {
      }
    }
    %scan3A_575 = arith.constant 8 : i32
    "tpu.region"() ({
      %run_scoped3A = tpu.sem_alloc : memref<!tpu.dma_semaphore, #tpu.memory_space<semaphore_mem>>
      %dma_start3A_576 = tpu.memref_slice %arg8[%mul3A_2] : memref<16384xf32, #tpu.memory_space<hbm>> -> memref<512xf32, #tpu.memory_space<hbm>>
      %dma_start3A_577 = tpu.memref_slice %arg8[%mul3A_2] : memref<16384xf32, #tpu.memory_space<hbm>> -> memref<512xf32, #tpu.memory_space<hbm>>
      tpu.enqueue_dma source(%arg15 : memref<512xf32, #tpu.memory_space<vmem>>) target(%dma_start3A_577 : memref<512xf32, #tpu.memory_space<hbm>>) target_semaphore(%run_scoped3A : memref<!tpu.dma_semaphore, #tpu.memory_space<semaphore_mem>>)
      %dma_wait3A_578 = tpu.memref_slice %arg8[%mul3A_2] : memref<16384xf32, #tpu.memory_space<hbm>> -> memref<512xf32, #tpu.memory_space<hbm>>
      %dma_wait3A_579 = tpu.memref_slice %arg8[%mul3A_2] : memref<16384xf32, #tpu.memory_space<hbm>> -> memref<512xf32, #tpu.memory_space<hbm>>
      tpu.wait_dma2 semaphore(%run_scoped3A : memref<!tpu.dma_semaphore, #tpu.memory_space<semaphore_mem>>) src(%arg15 : memref<512xf32, #tpu.memory_space<vmem>>) dst(%dma_wait3A_579 : memref<512xf32, #tpu.memory_space<hbm>>)
      tpu.yield
    }) : () -> ()
    return
  }
}

</mosaic_0001>

<sc_bundles>
// kernel: kernel.3.cloned.1.call-start
scs
__scs_entry_jumppad:
0x0: {  	(pc) =	sbr.rel $0x88, $3  }
0x1: {  	(tag) =	ssettag $0x0;
	lr =	simm.s32 $0x1  }
0x2: {  	[smem:$0x3F9B] =	sst lr;
	_ =	strace $0xD0000000  }
0x3: {  	_ = 	snop  }
0x4: {  	_ = 	snop  }
0x5: {  	_ = 	snop  }
0x6: {  	_ = 	snop  }
0x7: {  	_ = 	snop  }
__scs_overlays_trampoline_lowered:
0x8: {  	[smem:$0x3FAA] =	sst s0  }
0x9: {  	[smem:$0x3FAB] =	sst s1  }
0xa: {  	[smem:$0x3FAC] =	sst s2  }
0xb: {  	[smem:$0x3FAD] =	sst s3  }
0xc: {  	[smem:$0x3FAE] =	sst s4  }
0xd: {  	[smem:$0x3FAF] =	sst s5  }
0xe: {  	[smem:$0x3FB0] =	sst s6  }
0xf: {  	[smem:$0x3FB1] =	sst s7  }
0x10: {  	[smem:$0x3FB2] =	sst s8  }
0x11: {  	[smem:$0x3FB3] =	sst s9;
	s0 =	simm.s32 @!p0 $0x0  }
0x12: {  	s1 =	sld [smem:$0x3F99];
	s0 =	simm.s32 @p0 $0x1  }
0x13: {  	[smem:$0x3FB4] =	sst s0;
	s0 =	simm.s32 @!p1 $0x0  }
0x14: {  	s2 =	sld [smem:$0x3F98];
	s0 =	simm.s32 @p1 $0x1  }
0x15: {  	[smem:$0x3FB5] =	sst s0;
	s0 =	simm.s32 @!p2 $0x0  }
0x16: {  	s3 =	sld [smem:$0x3FDB];
	s0 =	simm.s32 @p2 $0x1  }
0x17: {  	s4 =	simm.s32 $0x1BF5;
	[smem:$0x3FB7] =	sst s0  }
0x18: {  	s0 =	sld [smem:$0x3F9A];
	_ =	swait.ge [sflag:s4], $0x0  }
0x19: {  	s7 =	sld [smem:$0x3F9B]  }
0x1a: {  	s8 =	sadd.s32 $0xFFFFE003, lr  }
0x1b: {  	s9 =	sadd.s32 $0xFFFFFEF7, lr;
	s5 =	simm.s32 $0xFFFFFFFF;
	p2 =	slt.u32 s8, $0xFFFFF086  }
0x1c: {  	p1 =	slt.u32 s9, $0xF7A;
	s5 =	simm.s32 @!p2 $0x0  }
0x1d: {  	s5 =	simm.s32 @p1 $0x1;
	p0 =	seq.s32 s7, s2  }
0x1e: {  	s7 =	smul.u32 @!p0 $0xF7A, s2;
	p2 =	seq.s32 @!p0 s5, $0x0  }
0x1f: {  	s9 =	smul.u32 $0xF7A, s1;
	s8 =	simm.s32 @!p0 $0x1BF5;
	p2 =	por !p2, p0  }
0x20: {  	[sflag:s8] =	ssyncset.s32 @!p0 $0xFFFFF086;
	s6 =	sadd.s32 @!p0 s3, s7;
	s7 =	simm.s32 @!p0 $0x108  }
0x21: {  	s3 =	sadd.s32 s3, s9;
	s6 =	sadd.s32 @!p0 $0x88, s6;
	s7 =	simm.s32 @p2 $0x1082  }
0x22: {  	[simem:s7], [sflag:s8] =	dma.local @!p0 [hbm:s6], $0xF7A  }
0x23: {  	s9 =	sor.u32 $0xD0000000, s2;
	s6 =	simm.s32 $0x108;
	_ =	swait.ge @!p0 [sflag:s8], $0x0  }
0x24: {  	s3 =	sadd.s32 $0x88, s3;
	s6 =	simm.s32 @!p1 $0x1082;
	[sflag:s4] =	ssyncset.s32 $0xFFFFF086  }
0x25: {  	[simem:s6], [sflag:s4] =	dma.local [hbm:s3], $0xF7A  }
0x26: {  	[smem:$0x3F9B] =	sst s1;
	(tag) =	ssettag s2;
	_ =	strace s9  }
0x27: {  	s1 =	sld [smem:$0x3FAB]  }
0x28: {  	s2 =	sld [smem:$0x3FAC]  }
0x29: {  	s4 =	sld [smem:$0x3FAE]  }
0x2a: {  	p0 =	seq.s32 s5, $0x0;
	s5 =	sld [smem:$0x3FAF]  }
0x2b: {  	s6 =	sld [smem:$0x3FB0]  }
0x2c: {  	s7 =	sld [smem:$0x3FB1]  }
0x2d: {  	s3 =	simm.s32 $0x108;
	s8 =	sld [smem:$0x3FB2]  }
0x2e: {  	s3 =	simm.s32 @!p0 $0x1082;
	s9 =	sld [smem:$0x3FB3]  }
0x2f: {  	lr =	sadd.s32 s0, s3;
	s0 =	sld [smem:$0x3FAA]  }
0x30: {  	s3 =	sld [smem:$0x3FAD]  }
0x31: {  	[smem:$0x3FB6] =	sst s10  }
0x32: {  	s10 =	sld [smem:$0x3FB4];
	_ =	sdelay $0x3  }
0x33: {  	p0 =	seq.s32 s10, $0x1;
	s10 =	sld [smem:$0x3FB6];
	_ =	sdelay $0x3  }
0x34: {  	[smem:$0x3FB6] =	sst s10  }
0x35: {  	s10 =	sld [smem:$0x3FB5];
	_ =	sdelay $0x3  }
0x36: {  	p1 =	seq.s32 s10, $0x1;
	s10 =	sld [smem:$0x3FB6];
	_ =	sdelay $0x3  }
0x37: {  	[smem:$0x3FB6] =	sst s10  }
0x38: {  	s10 =	sld [smem:$0x3FB7]  }
0x39: {  	_ = 	snop;
	(pc) =	sbr.ind lr, $3  }
0x3a: {  	_ = 	snop  }
0x3b: {  	_ = 	snop  }
0x3c: {  	p2 =	seq.s32 s10, $0x1;
	s10 =	sld [smem:$0x3FB6]  }
0x3d: {  	_ =	shalt  }
0x3e: {  	_ =	shalt  }
0x3f: {  	_ =	shalt  }
0x40: {  	_ =	shalt  }
0x41: {  	_ =	shalt  }
0x42: {  	_ =	shalt  }
0x43: {  	_ =	shalt  }
0x44: {  	_ =	shalt  }
0x45: {  	_ =	shalt  }
0x46: {  	_ =	shalt  }
0x47: {  	_ =	shalt  }
0x48: {  	_ =	shalt  }
0x49: {  	_ =	shalt  }
0x4a: {  	_ =	shalt  }
0x4b: {  	_ =	shalt  }
0x4c: {  	_ =	shalt  }
0x4d: {  	_ =	shalt  }
0x4e: {  	_ =	shalt  }
0x4f: {  	_ =	shalt  }
0x50: {  	_ =	shalt  }
0x51: {  	_ =	shalt  }
0x52: {  	_ =	shalt  }
0x53: {  	_ =	shalt  }
0x54: {  	_ =	shalt  }
0x55: {  	_ =	shalt  }
0x56: {  	_ =	shalt  }
0x57: {  	_ =	shalt  }
0x58: {  	_ =	shalt  }
0x59: {  	_ =	shalt  }
0x5a: {  	_ =	shalt  }
0x5b: {  	_ =	shalt  }
0x5c: {  	_ =	shalt  }
0x5d: {  	_ =	shalt  }
0x5e: {  	_ =	shalt  }
0x5f: {  	_ =	shalt  }
0x60: {  	_ =	shalt  }
0x61: {  	_ =	shalt  }
0x62: {  	_ =	shalt  }
0x63: {  	_ =	shalt  }
0x64: {  	_ =	shalt  }
0x65: {  	_ =	shalt  }
0x66: {  	_ =	shalt  }
0x67: {  	_ =	shalt  }
0x68: {  	_ =	shalt  }
0x69: {  	_ =	shalt  }
0x6a: {  	_ =	shalt  }
0x6b: {  	_ =	shalt  }
0x6c: {  	_ =	shalt  }
0x6d: {  	_ =	shalt  }
0x6e: {  	_ =	shalt  }
0x6f: {  	_ =	shalt  }
0x70: {  	_ =	shalt  }
0x71: {  	_ =	shalt  }
0x72: {  	_ =	shalt  }
0x73: {  	_ =	shalt  }
0x74: {  	_ =	shalt  }
0x75: {  	_ =	shalt  }
0x76: {  	_ =	shalt  }
0x77: {  	_ =	shalt  }
0x78: {  	_ =	shalt  }
0x79: {  	_ =	shalt  }
0x7a: {  	_ =	shalt  }
0x7b: {  	_ =	shalt  }
0x7c: {  	_ =	shalt  }
0x7d: {  	_ =	shalt  }
0x7e: {  	_ =	shalt  }
0x7f: {  	_ =	shalt  }
0x80: {  	_ =	shalt  }
0x81: {  	_ =	shalt  }
0x82: {  	_ =	shalt  }
0x83: {  	_ =	shalt  }
0x84: {  	_ =	shalt  }
0x85: {  	_ =	shalt  }
0x86: {  	_ =	shalt  }
0x87: {  	_ =	shalt  }
.Lfunc_end0:
.L_simem_size_0:
called_computation_lowered:
.L_overlay_start_0:
0x88: {  	s2 =	sld [smem:$0x3FD9]  }
0x89: {  	s3 =	sld [smem:$0x3FFE];
	_ =	sdelay $0x1  }
0x8a: {  	s1 =	srdreg.scid  }
0x8b: {  	s0 =	sand.u32 $0x1, s1  }
0x8c: {  	s17 =	sshll.u32 s0, $0xA;
	s2 =	sadd.s32 s3, s2  }
0x8d: {  	s2 =	sadd.s32 s2, s17  }
0x8e: {  	[smem:$0x3FC2] =	sst s2  }
0x8f: {  	_ = 	snop  }
0x90: {  	s2 =	sld [smem:$0x3FC9]  }
0x91: {  	s18 =	sld [smem:$0x3FC8]  }
0x92: {  	s4 =	sld [smem:$0x3FC7]  }
0x93: {  	s5 =	sld [smem:$0x3FC6]  }
0x94: {  	s6 =	sld [smem:$0x3FC5]  }
0x95: {  	s7 =	sld [smem:$0x3FC4]  }
0x96: {  	s8 =	sld [smem:$0x3FD0];
	(tm) =	ssettm $0x1  }
0x97: {  	s9 =	sld [smem:$0x3FFB];
	_ =	sdelay $0x3  }
0x98: {  	_ =	strace s9  }
0x99: {  	s9 =	sld [smem:$0x3FFC];
	_ =	sdelay $0x3  }
0x9a: {  	_ =	strace s9  }
0x9b: {  	s9 =	sld [smem:$0x3FFD];
	_ =	sdelay $0x3  }
0x9c: {  	_ =	strace s9  }
0x9d: {  	_ =	strace $0x8FFFFFFF  }
0x9e: {  	s19 =	sld [smem:$0x3FDB];
	_ =	sdelay $0x1  }
0x9f: {  	s10 =	simm.s32 $_scs_section_size  }
0xa0: {  	s11 =	simm.s32 $_size__tile_overlayer_lowered;
	s12 =	simm.s32 $_tile_overlayer_lowered  }
0xa1: {  	s22 =	simm.s32 $0x1BFF;
	s21 =	sshll.u32 s12, $0x1;
	s9 =	sadd.s32 s10, s19  }
0xa2: {  	s13 =	simm.s32 $0x0;
	s20 =	sshll.u32 s11, $0x1;
	s11 =	sadd.s32 s21, s9  }
0xa3: {  	[timem:s13], [sflag:s22] =	dma.local [hbm:s11], s20  }
0xa4: {  	_ =	swait.ge [sflag:s22], s20  }
0xa5: {  	s10 =	ssub.s32 $0x0, s20;
	[sflag:s22] =	ssyncset.done $0x0  }
0xa6: {  	[sflag:s22] =	ssyncadd.s32 s10;
	_ =	sdelay $0x1  }
0xa7: {  	s23 =	simm.s32 $0x1B8B  }
0xa8: {  	_ =	swait.ge [sflag:s23], $0x1  }
0xa9: {  	[sflag:s23] =	ssyncset.done $0x0  }
0xaa: {  	s25 =	simm.s32 $0x1B8E;
	s24 =	sld [smem:$0x3FFE];
	[sflag:s23] =	ssyncadd.s32 $0xFFFFFFFF  }
0xab: {  	s26 =	simm.s32 $execute0_lowered;
	[smem:$0x3FD2] =	sst s25  }
0xac: {  	s11 =	sshll.u32 s26, $0x1;
	_ =	strace $0x80000046;
	[dreg:$0x1] =	wrdreg $0xFFFFFFFF  }
0xad: {  	s28 =	simm.s32 $_size_execute0_lowered;
	s9 =	sadd.s32 s9, s11;
	[dreg:$0x0] =	wrdreg $0x0  }
0xae: {  	s11 =	sshll.u32 s28, $0x1;
	[dreg:$0x2] =	wrdreg s9  }
0xaf: {  	[dreg:$0x3] =	wrdreg s11  }
0xb0: {  	[dreg:$0x4] =	wrdreg $0xC0  }
0xb1: {  	_ =	task [dreg:s13], $0x5FFFF  }
0xb2: {  	[dreg:$0x1] =	wrdreg $0xFFFFFFFF  }
0xb3: {  	[dreg:$0x0] =	wrdreg $0x60  }
0xb4: {  	[dreg:$0x2] =	wrdreg s2  }
0xb5: {  	[dreg:$0x3] =	wrdreg s18  }
0xb6: {  	[dreg:$0x4] =	wrdreg s4  }
0xb7: {  	[dreg:$0x5] =	wrdreg s5  }
0xb8: {  	[dreg:$0x6] =	wrdreg s6  }
0xb9: {  	[dreg:$0x7] =	wrdreg s7  }
0xba: {  	[dreg:$0x8] =	wrdreg s8  }
0xbb: {  	[dreg:$0x9] =	wrdreg s24  }
0xbc: {  	[dreg:$0xa] =	wrdreg $0x9  }
0xbd: {  	_ =	task.clear_ibuf [dreg:s13], $0xBFFFF;
	_ =	strace $0x90000046  }
0xbe: {  	s29 =	simm.s32 $0x9;
	_ =	strace $0x80000048  }
0xbf: {  	_ =	swait.ge [sflag:s29], $0x1  }
0xc0: {  	[sflag:s29] =	ssyncadd.s32 $0xFFFFFFFF  }
0xc1: {  	_ =	strace $0x90000048  }
0xc2: {  	_ =	sfence  }
0xc3: {  	s30 =	sld [smem:$0x0];
	_ =	sdelay $0x2  }
0xc4: {  	s31 =	sshll.u32 s1, $0xD;
	s1 =	sshrl.u32 s1, $0x2  }
0xc5: {  	s3 =	sand.u32 $0x4000, s31;
	s1 =	sadd.s32 s1, s30  }
0xc6: {  	s0 =	sor.u32 s3, s0;
	s1 =	sshll.u32 s1, $0x11  }
0xc7: {  	s0 =	sor.u32 s1, s0  }
0xc8: {  	s0 =	sadd.s32 $0x8F2B, s0  }
0xc9: {  	[sflag:s0] =	ssyncadd.remote.s32 $0x1  }
0xca: {  	_ =	sfence.sel $0xFFFF  }
0xcb: {  	[dreg:$0x0] =	wrdreg $0xFFFFFFFF;
	(pc) =	sbr.abs _section_cstart, $3  }
0xcc: {  	[dreg:$0x1] =	wrdreg $0xFFFFFFFF  }
0xcd: {  	_ =	task.clear_ibuf [dreg:s13], $0x2FFFF;
	_ =	strace $0x9FFFFFFF  }
0xce: {  	(tm) =	ssettm $0x7FFFFFFF  }
0xcf: {  	_ =	shalt  }
tec
execute0_lowered:
.L_overlay_start_1:
0x0: {  	(tag) =	ssettag $0x1  }
0x1: {  	s0 =	rddreg [dreg:$0x0]  }
0x2: {  	s3 =	rddreg [dreg:$0x1];
	s1 =	srdreg.scid  }
0x3: {  	s4 =	rddreg [dreg:$0x2];
	s9 =	stileid.u32;
	s5 =	sand.u32 $0x1, s1  }
0x4: {  	s2 =	simm.s32 $0x0;
	s6 =	sshll.u32 s9, $0x7;
	s7 =	sshll.u32 s5, $0x6  }
0x5: {  	s1 =	rddreg [dreg:$0x3];
	s5 =	ssub.s32 $0x2, s5;
	s6 =	sor.u32 s7, s6  }
0x6: {  	[smem:$0x7FF] =	sst s2;
	s21 =	sshrl.u32 s5, $0x1;
	s8 =	sor.u32 $0x8, s6  }
0x7: {  	s5 =	ssub.s32 s5, s21;
	s21 =	rddreg [dreg:$0x4];
	s19 =	sadd.s32 s0, s6  }
0x8: {  	s22 =	sadd.s32 s0, s8;
	[dreg:$0x1b] =	wrdreg s19  }
0x9: {  	s10 =	sadd.s32 s4, s8;
	[dreg:$0x9] =	wrdreg s22  }
0xa: {  	s23 =	sor.u32 $0x10, s6;
	s8 =	sadd.s32 s3, s8;
	[dreg:$0xa] =	wrdreg s10  }
0xb: {  	s24 =	sadd.s32 s0, s23;
	[dreg:$0xb] =	wrdreg s8  }
0xc: {  	s25 =	sadd.s32 s4, s23;
	[dreg:$0xc] =	wrdreg s24  }
0xd: {  	s26 =	sor.u32 $0x18, s6;
	s7 =	sadd.s32 s3, s23;
	[dreg:$0xd] =	wrdreg s25  }
0xe: {  	s28 =	sadd.s32 s0, s26;
	[dreg:$0xe] =	wrdreg s7  }
0xf: {  	s30 =	sor.u32 $0x20, s6;
	s29 =	sadd.s32 s4, s26;
	[dreg:$0xf] =	wrdreg s28  }
0x10: {  	s11 =	sadd.s32 s0, s30;
	[dreg:$0x10] =	wrdreg s29  }
0x11: {  	s12 =	sor.u32 $0x28, s6;
	s13 =	sadd.s32 s4, s30;
	[dreg:$0x12] =	wrdreg s11  }
0x12: {  	s14 =	sadd.s32 s0, s12;
	[dreg:$0x13] =	wrdreg s13  }
0x13: {  	s16 =	sor.u32 $0x30, s6;
	s15 =	sadd.s32 s4, s12;
	[dreg:$0x15] =	wrdreg s14  }
0x14: {  	s17 =	sadd.s32 s0, s16;
	[dreg:$0x16] =	wrdreg s15  }
0x15: {  	s20 =	sor.u32 $0x38, s6;
	s18 =	sadd.s32 s4, s16;
	[dreg:$0x18] =	wrdreg s17  }
0x16: {  	s0 =	sadd.s32 s0, s20;
	[dreg:$0x19] =	wrdreg s18  }
0x17: {  	[dreg:$0x1c] =	wrdreg s0  }
0x18: {  	s23 =	sadd.s32 s4, s6;
	s22 =	rddreg [dreg:$0x5]  }
0x19: {  	s4 =	sadd.s32 s4, s20;
	[dreg:$0x1d] =	wrdreg s23  }
0x1a: {  	[dreg:$0x1e] =	wrdreg s4  }
0x1b: {  	v0 =	vimm.s32 $0xEFCDAB89;
	v1 =	vimm.s32 $0x67452301;
	v2 =	vimm.s32 $0xDCFE98BA;
	s7 =	sadd.s32 s3, s26;
	s8 =	sadd.s32 s3, s30;
	s25 =	rddreg [dreg:$0x6]  }
0x1c: {  	v3 =	vimm.s32 $0x54761032;
	v4 =	vimm.s32 $0xBA98FEDC;
	v5 =	vimm.s32 $0x32107654;
	s24 =	sadd.s32 s3, s20;
	s26 =	rddreg [dreg:$0x7];
	s28 =	sshll.u32 s9, $0x6  }
0x1d: {  	v6 =	vimm.s32 $0xFEDCBA98;
	v7 =	vimm.s32 $0x76543210;
	s13 =	simm.s32 $0x400;
	s14 =	simm.s32 $0x480;
	[dreg:$0x11] =	wrdreg s7  }
0x1e: {  	v0 =	vunpack.c.l.s4.s8 v0;
	v1 =	vunpack.c.l.s4.s8 v1;
	v2 =	vunpack.c.l.s4.s8 v2;
	s9 =	simm.s32 $0x4;
	s10 =	simm.s32 $0x5;
	[dreg:$0x14] =	wrdreg s8  }
0x1f: {  	v3 =	vunpack.c.l.s4.s8 v3;
	v4 =	vunpack.c.l.s4.s8 v4;
	v5 =	vunpack.c.l.s4.s8 v5;
	s11 =	simm.s32 $0x0;
	s7 =	sadd.s32 s3, s12;
	[dreg:$0x1f] =	wrdreg s24  }
0x20: {  	v6 =	vunpack.c.l.s4.s8 v6;
	v7 =	vunpack.c.l.s4.s8 v7;
	v0 =	vunpack.c.0.s8.s32 v0;
	s4 =	sadd.s32 s25, s6;
	s29 =	smin.u32 s28, $0x3A8;
	s31 =	sadd.s32 $0x800, s26  }
0x21: {  	v1 =	vunpack.c.0.s8.s32 v1;
	v2 =	vunpack.c.0.s8.s32 v2;
	v3 =	vunpack.c.0.s8.s32 v3;
	s8 =	simm.s32 $0x1;
	[dreg:$0x17] =	wrdreg s7;
	s7 =	sadd.s32 s3, s16  }
0x22: {  	v4 =	vunpack.c.0.s8.s32 v4;
	v5 =	vunpack.c.0.s8.s32 v5;
	v6 =	vunpack.c.0.s8.s32 v6;
	s3 =	sadd.s32 s3, s6;
	[smem:$0x7FC] =	sst s4;
	s30 =	sshll.u32 s29, $0x4  }
0x23: {  	v7 =	vunpack.c.0.s8.s32 v7;
	v0 =	vcombine.low v1, v0;
	s4 =	simm.s32 $0x40;
	s6 =	simm.s32 $0x80;
	[dreg:$0x1a] =	wrdreg s7  }
0x24: {  	v1 =	vcombine.low v3, v2;
	v2 =	vcombine.low v5, v4;
	v4 =	vand.u32 $0xF, v6;
	[smem:$0x7FB] =	sst s3;
	s0 =	sadd.s32 s22, s30;
	s3 =	smax.u32 s5, $0x1  }
0x25: {  	v3 =	vimm.f32 $-5.000000000e-01;
	v5 =	vlaneseq.u32;
	v4 =	vcombine.low v4, v7;
	_ =	strace $0x80000047;
	[smem:$0x7FD] =	sst s0;
	s0 =	sadd.s32 s31, s30  }
.LBB2_1:
0x26: {  	s5 =	sld [smem:$0x7FD];
	_ =	sdelay $0x1  }
0x27: {  	s7 =	simm.s32 $0x14A00;
	s12 =	rddreg [dreg:$0x1b]  }
0x28: {  	[tilespmem:s7], [sflag:$0x4] =	stream.linear.gather [hbm4b:s5+s2], $0x2000, $0x38;
	[tilespmem:$0x18A00] =	vst v63  }
0x29: {  	s15 =	rddreg [dreg:$0x1d]  }
0x2a: {  	[tilespmem:s2], [sflag:$0x1] =	stream.linear.gather [hbm4b:s12+s2], $0x40, $0x38;
	[tilespmem:$0x18A00] =	vst v63  }
0x2b: {  	s16 =	sld [smem:$0x7FB]  }
0x2c: {  	[tilespmem:s4], [sflag:$0x1] =	stream.linear.gather [hbm4b:s15+s2], $0x40, $0x38;
	[tilespmem:$0x18A00] =	vst v63  }
0x2d: {  	_ = 	snop  }
0x2e: {  	[tilespmem:s13], [sflag:$0x1] =	stream.linear.gather [hbm4b:s16+s2], $0x40, $0x38;
	[tilespmem:$0x18A00] =	vst v63  }
0x2f: {  	s17 =	rddreg [dreg:$0x9]  }
0x30: {  	[tilespmem:s6], [sflag:$0x1] =	stream.linear.gather [hbm4b:s17+s2], $0x40, $0x38;
	[tilespmem:$0x18A00] =	vst v63  }
0x31: {  	s18 =	rddreg [dreg:$0xa];
	s19 =	simm.s32 $0xC0  }
0x32: {  	[tilespmem:s19], [sflag:$0x1] =	stream.linear.gather [hbm4b:s18+s2], $0x40, $0x38;
	[tilespmem:$0x18A00] =	vst v63  }
0x33: {  	s20 =	rddreg [dreg:$0xb]  }
0x34: {  	[tilespmem:s14], [sflag:$0x1] =	stream.linear.gather [hbm4b:s20+s2], $0x40, $0x38;
	[tilespmem:$0x18A00] =	vst v63  }
0x35: {  	s22 =	rddreg [dreg:$0xc];
	s23 =	simm.s32 $0x100  }
0x36: {  	[tilespmem:s23], [sflag:$0x1] =	stream.linear.gather [hbm4b:s22+s2], $0x40, $0x38;
	[tilespmem:$0x18A00] =	vst v63  }
0x37: {  	s24 =	rddreg [dreg:$0xd];
	s25 =	simm.s32 $0x140  }
0x38: {  	[tilespmem:s25], [sflag:$0x1] =	stream.linear.gather [hbm4b:s24+s2], $0x40, $0x38;
	[tilespmem:$0x18A00] =	vst v63  }
0x39: {  	s26 =	rddreg [dreg:$0xe];
	s28 =	simm.s32 $0x500  }
0x3a: {  	[tilespmem:s28], [sflag:$0x1] =	stream.linear.gather [hbm4b:s26+s2], $0x40, $0x38;
	[tilespmem:$0x18A00] =	vst v63  }
0x3b: {  	s29 =	rddreg [dreg:$0xf];
	s30 =	simm.s32 $0x180  }
0x3c: {  	[tilespmem:s30], [sflag:$0x1] =	stream.linear.gather [hbm4b:s29+s2], $0x40, $0x38;
	[tilespmem:$0x18A00] =	vst v63  }
0x3d: {  	s7 =	rddreg [dreg:$0x10];
	s12 =	simm.s32 $0x1C0  }
0x3e: {  	[tilespmem:s12], [sflag:$0x1] =	stream.linear.gather [hbm4b:s7+s2], $0x40, $0x38;
	[tilespmem:$0x18A00] =	vst v63  }
0x3f: {  	s15 =	rddreg [dreg:$0x11];
	s16 =	simm.s32 $0x580  }
0x40: {  	[tilespmem:s16], [sflag:$0x1] =	stream.linear.gather [hbm4b:s15+s2], $0x40, $0x38;
	[tilespmem:$0x18A00] =	vst v63  }
0x41: {  	s17 =	rddreg [dreg:$0x12];
	s18 =	simm.s32 $0x200  }
0x42: {  	[tilespmem:s18], [sflag:$0x1] =	stream.linear.gather [hbm4b:s17+s2], $0x40, $0x38;
	[tilespmem:$0x18A00] =	vst v63  }
0x43: {  	s19 =	rddreg [dreg:$0x13];
	s20 =	simm.s32 $0x240  }
0x44: {  	[tilespmem:s20], [sflag:$0x1] =	stream.linear.gather [hbm4b:s19+s2], $0x40, $0x38;
	[tilespmem:$0x18A00] =	vst v63  }
0x45: {  	s22 =	rddreg [dreg:$0x14];
	s23 =	simm.s32 $0x600  }
0x46: {  	[tilespmem:s23], [sflag:$0x1] =	stream.linear.gather [hbm4b:s22+s2], $0x40, $0x38;
	[tilespmem:$0x18A00] =	vst v63  }
0x47: {  	s24 =	rddreg [dreg:$0x15];
	s25 =	simm.s32 $0x280  }
0x48: {  	[tilespmem:s25], [sflag:$0x1] =	stream.linear.gather [hbm4b:s24+s2], $0x40, $0x38;
	[tilespmem:$0x18A00] =	vst v63  }
0x49: {  	s26 =	rddreg [dreg:$0x16];
	s28 =	simm.s32 $0x2C0  }
0x4a: {  	[tilespmem:s28], [sflag:$0x1] =	stream.linear.gather [hbm4b:s26+s2], $0x40, $0x38;
	[tilespmem:$0x18A00] =	vst v63  }
0x4b: {  	s29 =	rddreg [dreg:$0x17];
	s30 =	simm.s32 $0x680  }
0x4c: {  	[tilespmem:s30], [sflag:$0x1] =	stream.linear.gather [hbm4b:s29+s2], $0x40, $0x38;
	[tilespmem:$0x18A00] =	vst v63  }
0x4d: {  	s7 =	rddreg [dreg:$0x18];
	s12 =	simm.s32 $0x300  }
0x4e: {  	[tilespmem:s12], [sflag:$0x1] =	stream.linear.gather [hbm4b:s7+s2], $0x40, $0x38;
	[tilespmem:$0x18A00] =	vst v63  }
0x4f: {  	s15 =	rddreg [dreg:$0x19];
	s16 =	simm.s32 $0x340  }
0x50: {  	[tilespmem:s16], [sflag:$0x1] =	stream.linear.gather [hbm4b:s15+s2], $0x40, $0x38;
	[tilespmem:$0x18A00] =	vst v63  }
0x51: {  	s17 =	rddreg [dreg:$0x1a];
	s18 =	simm.s32 $0x700  }
0x52: {  	[tilespmem:s18], [sflag:$0x1] =	stream.linear.gather [hbm4b:s17+s2], $0x40, $0x38;
	[tilespmem:$0x18A00] =	vst v63  }
0x53: {  	s19 =	rddreg [dreg:$0x1c];
	s20 =	simm.s32 $0x380  }
0x54: {  	[tilespmem:s20], [sflag:$0x1] =	stream.linear.gather [hbm4b:s19+s2], $0x40, $0x38;
	[tilespmem:$0x18A00] =	vst v63  }
0x55: {  	s22 =	rddreg [dreg:$0x1e];
	s23 =	simm.s32 $0x3C0  }
0x56: {  	[tilespmem:s23], [sflag:$0x1] =	stream.linear.gather [hbm4b:s22+s2], $0x40, $0x38;
	[tilespmem:$0x18A00] =	vst v63  }
0x57: {  	s24 =	rddreg [dreg:$0x1f];
	s25 =	simm.s32 $0x780  }
0x58: {  	[tilespmem:s25], [sflag:$0x1] =	stream.linear.gather [hbm4b:s24+s2], $0x40, $0x38;
	[tilespmem:$0x18A00] =	vst v63  }
0x59: {  	_ =	swait.ge [sflag:s8], $0x40  }
0x5a: {  	[sflag:s8] =	ssyncset.done $0x0  }
0x5b: {  	[sflag:s8] =	ssyncadd.s32 $0xFFFFFFC0  }
0x5c: {  	_ =	swait.ge [sflag:s8], $0x40  }
0x5d: {  	[sflag:s8] =	ssyncset.done $0x0  }
0x5e: {  	[sflag:s8] =	ssyncadd.s32 $0xFFFFFFC0  }
0x5f: {  	_ =	swait.ge [sflag:s8], $0x40  }
0x60: {  	[sflag:s8] =	ssyncset.done $0x0  }
0x61: {  	[sflag:s8] =	ssyncadd.s32 $0xFFFFFFC0  }
0x62: {  	_ =	swait.ge [sflag:s8], $0x40  }
0x63: {  	[sflag:s8] =	ssyncset.done $0x0  }
0x64: {  	[sflag:s8] =	ssyncadd.s32 $0xFFFFFFC0  }
0x65: {  	_ =	swait.ge [sflag:s8], $0x40  }
0x66: {  	[sflag:s8] =	ssyncset.done $0x0  }
0x67: {  	[sflag:s8] =	ssyncadd.s32 $0xFFFFFFC0  }
0x68: {  	_ =	swait.ge [sflag:s8], $0x40  }
0x69: {  	[sflag:s8] =	ssyncset.done $0x0  }
0x6a: {  	[sflag:s8] =	ssyncadd.s32 $0xFFFFFFC0  }
0x6b: {  	_ =	swait.ge [sflag:s8], $0x40  }
0x6c: {  	[sflag:s8] =	ssyncset.done $0x0  }
0x6d: {  	[sflag:s8] =	ssyncadd.s32 $0xFFFFFFC0  }
0x6e: {  	_ =	swait.ge [sflag:s8], $0x40  }
0x6f: {  	[sflag:s8] =	ssyncset.done $0x0  }
0x70: {  	[sflag:s8] =	ssyncadd.s32 $0xFFFFFFC0  }
0x71: {  	_ =	swait.ge [sflag:s8], $0x40  }
0x72: {  	[sflag:s8] =	ssyncset.done $0x0  }
0x73: {  	[sflag:s8] =	ssyncadd.s32 $0xFFFFFFC0  }
0x74: {  	_ =	swait.ge [sflag:s8], $0x40  }
0x75: {  	[sflag:s8] =	ssyncset.done $0x0  }
0x76: {  	[sflag:s8] =	ssyncadd.s32 $0xFFFFFFC0  }
0x77: {  	_ =	swait.ge [sflag:s8], $0x40  }
0x78: {  	[sflag:s8] =	ssyncset.done $0x0  }
0x79: {  	[sflag:s8] =	ssyncadd.s32 $0xFFFFFFC0  }
0x7a: {  	_ =	swait.ge [sflag:s8], $0x40  }
0x7b: {  	[sflag:s8] =	ssyncset.done $0x0  }
0x7c: {  	[sflag:s8] =	ssyncadd.s32 $0xFFFFFFC0  }
0x7d: {  	_ =	swait.ge [sflag:s8], $0x40  }
0x7e: {  	[sflag:s8] =	ssyncset.done $0x0  }
0x7f: {  	[sflag:s8] =	ssyncadd.s32 $0xFFFFFFC0  }
0x80: {  	_ =	swait.ge [sflag:s8], $0x40  }
0x81: {  	[sflag:s8] =	ssyncset.done $0x0  }
0x82: {  	[sflag:s8] =	ssyncadd.s32 $0xFFFFFFC0  }
0x83: {  	_ =	swait.ge [sflag:s8], $0x40  }
0x84: {  	[sflag:s8] =	ssyncset.done $0x0  }
0x85: {  	[sflag:s8] =	ssyncadd.s32 $0xFFFFFFC0  }
0x86: {  	_ =	swait.ge [sflag:s8], $0x40  }
0x87: {  	[sflag:s8] =	ssyncset.done $0x0  }
0x88: {  	[sflag:s8] =	ssyncadd.s32 $0xFFFFFFC0  }
0x89: {  	_ =	swait.ge [sflag:s8], $0x40  }
0x8a: {  	[sflag:s8] =	ssyncset.done $0x0  }
0x8b: {  	[sflag:s8] =	ssyncadd.s32 $0xFFFFFFC0  }
0x8c: {  	_ =	swait.ge [sflag:s8], $0x40  }
0x8d: {  	[sflag:s8] =	ssyncset.done $0x0  }
0x8e: {  	[sflag:s8] =	ssyncadd.s32 $0xFFFFFFC0  }
0x8f: {  	_ =	swait.ge [sflag:s8], $0x40  }
0x90: {  	[sflag:s8] =	ssyncset.done $0x0  }
0x91: {  	[sflag:s8] =	ssyncadd.s32 $0xFFFFFFC0  }
0x92: {  	_ =	swait.ge [sflag:s8], $0x40  }
0x93: {  	[sflag:s8] =	ssyncset.done $0x0  }
0x94: {  	[sflag:s8] =	ssyncadd.s32 $0xFFFFFFC0  }
0x95: {  	_ =	swait.ge [sflag:s8], $0x40  }
0x96: {  	[sflag:s8] =	ssyncset.done $0x0  }
0x97: {  	[sflag:s8] =	ssyncadd.s32 $0xFFFFFFC0  }
0x98: {  	_ =	swait.ge [sflag:s8], $0x40  }
0x99: {  	[sflag:s8] =	ssyncset.done $0x0  }
0x9a: {  	[sflag:s8] =	ssyncadd.s32 $0xFFFFFFC0  }
0x9b: {  	_ =	swait.ge [sflag:s8], $0x40  }
0x9c: {  	[sflag:s8] =	ssyncset.done $0x0  }
0x9d: {  	[sflag:s8] =	ssyncadd.s32 $0xFFFFFFC0  }
0x9e: {  	_ =	swait.ge [sflag:s8], $0x40  }
0x9f: {  	[sflag:s8] =	ssyncset.done $0x0  }
0xa0: {  	s26 =	simm.s32 $0x800;
	[sflag:s8] =	ssyncadd.s32 $0xFFFFFFC0  }
0xa1: {  	[tilespmem:s26], [sflag:$0x2] =	stream.indirect.gather [hbm4b:s1+s6], $0x80, s2, s6, $0xb8;
	[tilespmem:$0x18A00] =	vst v63  }
0xa2: {  	s28 =	simm.s32 $0x8800  }
0xa3: {  	[tilespmem:s28], [sflag:$0x2] =	stream.indirect.gather [hbm4b:s21+s6], $0x80, s2, s6, $0xb8;
	[tilespmem:$0x18A00] =	vst v63  }
0xa4: {  	s29 =	simm.s32 $0x4800  }
0xa5: {  	[tilespmem:s29], [sflag:$0x3] =	stream.indirect.gather [hbm4b:s1+s6], $0x80, s6, s6, $0xb8;
	[tilespmem:$0x18A00] =	vst v63  }
0xa6: {  	s30 =	simm.s32 $0xC800  }
0xa7: {  	[tilespmem:s30], [sflag:$0x3] =	stream.indirect.gather [hbm4b:s21+s6], $0x80, s6, s6, $0xb8;
	[tilespmem:$0x18A00] =	vst v63  }
0xa8: {  	_ =	swait.ge [sflag:s9], $0x2000  }
0xa9: {  	[sflag:s9] =	ssyncset.done $0x0  }
0xaa: {  	s12 =	simm.s32 $0x0;
	[sflag:s9] =	ssyncadd.s32 $0xFFFFE000  }
0xab: {  	v6 =	vld [tilespmem:s12+$0x14A70]  }
0xac: {  	v7 =	vld [tilespmem:s12+$0x14A00]  }
0xad: {  	v8 =	vld [tilespmem:s12+$0x14A10]  }
0xae: {  	v9 =	vld [tilespmem:s12+$0x14A20]  }
0xaf: {  	v10 =	vld [tilespmem:s12+$0x14A30]  }
0xb0: {  	v11 =	vld [tilespmem:s12+$0x14A40]  }
0xb1: {  	v13 =	vld [tilespmem:s12+$0x14A50]  }
0xb2: {  	v16 =	vld [tilespmem:s12+$0x14A60];
	vm0 =	vge.f32 v6, $0.0e+00  }
0xb3: {  	v12 =	vmul.f32 $1.591549370e-01, v6;
	vm1 =	vge.f32 v7, $0.0e+00;
	v15 =	vmul.f32 $1.591549370e-01, v7  }
0xb4: {  	vm13 =	vge.f32 v8, $0.0e+00;
	vm14 =	vge.f32 v9, $0.0e+00;
	v18 =	vmul.f32 $1.591549370e-01, v9  }
0xb5: {  	vm2 =	vge.f32 v10, $0.0e+00;
	v19 =	vmul.f32 $1.591549370e-01, v10;
	vm3 =	vge.f32 v11, $0.0e+00  }
0xb6: {  	v20 =	vmul.f32 $1.591549370e-01, v11;
	vm15 =	vge.f32 v13, $0.0e+00;
	v22 =	vmul.f32 $1.591549370e-01, v13  }
0xb7: {  	v23 =	vmul.f32 $1.591549370e-01, v16;
	v14 =	vsel vm0, $0x3F000000, v3;
	v17 =	vsel vm1, $0x3F000000, v3  }
0xb8: {  	v24 =	vsel vm14, $0x3F000000, v3;
	v25 =	vsel vm2, $0x3F000000, v3;
	v12 =	vadd.f32 v14, v12  }
0xb9: {  	v26 =	vsel vm3, $0x3F000000, v3;
	v15 =	vadd.f32 v17, v15;
	v17 =	vadd.f32 v24, v18  }
0xba: {  	v27 =	vsel vm15, $0x3F000000, v3;
	v18 =	vadd.f32 v25, v19;
	v19 =	vadd.f32 v26, v20  }
0xbb: {  	v14 =	vmul.f32 $1.591549370e-01, v8;
	v20 =	vadd.f32 v27, v22;
	v12 =	vtrunc.f32 v12  }
0xbc: {  	v21 =	vsel vm13, $0x3F000000, v3;
	v15 =	vtrunc.f32 v15;
	v19 =	vtrunc.f32 v19  }
0xbd: {  	v14 =	vadd.f32 v21, v14;
	v20 =	vtrunc.f32 v20;
	v12 =	vcvt.f32.s32 v12  }
0xbe: {  	v15 =	vcvt.f32.s32 v15;
	v19 =	vcvt.f32.s32 v19  }
0xbf: {  	v20 =	vcvt.f32.s32 v20;
	v14 =	vtrunc.f32 v14  }
0xc0: {  	v12 =	vcvt.s32.f32 v12;
	v14 =	vcvt.f32.s32 v14  }
0xc1: {  	v15 =	vcvt.s32.f32 v15;
	v19 =	vcvt.s32.f32 v19  }
0xc2: {  	v20 =	vcvt.s32.f32 v20;
	v28 =	vmul.f32 $6.283185480e+00, v12  }
0xc3: {  	vm4 =	vge.f32 v16, $0.0e+00;
	v12 =	vmul.f32 $1.748455530e-07, v12;
	v14 =	vcvt.s32.f32 v14  }
0xc4: {  	v42 =	vmul.f32 $6.283185480e+00, v15;
	v46 =	vmul.f32 $6.283185480e+00, v19;
	v6 =	vsub.f32 v6, v28  }
0xc5: {  	v29 =	vsel vm4, $0x3F000000, v3;
	v47 =	vmul.f32 $6.283185480e+00, v20;
	v15 =	vmul.f32 $1.748455530e-07, v15  }
0xc6: {  	v43 =	vmul.f32 $6.283185480e+00, v14;
	v14 =	vmul.f32 $1.748455530e-07, v14;
	v6 =	vadd.f32 v12, v6  }
0xc7: {  	v12 =	vtrunc.f32 v17;
	v17 =	vtrunc.f32 v18;
	v18 =	vadd.f32 v29, v23  }
0xc8: {  	v8 =	vsub.f32 v8, v43;
	v12 =	vcvt.f32.s32 v12;
	v17 =	vcvt.f32.s32 v17  }
0xc9: {  	v39 =	vmul.f32 v6, v6;
	v18 =	vtrunc.f32 v18  }
0xca: {  	v8 =	vadd.f32 v14, v8;
	v14 =	vmul.f32 $1.748455530e-07, v20;
	v18 =	vcvt.f32.s32 v18  }
0xcb: {  	v7 =	vsub.f32 v7, v42;
	v12 =	vcvt.s32.f32 v12;
	v17 =	vcvt.s32.f32 v17  }
0xcc: {  	v11 =	vsub.f32 v11, v46;
	v40 =	vmul.f32 $1.906475880e-05, v39;
	v41 =	vmul.f32 $1.477364570e-04, v39  }
0xcd: {  	v13 =	vsub.f32 v13, v47;
	v18 =	vcvt.s32.f32 v18;
	v44 =	vmul.f32 $6.283185480e+00, v12  }
0xce: {  	v7 =	vadd.f32 v15, v7;
	v45 =	vmul.f32 $6.283185480e+00, v17;
	v12 =	vmul.f32 $1.748455530e-07, v12  }
0xcf: {  	v13 =	vadd.f32 v14, v13;
	v15 =	vmul.f32 $1.748455530e-07, v17;
	v17 =	vmul.f32 $1.748455530e-07, v19  }
0xd0: {  	v19 =	vmul.f32 v7, v7;
	v22 =	vadd.f32 $-1.344099410e-03, v40;
	v23 =	vsub.f32 $7.998520500e-03, v41  }
0xd1: {  	v49 =	vmul.f32 v13, v13;
	v48 =	vmul.f32 $6.283185480e+00, v18;
	v9 =	vsub.f32 v9, v44  }
0xd2: {  	v10 =	vsub.f32 v10, v45;
	v18 =	vmul.f32 $1.748455530e-07, v18;
	v22 =	vmul.f32 v22, v39  }
0xd3: {  	v11 =	vadd.f32 v17, v11;
	v23 =	vmul.f32 v23, v39;
	v55 =	vmul.f32 $1.906475880e-05, v49  }
0xd4: {  	v33 =	vmul.f32 $1.477364570e-04, v49;
	v16 =	vsub.f32 v16, v48;
	v9 =	vadd.f32 v12, v9  }
0xd5: {  	v10 =	vadd.f32 v15, v10;
	v12 =	vmul.f32 v8, v8;
	v15 =	vmul.f32 $1.906475880e-05, v19  }
0xd6: {  	v20 =	vmul.f32 v11, v11;
	v22 =	vadd.f32 $4.152226820e-02, v22;
	v23 =	vadd.f32 $-1.658382270e-01, v23  }
0xd7: {  	v14 =	vmul.f32 v9, v9;
	v16 =	vadd.f32 v18, v16;
	v18 =	vmul.f32 v10, v10  }
0xd8: {  	v27 =	vadd.f32 $-1.344099410e-03, v55;
	v51 =	vmul.f32 $1.906475880e-05, v12;
	v54 =	vmul.f32 $1.906475880e-05, v20  }
0xd9: {  	v33 =	vsub.f32 $7.998520500e-03, v33;
	v57 =	vmul.f32 $1.477364570e-04, v12;
	v32 =	vmul.f32 $1.477364570e-04, v20  }
0xda: {  	v22 =	vmul.f32 v22, v39;
	v23 =	vmul.f32 v23, v39  }
0xdb: {  	v15 =	vadd.f32 $-1.344099410e-03, v15;
	v27 =	vmul.f32 v27, v49;
	v33 =	vmul.f32 v33, v49  }
0xdc: {  	v50 =	vmul.f32 v16, v16;
	v52 =	vmul.f32 $1.906475880e-05, v14;
	v26 =	vadd.f32 $-1.344099410e-03, v54  }
0xdd: {  	v15 =	vmul.f32 v15, v19;
	v29 =	vsub.f32 $7.998520500e-03, v57;
	v32 =	vsub.f32 $7.998520500e-03, v32  }
0xde: {  	v30 =	vmul.f32 $1.477364570e-04, v14;
	v22 =	vadd.f32 $-4.998375480e-01, v22;
	v23 =	vadd.f32 $9.994499680e-01, v23  }
0xdf: {  	v31 =	vmul.f32 $1.477364570e-04, v18;
	v27 =	vadd.f32 $4.152226820e-02, v27;
	v33 =	vadd.f32 $-1.658382270e-01, v33  }
0xe0: {  	v15 =	vadd.f32 $4.152226820e-02, v15;
	v56 =	vmul.f32 $1.906475880e-05, v50;
	v24 =	vadd.f32 $-1.344099410e-03, v52  }
0xe1: {  	v30 =	vsub.f32 $7.998520500e-03, v30;
	v26 =	vmul.f32 v26, v20;
	v29 =	vmul.f32 v29, v12  }
0xe2: {  	v31 =	vsub.f32 $7.998520500e-03, v31;
	v32 =	vmul.f32 v32, v20;
	v21 =	vmul.f32 v22, v39  }
0xe3: {  	v6 =	vmul.f32 v23, v6;
	v23 =	vadd.f32 $-1.344099410e-03, v51;
	v27 =	vmul.f32 v27, v49  }
0xe4: {  	v33 =	vmul.f32 v33, v49;
	v15 =	vmul.f32 v15, v19;
	v28 =	vadd.f32 $-1.344099410e-03, v56  }
0xe5: {  	v24 =	vmul.f32 v24, v14;
	v30 =	vmul.f32 v30, v14;
	v26 =	vadd.f32 $4.152226820e-02, v26  }
0xe6: {  	v31 =	vmul.f32 v31, v18;
	v29 =	vadd.f32 $-1.658382270e-01, v29;
	v32 =	vadd.f32 $-1.658382270e-01, v32  }
0xe7: {  	v21 =	vadd.f32 $9.999710910e-01, v21;
	v6 =	vadd.s32 $0x8000, v6;
	v23 =	vmul.f32 v23, v12  }
0xe8: {  	v27 =	vadd.f32 $-4.998375480e-01, v27;
	v60 =	vadd.f32 $9.994499680e-01, v33;
	v6 =	vshrl.u32 v6, $0x10  }
0xe9: {  	v15 =	vadd.f32 $-4.998375480e-01, v15;
	v28 =	vmul.f32 v28, v50;
	v24 =	vadd.f32 $4.152226820e-02, v24  }
0xea: {  	v30 =	vadd.f32 $-1.658382270e-01, v30;
	v26 =	vmul.f32 v26, v20;
	v21 =	vadd.s32 $0x8000, v21  }
0xeb: {  	v31 =	vadd.f32 $-1.658382270e-01, v31;
	v29 =	vmul.f32 v29, v12;
	v17 =	vand.u32 $0xFFFF0000, v21  }
0xec: {  	v32 =	vmul.f32 v32, v20;
	v53 =	vor.u32 v6, v17;
	v6 =	vmul.f32 $1.477364570e-04, v19  }
0xed: {  	v23 =	vadd.f32 $4.152226820e-02, v23;
	v15 =	vmul.f32 v15, v19;
	v28 =	vadd.f32 $4.152226820e-02, v28  }
0xee: {  	v24 =	vmul.f32 v24, v14;
	v30 =	vmul.f32 v30, v14;
	v6 =	vsub.f32 $7.998520500e-03, v6  }
0xef: {  	v26 =	vadd.f32 $-4.998375480e-01, v26;
	v29 =	vadd.f32 $9.994499680e-01, v29;
	v17 =	vmul.f32 $1.906475880e-05, v18  }
0xf0: {  	v21 =	vmul.f32 v27, v49;
	v59 =	vadd.f32 $9.994499680e-01, v32;
	v6 =	vmul.f32 v6, v19  }
0xf1: {  	v23 =	vmul.f32 v23, v12;
	v24 =	vadd.f32 $-4.998375480e-01, v24;
	v17 =	vadd.f32 $-1.344099410e-03, v17  }
0xf2: {  	v28 =	vmul.f32 v28, v50;
	v58 =	vadd.f32 $9.994499680e-01, v30;
	v6 =	vadd.f32 $-1.658382270e-01, v6  }
0xf3: {  	v20 =	vmul.f32 v26, v20;
	v23 =	vadd.f32 $-4.998375480e-01, v23;
	v17 =	vmul.f32 v17, v18  }
0xf4: {  	v28 =	vadd.f32 $-4.998375480e-01, v28;
	v6 =	vmul.f32 v6, v19;
	v19 =	vmul.f32 $1.477364570e-04, v50  }
0xf5: {  	v14 =	vmul.f32 v24, v14;
	v12 =	vmul.f32 v23, v12;
	v17 =	vadd.f32 $4.152226820e-02, v17  }
0xf6: {  	v62 =	vmul.f32 v29, v8;
	v22 =	vmul.f32 v28, v50;
	v19 =	vsub.f32 $7.998520500e-03, v19  }
0xf7: {  	v8 =	vadd.f32 $9.999710910e-01, v12;
	v12 =	vadd.f32 $9.999710910e-01, v14;
	v17 =	vmul.f32 v17, v18  }
0xf8: {  	v14 =	vadd.f32 $9.999710910e-01, v20;
	v20 =	vadd.f32 $9.999710910e-01, v21;
	v19 =	vmul.f32 v19, v50  }
0xf9: {  	v31 =	vmul.f32 v31, v18;
	v63 =	vadd.f32 $9.999710910e-01, v22;
	v17 =	vadd.f32 $-4.998375480e-01, v17  }
0xfa: {  	v6 =	vadd.f32 $9.994499680e-01, v6;
	v19 =	vadd.f32 $-1.658382270e-01, v19  }
0xfb: {  	v8 =	vadd.s32 $0x8000, v8;
	v17 =	vmul.f32 v17, v18;
	v18 =	vadd.f32 $9.994499680e-01, v31  }
0xfc: {  	v61 =	vmul.f32 v6, v7;
	v7 =	vadd.f32 $9.999710910e-01, v15;
	v19 =	vmul.f32 v19, v50  }
0xfd: {  	v6 =	vmul.f32 v58, v9;
	v9 =	vadd.f32 $9.999710910e-01, v17;
	v10 =	vmul.f32 v18, v10  }
0xfe: {  	v15 =	vadd.s32 $0x8000, v7;
	v17 =	vmul.f32 v59, v11;
	v19 =	vadd.f32 $9.994499680e-01, v19  }
0xff: {  	v7 =	vmul.f32 v60, v13;
	v11 =	vadd.s32 $0x8000, v12;
	v12 =	vadd.s32 $0x8000, v20  }
0x100: {  	v13 =	vadd.s32 $0x8000, v61;
	v18 =	vmul.f32 v19, v16;
	v16 =	vadd.s32 $0x8000, v9  }
0x101: {  	s5 =	simm.s32 $0x80;
	s7 =	simm.s32 $0x400;
	[tilespmem:s12+$0x16A70] =	vst v53;
	v9 =	vadd.s32 $0x8000, v14;
	v14 =	vadd.s32 $0x8000, v62;
	v19 =	vadd.s32 $0x8000, v63  }
.LBB2_2:
0x102: {  	p0 =	sne.s32 s7, $0x7E00;
	v20 =	vld [tilespmem:s5+$0x14A70];
	v21 =	vadd.s32 $0x8000, v6;
	v22 =	vadd.s32 $0x8000, v10;
	v17 =	vadd.s32 $0x8000, v17  }
0x103: {  	v15 =	vand.u32 $0xFFFF0000, v15;
	v23 =	vadd.s32 $0x8000, v7;
	v18 =	vadd.s32 $0x8000, v18;
	v10 =	vld [tilespmem:s5+$0x14A00]  }
0x104: {  	v24 =	vand.u32 $0xFFFF0000, v8;
	v25 =	vand.u32 $0xFFFF0000, v11;
	v16 =	vand.u32 $0xFFFF0000, v16;
	v7 =	vld [tilespmem:s5+$0x14A10]  }
0x105: {  	v26 =	vand.u32 $0xFFFF0000, v9;
	v27 =	vand.u32 $0xFFFF0000, v12;
	v6 =	vand.u32 $0xFFFF0000, v19;
	v8 =	vld [tilespmem:s5+$0x14A20]  }
0x106: {  	v19 =	vshrl.u32 v13, $0x10;
	v14 =	vshrl.u32 v14, $0x10;
	v21 =	vshrl.u32 v21, $0x10;
	v9 =	vld [tilespmem:s5+$0x14A30]  }
0x107: {  	v22 =	vshrl.u32 v22, $0x10;
	v11 =	vld [tilespmem:s5+$0x14A40];
	vm0 =	vge.f32 v20, $0.0e+00;
	v28 =	vmul.f32 $1.591549370e-01, v20  }
0x108: {  	vm1 =	vge.f32 v10, $0.0e+00;
	v29 =	vmul.f32 $1.591549370e-01, v10;
	v12 =	vld [tilespmem:s5+$0x14A50];
	v30 =	vsel vm0, $0x3F000000, v3  }
0x109: {  	vm0 =	vge.f32 v7, $0.0e+00;
	v31 =	vmul.f32 $1.591549370e-01, v7;
	v13 =	vld [tilespmem:s5+$0x14A60];
	v28 =	vadd.f32 v30, v28  }
0x10a: {  	v30 =	vsel vm1, $0x3F000000, v3;
	vm1 =	vge.f32 v8, $0.0e+00;
	v32 =	vmul.f32 $1.591549370e-01, v8  }
0x10b: {  	vm2 =	vge.f32 v9, $0.0e+00;
	v33 =	vmul.f32 $1.591549370e-01, v9;
	v28 =	vtrunc.f32 v28  }
0x10c: {  	vm3 =	vge.f32 v11, $0.0e+00;
	v34 =	vmul.f32 $1.591549370e-01, v11;
	v28 =	vcvt.f32.s32 v28  }
0x10d: {  	v35 =	vsel vm0, $0x3F000000, v3;
	vm0 =	vge.f32 v12, $0.0e+00;
	v36 =	vmul.f32 $1.591549370e-01, v12  }
0x10e: {  	vm4 =	vge.f32 v13, $0.0e+00;
	v37 =	vmul.f32 $1.591549370e-01, v13;
	v28 =	vcvt.s32.f32 v28  }
0x10f: {  	v38 =	vsel vm1, $0x3F000000, v3;
	v39 =	vsel vm2, $0x3F000000, v3;
	v40 =	vsel vm3, $0x3F000000, v3  }
0x110: {  	v41 =	vsel vm0, $0x3F000000, v3;
	v42 =	vsel vm4, $0x3F000000, v3;
	v43 =	vmul.f32 $6.283185480e+00, v28  }
0x111: {  	v17 =	vshrl.u32 v17, $0x10;
	v29 =	vadd.f32 v30, v29;
	v30 =	vadd.f32 v35, v31  }
0x112: {  	v31 =	vadd.f32 v38, v32;
	v28 =	vmul.f32 $1.748455530e-07, v28;
	v20 =	vsub.f32 v20, v43  }
0x113: {  	v29 =	vtrunc.f32 v29;
	v32 =	vadd.f32 v39, v33;
	v33 =	vadd.f32 v40, v34  }
0x114: {  	v30 =	vtrunc.f32 v30;
	v34 =	vadd.f32 v41, v36;
	v20 =	vadd.f32 v28, v20  }
0x115: {  	v28 =	vtrunc.f32 v31;
	v31 =	vtrunc.f32 v32;
	v32 =	vadd.f32 v42, v37  }
0x116: {  	v23 =	vshrl.u32 v23, $0x10;
	v33 =	vtrunc.f32 v33;
	v35 =	vmul.f32 v20, v20  }
0x117: {  	v18 =	vshrl.u32 v18, $0x10;
	v34 =	vtrunc.f32 v34;
	v32 =	vtrunc.f32 v32  }
0x118: {  	v15 =	vor.u32 v19, v15;
	v29 =	vcvt.f32.s32 v29;
	v36 =	vmul.f32 $1.906475880e-05, v35  }
0x119: {  	v14 =	vor.u32 v14, v24;
	v19 =	vcvt.f32.s32 v30;
	v28 =	vcvt.f32.s32 v28;
	[tilespmem:s12+$0x16A00] =	vst v15  }
0x11a: {  	v24 =	vmul.f32 $1.477364570e-04, v35;
	v15 =	vcvt.f32.s32 v31;
	v30 =	vadd.f32 $-1.344099410e-03, v36;
	[tilespmem:s12+$0x16A10] =	vst v14  }
0x11b: {  	v21 =	vor.u32 v21, v25;
	v31 =	vcvt.f32.s32 v34;
	v14 =	vcvt.f32.s32 v33  }
0x11c: {  	v25 =	vcvt.f32.s32 v32;
	v24 =	vsub.f32 $7.998520500e-03, v24;
	v30 =	vmul.f32 v30, v35;
	[tilespmem:s12+$0x16A20] =	vst v21  }
0x11d: {  	v16 =	vor.u32 v22, v16;
	v19 =	vcvt.s32.f32 v19;
	v21 =	vcvt.s32.f32 v29  }
0x11e: {  	v22 =	vcvt.s32.f32 v28;
	v24 =	vmul.f32 v24, v35;
	v28 =	vadd.f32 $4.152226820e-02, v30;
	[tilespmem:s12+$0x16A30] =	vst v16  }
0x11f: {  	v15 =	vcvt.s32.f32 v15;
	v14 =	vcvt.s32.f32 v14;
	v16 =	vor.u32 v17, v26  }
0x120: {  	v17 =	vcvt.s32.f32 v31;
	v24 =	vadd.f32 $-1.658382270e-01, v24;
	v26 =	vmul.f32 v28, v35;
	[tilespmem:s12+$0x16A40] =	vst v16  }
0x121: {  	v23 =	vor.u32 v23, v27;
	v25 =	vcvt.s32.f32 v25;
	v16 =	vmul.f32 $6.283185480e+00, v21  }
0x122: {  	v27 =	vmul.f32 $6.283185480e+00, v19;
	v24 =	vmul.f32 v24, v35;
	v26 =	vadd.f32 $-4.998375480e-01, v26;
	[tilespmem:s12+$0x16A50] =	vst v23  }
0x123: {  	v10 =	vsub.f32 v10, v16;
	v16 =	vmul.f32 $6.283185480e+00, v22;
	v23 =	vmul.f32 $6.283185480e+00, v15  }
0x124: {  	v28 =	vmul.f32 $6.283185480e+00, v14;
	v24 =	vadd.f32 $9.994499680e-01, v24;
	v26 =	vmul.f32 v26, v35  }
0x125: {  	v7 =	vsub.f32 v7, v27;
	v29 =	vmul.f32 $6.283185480e+00, v25;
	v27 =	vmul.f32 $6.283185480e+00, v17  }
0x126: {  	v8 =	vsub.f32 v8, v16;
	v16 =	vmul.f32 v24, v20;
	v20 =	vadd.f32 $9.999710910e-01, v26  }
0x127: {  	v21 =	vmul.f32 $1.748455530e-07, v21;
	v9 =	vsub.f32 v9, v23;
	v23 =	vsub.f32 v11, v28  }
0x128: {  	v24 =	vsub.f32 v12, v27;
	v12 =	vadd.s32 $0x8000, v16;
	v11 =	vadd.s32 $0x8000, v20  }
0x129: {  	v16 =	vsub.f32 v13, v29;
	v12 =	vshrl.u32 v12, $0x10;
	v11 =	vand.u32 $0xFFFF0000, v11  }
0x12a: {  	v13 =	vmul.f32 $1.748455530e-07, v19;
	v19 =	vmul.f32 $1.748455530e-07, v22;
	v12 =	vor.u32 v12, v11  }
0x12b: {  	v14 =	vmul.f32 $1.748455530e-07, v14;
	v11 =	vadd.f32 v21, v10;
	v10 =	vmul.f32 $1.748455530e-07, v15;
	[tilespmem:s5+$0x16A70] =	vst v12  }
0x12c: {  	v15 =	vmul.f32 $1.748455530e-07, v17;
	v17 =	vmul.f32 $1.748455530e-07, v25;
	v12 =	vadd.f32 v13, v7  }
0x12d: {  	v13 =	vadd.f32 v19, v8;
	v20 =	vmul.f32 v11, v11;
	v10 =	vadd.f32 v10, v9  }
0x12e: {  	v7 =	vadd.f32 v14, v23;
	v8 =	vadd.f32 v15, v24;
	v19 =	vmul.f32 v12, v12  }
0x12f: {  	v9 =	vadd.f32 v17, v16;
	v14 =	vmul.f32 v13, v13;
	v15 =	vmul.f32 v10, v10  }
0x130: {  	v6 =	vor.u32 v18, v6;
	v16 =	vmul.f32 v7, v7;
	v17 =	vmul.f32 v8, v8  }
0x131: {  	v18 =	vmul.f32 $1.906475880e-05, v20;
	v21 =	vmul.f32 v9, v9;
	[tilespmem:s12+$0x16A60] =	vst v6;
	s12 =	smov.u32 s5  }
0x132: {  	v22 =	vmul.f32 $1.906475880e-05, v14;
	v6 =	vmul.f32 $1.906475880e-05, v19  }
0x133: {  	v24 =	vmul.f32 $1.906475880e-05, v16;
	v18 =	vadd.f32 $-1.344099410e-03, v18;
	v23 =	vmul.f32 $1.906475880e-05, v15  }
0x134: {  	v25 =	vmul.f32 $1.906475880e-05, v17;
	v26 =	vmul.f32 $1.906475880e-05, v21;
	v6 =	vadd.f32 $-1.344099410e-03, v6  }
0x135: {  	v27 =	vmul.f32 $1.477364570e-04, v20;
	v22 =	vadd.f32 $-1.344099410e-03, v22;
	v23 =	vadd.f32 $-1.344099410e-03, v23  }
0x136: {  	v28 =	vmul.f32 $1.477364570e-04, v19;
	v24 =	vadd.f32 $-1.344099410e-03, v24;
	v25 =	vadd.f32 $-1.344099410e-03, v25  }
0x137: {  	v29 =	vmul.f32 $1.477364570e-04, v14;
	v30 =	vmul.f32 $1.477364570e-04, v15;
	v26 =	vadd.f32 $-1.344099410e-03, v26  }
0x138: {  	v31 =	vmul.f32 $1.477364570e-04, v16;
	v27 =	vsub.f32 $7.998520500e-03, v27;
	v32 =	vmul.f32 $1.477364570e-04, v17  }
0x139: {  	v33 =	vmul.f32 $1.477364570e-04, v21;
	v28 =	vsub.f32 $7.998520500e-03, v28;
	v18 =	vmul.f32 v18, v20  }
0x13a: {  	v29 =	vsub.f32 $7.998520500e-03, v29;
	v22 =	vmul.f32 v22, v14;
	v6 =	vmul.f32 v6, v19  }
0x13b: {  	v30 =	vsub.f32 $7.998520500e-03, v30;
	v24 =	vmul.f32 v24, v16;
	v23 =	vmul.f32 v23, v15  }
0x13c: {  	v31 =	vsub.f32 $7.998520500e-03, v31;
	v25 =	vmul.f32 v25, v17;
	v26 =	vmul.f32 v26, v21  }
0x13d: {  	v27 =	vmul.f32 v27, v20;
	v32 =	vsub.f32 $7.998520500e-03, v32;
	v33 =	vsub.f32 $7.998520500e-03, v33  }
0x13e: {  	v28 =	vmul.f32 v28, v19;
	v18 =	vadd.f32 $4.152226820e-02, v18;
	v6 =	vadd.f32 $4.152226820e-02, v6  }
0x13f: {  	v29 =	vmul.f32 v29, v14;
	v22 =	vadd.f32 $4.152226820e-02, v22;
	v23 =	vadd.f32 $4.152226820e-02, v23  }
0x140: {  	v30 =	vmul.f32 v30, v15;
	v24 =	vadd.f32 $4.152226820e-02, v24;
	v25 =	vadd.f32 $4.152226820e-02, v25  }
0x141: {  	v31 =	vmul.f32 v31, v16;
	v32 =	vmul.f32 v32, v17;
	v26 =	vadd.f32 $4.152226820e-02, v26  }
0x142: {  	v27 =	vadd.f32 $-1.658382270e-01, v27;
	v33 =	vmul.f32 v33, v21;
	v18 =	vmul.f32 v18, v20  }
0x143: {  	v28 =	vadd.f32 $-1.658382270e-01, v28;
	v22 =	vmul.f32 v22, v14;
	v6 =	vmul.f32 v6, v19  }
0x144: {  	v29 =	vadd.f32 $-1.658382270e-01, v29;
	v24 =	vmul.f32 v24, v16;
	v23 =	vmul.f32 v23, v15  }
0x145: {  	v30 =	vadd.f32 $-1.658382270e-01, v30;
	v25 =	vmul.f32 v25, v17;
	v26 =	vmul.f32 v26, v21  }
0x146: {  	v31 =	vadd.f32 $-1.658382270e-01, v31;
	v27 =	vmul.f32 v27, v20;
	v32 =	vadd.f32 $-1.658382270e-01, v32  }
0x147: {  	v33 =	vadd.f32 $-1.658382270e-01, v33;
	v28 =	vmul.f32 v28, v19;
	v18 =	vadd.f32 $-4.998375480e-01, v18  }
0x148: {  	v29 =	vmul.f32 v29, v14;
	v22 =	vadd.f32 $-4.998375480e-01, v22;
	v6 =	vadd.f32 $-4.998375480e-01, v6  }
0x149: {  	v30 =	vmul.f32 v30, v15;
	v24 =	vadd.f32 $-4.998375480e-01, v24;
	v23 =	vadd.f32 $-4.998375480e-01, v23  }
0x14a: {  	v31 =	vmul.f32 v31, v16;
	v25 =	vadd.f32 $-4.998375480e-01, v25;
	v26 =	vadd.f32 $-4.998375480e-01, v26  }
0x14b: {  	v27 =	vadd.f32 $9.994499680e-01, v27;
	v32 =	vmul.f32 v32, v17;
	v33 =	vmul.f32 v33, v21  }
0x14c: {  	v18 =	vmul.f32 v18, v20;
	v20 =	vadd.f32 $9.994499680e-01, v28;
	v6 =	vmul.f32 v6, v19  }
0x14d: {  	v14 =	vmul.f32 v22, v14;
	v15 =	vmul.f32 v23, v15;
	v19 =	vadd.f32 $9.994499680e-01, v29  }
0x14e: {  	v22 =	vadd.f32 $9.994499680e-01, v30;
	v16 =	vmul.f32 v24, v16;
	v17 =	vmul.f32 v25, v17  }
0x14f: {  	v24 =	vadd.f32 $9.994499680e-01, v32;
	v23 =	vadd.f32 $9.994499680e-01, v31;
	v21 =	vmul.f32 v26, v21  }
0x150: {  	v25 =	vmul.f32 v27, v11;
	v11 =	vadd.f32 $9.999710910e-01, v18;
	v18 =	vadd.f32 $9.994499680e-01, v33  }
0x151: {  	v20 =	vmul.f32 v20, v12;
	v14 =	vadd.f32 $9.999710910e-01, v14;
	v12 =	vadd.f32 $9.999710910e-01, v6  }
0x152: {  	v6 =	vmul.f32 v19, v13;
	v13 =	vadd.f32 $9.999710910e-01, v15;
	v19 =	vadd.f32 $9.999710910e-01, v16  }
.Ltmp0:
0x153: {  	v10 =	vmul.f32 v22, v10;
	v22 =	vadd.f32 $9.999710910e-01, v17;
	v21 =	vadd.f32 $9.999710910e-01, v21;
	(pc) =	sbr.rel @p0 .LBB2_2-.Ltmp0, $4  }
0x154: {  	v17 =	vmul.f32 v23, v7;
	v7 =	vmul.f32 v24, v8;
	v15 =	vadd.s32 $0x8000, v11  }
0x155: {  	v18 =	vmul.f32 v18, v9;
	v11 =	vadd.s32 $0x8000, v14;
	v8 =	vadd.s32 $0x8000, v12  }
0x156: {  	v16 =	vadd.s32 $0x8000, v13;
	v9 =	vadd.s32 $0x8000, v19;
	v12 =	vadd.s32 $0x8000, v22  }
0x157: {  	s5 =	sshra.s32 s7, $0x2;
	s7 =	sadd.s32 $0x200, s7;
	v14 =	vadd.s32 $0x8000, v20;
	v13 =	vadd.s32 $0x8000, v25;
	v19 =	vadd.s32 $0x8000, v21  }
0x158: {  	v20 =	vld [tilespmem:s5+$0x14A70]  }
0x159: {  	v21 =	vld [tilespmem:s5+$0x14A00]  }
0x15a: {  	v22 =	vld [tilespmem:s5+$0x14A10]  }
0x15b: {  	v6 =	vadd.s32 $0x8000, v6;
	v10 =	vadd.s32 $0x8000, v10;
	v23 =	vld [tilespmem:s5+$0x14A20]  }
0x15c: {  	v17 =	vadd.s32 $0x8000, v17;
	v25 =	vand.u32 $0xFFFF0000, v12;
	v12 =	vand.u32 $0xFFFF0000, v19;
	v19 =	vld [tilespmem:s5+$0x14A30]  }
0x15d: {  	v15 =	vand.u32 $0xFFFF0000, v15;
	v7 =	vadd.s32 $0x8000, v7;
	v18 =	vadd.s32 $0x8000, v18;
	v26 =	vld [tilespmem:s5+$0x14A40]  }
0x15e: {  	v8 =	vand.u32 $0xFFFF0000, v8;
	v11 =	vand.u32 $0xFFFF0000, v11;
	v16 =	vand.u32 $0xFFFF0000, v16;
	v27 =	vld [tilespmem:s5+$0x14A50]  }
0x15f: {  	v24 =	vand.u32 $0xFFFF0000, v9;
	v30 =	vld [tilespmem:s5+$0x14A60];
	v62 =	vshrl.u32 v6, $0x10;
	vm0 =	vge.f32 v20, $0.0e+00  }
0x160: {  	v6 =	vmul.f32 $1.591549370e-01, v20;
	vm1 =	vge.f32 v21, $0.0e+00;
	v29 =	vmul.f32 $1.591549370e-01, v21  }
0x161: {  	vm13 =	vge.f32 v22, $0.0e+00;
	v63 =	vmul.f32 $1.591549370e-01, v22;
	vm14 =	vge.f32 v23, $0.0e+00  }
0x162: {  	v32 =	vmul.f32 $1.591549370e-01, v23;
	vm2 =	vge.f32 v19, $0.0e+00;
	v33 =	vmul.f32 $1.591549370e-01, v19  }
0x163: {  	vm3 =	vge.f32 v26, $0.0e+00;
	v34 =	vmul.f32 $1.591549370e-01, v26;
	v36 =	vmul.f32 $1.591549370e-01, v27  }
0x164: {  	v37 =	vmul.f32 $1.591549370e-01, v30;
	v28 =	vsel vm0, $0x3F000000, v3;
	v31 =	vsel vm1, $0x3F000000, v3  }
0x165: {  	v35 =	vsel vm13, $0x3F000000, v3;
	v38 =	vsel vm14, $0x3F000000, v3;
	v6 =	vadd.f32 v28, v6  }
0x166: {  	v39 =	vsel vm2, $0x3F000000, v3;
	v29 =	vadd.f32 v31, v29;
	v28 =	vadd.f32 v35, v63  }
0x167: {  	v40 =	vsel vm3, $0x3F000000, v3;
	v38 =	vadd.f32 v38, v32;
	v39 =	vadd.f32 v39, v33  }
0x168: {  	v40 =	vadd.f32 v40, v34;
	v6 =	vtrunc.f32 v6;
	v29 =	vtrunc.f32 v29  }
0x169: {  	v60 =	vshrl.u32 v13, $0x10;
	v28 =	vtrunc.f32 v28;
	v31 =	vtrunc.f32 v38  }
0x16a: {  	v61 =	vshrl.u32 v14, $0x10;
	v32 =	vtrunc.f32 v39;
	v33 =	vtrunc.f32 v40  }
0x16b: {  	v10 =	vshrl.u32 v10, $0x10;
	v6 =	vcvt.f32.s32 v6;
	v29 =	vcvt.f32.s32 v29  }
0x16c: {  	v17 =	vshrl.u32 v17, $0x10;
	v45 =	vcvt.f32.s32 v28;
	v46 =	vcvt.f32.s32 v31  }
0x16d: {  	v44 =	vshrl.u32 v7, $0x10;
	v47 =	vcvt.f32.s32 v32;
	v50 =	vcvt.f32.s32 v33  }
0x16e: {  	v18 =	vshrl.u32 v18, $0x10;
	v6 =	vcvt.s32.f32 v6;
	v53 =	vcvt.s32.f32 v29  }
0x16f: {  	vm15 =	vge.f32 v27, $0.0e+00;
	v54 =	vcvt.s32.f32 v45;
	v57 =	vcvt.s32.f32 v47  }
0x170: {  	vm4 =	vge.f32 v30, $0.0e+00;
	v13 =	vcvt.s32.f32 v50;
	v42 =	vmul.f32 $6.283185480e+00, v6  }
0x171: {  	v41 =	vsel vm15, $0x3F000000, v3;
	v6 =	vmul.f32 $1.748455530e-07, v6;
	v59 =	vmul.f32 $6.283185480e+00, v53  }
0x172: {  	v14 =	vmul.f32 $1.748455530e-07, v53;
	v20 =	vsub.f32 v20, v42;
	v42 =	vadd.f32 v41, v36  }
0x173: {  	v43 =	vsel vm4, $0x3F000000, v3;
	v29 =	vmul.f32 $1.748455530e-07, v54;
	v36 =	vmul.f32 $6.283185480e+00, v57  }
0x174: {  	v20 =	vadd.f32 v6, v20;
	v6 =	vadd.f32 v43, v37;
	v34 =	vtrunc.f32 v42  }
0x175: {  	v9 =	vor.u32 v10, v16;
	v16 =	vmul.f32 $1.748455530e-07, v57;
	v51 =	vcvt.f32.s32 v34  }
0x176: {  	v19 =	vsub.f32 v19, v36;
	v43 =	vmul.f32 v20, v20;
	v37 =	vtrunc.f32 v6  }
0x177: {  	v6 =	vor.u32 v60, v15;
	v15 =	vcvt.s32.f32 v46;
	v52 =	vcvt.f32.s32 v37  }
0x178: {  	v10 =	vor.u32 v17, v24;
	v58 =	vcvt.s32.f32 v51;
	v37 =	vmul.f32 $6.283185480e+00, v13  }
0x179: {  	v16 =	vadd.f32 v16, v19;
	v13 =	vmul.f32 $1.748455530e-07, v13;
	v7 =	vmul.f32 $1.906475880e-05, v43  }
0x17a: {  	v17 =	vsub.f32 v21, v59;
	v48 =	vmul.f32 $1.477364570e-04, v43;
	v63 =	vmul.f32 $6.283185480e+00, v15  }
0x17b: {  	v12 =	vor.u32 v18, v12;
	v15 =	vmul.f32 $1.748455530e-07, v15;
	v46 =	vmul.f32 v16, v16  }
0x17c: {  	v14 =	vadd.f32 v14, v17;
	v60 =	vcvt.s32.f32 v52;
	v38 =	vmul.f32 $6.283185480e+00, v58  }
0x17d: {  	v21 =	vsub.f32 v26, v37;
	v49 =	vadd.f32 $-1.344099410e-03, v7;
	v7 =	vor.u32 v61, v8  }
0x17e: {  	v31 =	vsub.f32 $7.998520500e-03, v48;
	v8 =	vor.u32 v62, v11;
	v61 =	vmul.f32 $6.283185480e+00, v54  }
0x17f: {  	v23 =	vsub.f32 v23, v63;
	v53 =	vmul.f32 $1.906475880e-05, v46;
	v39 =	vmul.f32 $6.283185480e+00, v60  }
0x180: {  	v41 =	vsub.f32 v27, v38;
	v24 =	vmul.f32 $1.748455530e-07, v60;
	v60 =	vmul.f32 $1.477364570e-04, v46  }
0x181: {  	v13 =	vadd.f32 v13, v21;
	v32 =	vmul.f32 v49, v43;
	v55 =	vmul.f32 v31, v43  }
0x182: {  	v22 =	vsub.f32 v22, v61;
	v15 =	vadd.f32 v15, v23;
	v23 =	vmul.f32 v14, v14  }
0x183: {  	v42 =	vsub.f32 v30, v39;
	v47 =	vmul.f32 v13, v13;
	v38 =	vsub.f32 $7.998520500e-03, v60  }
0x184: {  	v56 =	vadd.f32 $4.152226820e-02, v32;
	v45 =	vmul.f32 v15, v15;
	v49 =	vmul.f32 $1.906475880e-05, v23  }
0x185: {  	v11 =	vadd.f32 $-1.658382270e-01, v55;
	v57 =	vmul.f32 $1.477364570e-04, v23;
	v54 =	vmul.f32 $1.906475880e-05, v47  }
0x186: {  	v17 =	vadd.f32 v29, v22;
	v61 =	vmul.f32 $1.477364570e-04, v47;
	v38 =	vmul.f32 v38, v46  }
0x187: {  	v24 =	vadd.f32 v24, v42;
	v31 =	vmul.f32 v56, v43;
	v62 =	vmul.f32 v11, v43  }
0x188: {  	v11 =	vor.u32 v44, v25;
	v44 =	vmul.f32 v17, v17;
	v52 =	vmul.f32 $1.906475880e-05, v45  }
0x189: {  	v29 =	vadd.f32 $-1.344099410e-03, v49;
	v59 =	vmul.f32 $1.477364570e-04, v45;
	v35 =	vsub.f32 $7.998520500e-03, v57  }
0x18a: {  	v50 =	vmul.f32 v24, v24;
	v32 =	vadd.f32 $-1.344099410e-03, v54;
	v39 =	vsub.f32 $7.998520500e-03, v61  }
0x18b: {  	v38 =	vadd.f32 $-1.658382270e-01, v38;
	v51 =	vmul.f32 $1.906475880e-05, v44;
	v29 =	vmul.f32 v29, v23  }
0x18c: {  	v31 =	vadd.f32 $-4.998375480e-01, v31;
	v35 =	vmul.f32 v35, v23;
	v56 =	vmul.f32 $1.906475880e-05, v50  }
0x18d: {  	v33 =	vadd.f32 $9.994499680e-01, v62;
	v63 =	vmul.f32 $1.477364570e-04, v50;
	v32 =	vmul.f32 v32, v47  }
0x18e: {  	v18 =	vadd.f32 $-1.344099410e-03, v52;
	v39 =	vmul.f32 v39, v47;
	v38 =	vmul.f32 v38, v46  }
0x18f: {  	v37 =	vsub.f32 $7.998520500e-03, v59;
	v31 =	vmul.f32 v31, v43;
	v20 =	vmul.f32 v33, v20  }
0x190: {  	v43 =	vmul.f32 $1.748455530e-07, v58;
	v30 =	vadd.f32 $-1.344099410e-03, v51;
	v29 =	vadd.f32 $4.152226820e-02, v29  }
0x191: {  	v58 =	vmul.f32 $1.477364570e-04, v44;
	v35 =	vadd.f32 $-1.658382270e-01, v35;
	v34 =	vadd.f32 $-1.344099410e-03, v56  }
0x192: {  	v18 =	vmul.f32 v18, v45;
	v32 =	vadd.f32 $4.152226820e-02, v32;
	v39 =	vadd.f32 $-1.658382270e-01, v39  }
0x193: {  	v37 =	vmul.f32 v37, v45;
	v40 =	vadd.f32 $9.999710910e-01, v31;
	v21 =	vadd.f32 v43, v41  }
0x194: {  	v20 =	vadd.s32 $0x8000, v20;
	v31 =	vadd.f32 $-1.344099410e-03, v53;
	v36 =	vsub.f32 $7.998520500e-03, v58  }
0x195: {  	v30 =	vmul.f32 v30, v44;
	v41 =	vsub.f32 $7.998520500e-03, v63;
	v18 =	vadd.f32 $4.152226820e-02, v18  }
0x196: {  	v29 =	vmul.f32 v29, v23;
	v37 =	vadd.f32 $-1.658382270e-01, v37;
	v35 =	vmul.f32 v35, v23  }
0x197: {  	v20 =	vshrl.u32 v20, $0x10;
	v34 =	vmul.f32 v34, v50;
	v32 =	vmul.f32 v32, v47  }
0x198: {  	v39 =	vmul.f32 v39, v47;
	v25 =	vadd.s32 $0x8000, v40;
	v48 =	vmul.f32 v21, v21  }
0x199: {  	v31 =	vmul.f32 v31, v46;
	v36 =	vmul.f32 v36, v44;
	v30 =	vadd.f32 $4.152226820e-02, v30  }
0x19a: {  	v41 =	vmul.f32 v41, v50;
	v18 =	vmul.f32 v18, v45;
	v29 =	vadd.f32 $-4.998375480e-01, v29  }
0x19b: {  	v37 =	vmul.f32 v37, v45;
	v35 =	vadd.f32 $9.994499680e-01, v35;
	v25 =	vand.u32 $0xFFFF0000, v25  }
0x19c: {  	v34 =	vadd.f32 $4.152226820e-02, v34;
	v32 =	vadd.f32 $-4.998375480e-01, v32;
	v20 =	vor.u32 v20, v25  }
0x19d: {  	v55 =	vmul.f32 $1.906475880e-05, v48;
	v62 =	vmul.f32 $1.477364570e-04, v48;
	v31 =	vadd.f32 $4.152226820e-02, v31  }
0x19e: {  	v36 =	vadd.f32 $-1.658382270e-01, v36;
	v30 =	vmul.f32 v30, v44;
	v41 =	vadd.f32 $-1.658382270e-01, v41  }
0x19f: {  	v18 =	vadd.f32 $-4.998375480e-01, v18;
	v23 =	vmul.f32 v29, v23;
	v14 =	vmul.f32 v35, v14  }
0x1a0: {  	v43 =	vadd.f32 $9.994499680e-01, v37;
	v34 =	vmul.f32 v34, v50;
	v27 =	vmul.f32 v32, v47  }
0x1a1: {  	v33 =	vadd.f32 $-1.344099410e-03, v55;
	v40 =	vsub.f32 $7.998520500e-03, v62;
	v31 =	vmul.f32 v31, v46  }
0x1a2: {  	v36 =	vmul.f32 v36, v44;
	v30 =	vadd.f32 $-4.998375480e-01, v30;
	v41 =	vmul.f32 v41, v50  }
0x1a3: {  	v18 =	vmul.f32 v18, v45;
	v45 =	vadd.f32 $9.994499680e-01, v38;
	v23 =	vadd.f32 $9.999710910e-01, v23  }
0x1a4: {  	v15 =	vmul.f32 v43, v15;
	v14 =	vadd.s32 $0x8000, v14;
	v34 =	vadd.f32 $-4.998375480e-01, v34  }
0x1a5: {  	v27 =	vadd.f32 $9.999710910e-01, v27;
	v14 =	vshrl.u32 v14, $0x10;
	v33 =	vmul.f32 v33, v48  }
0x1a6: {  	v40 =	vmul.f32 v40, v48;
	v31 =	vadd.f32 $-4.998375480e-01, v31;
	v42 =	vadd.f32 $9.994499680e-01, v36  }
0x1a7: {  	v19 =	vmul.f32 v30, v44;
	v18 =	vadd.f32 $9.999710910e-01, v18;
	v16 =	vmul.f32 v45, v16  }
0x1a8: {  	v23 =	vadd.s32 $0x8000, v23;
	v15 =	vadd.s32 $0x8000, v15;
	v25 =	vmul.f32 v34, v50  }
0x1a9: {  	v53 =	vadd.s32 $0x8000, v27;
	v57 =	vand.u32 $0xFFFF0000, v23;
	v15 =	vshrl.u32 v15, $0x10  }
0x1aa: {  	v33 =	vadd.f32 $4.152226820e-02, v33;
	v40 =	vadd.f32 $-1.658382270e-01, v40;
	v44 =	vmul.f32 v31, v46  }
0x1ab: {  	v46 =	vadd.f32 $9.994499680e-01, v39;
	v17 =	vmul.f32 v42, v17;
	v19 =	vadd.f32 $9.999710910e-01, v19  }
0x1ac: {  	[tilespmem:s12+$0x16A30] =	vst v9;
	v50 =	vadd.s32 $0x8000, v18;
	v56 =	vadd.s32 $0x8000, v16;
	v14 =	vor.u32 v14, v57  }
0x1ad: {  	[tilespmem:s12+$0x16A20] =	vst v8;
	v9 =	vand.u32 $0xFFFF0000, v53;
	v25 =	vadd.f32 $9.999710910e-01, v25;
	v8 =	vand.u32 $0xFFFF0000, v50  }
0x1ae: {  	[tilespmem:s12+$0x16A50] =	vst v11;
	v11 =	vshrl.u32 v56, $0x10;
	v33 =	vmul.f32 v33, v48;
	v40 =	vmul.f32 v40, v48  }
0x1af: {  	[tilespmem:s12+$0x16A10] =	vst v7;
	v22 =	vadd.f32 $9.999710910e-01, v44;
	v7 =	vmul.f32 v46, v13;
	v19 =	vadd.s32 $0x8000, v19  }
0x1b0: {  	[tilespmem:s12+$0x16A40] =	vst v10;
	v54 =	vadd.s32 $0x8000, v17;
	v8 =	vor.u32 v15, v8;
	v33 =	vadd.f32 $-4.998375480e-01, v33  }
0x1b1: {  	[tilespmem:s12+$0x16A00] =	vst v6;
	v55 =	vadd.s32 $0x8000, v25;
	v58 =	vand.u32 $0xFFFF0000, v19;
	v10 =	vshrl.u32 v54, $0x10  }
0x1b2: {  	[tilespmem:s5+$0x16A70] =	vst v20;
	v47 =	vadd.f32 $9.994499680e-01, v40;
	v52 =	vadd.s32 $0x8000, v22;
	v28 =	vmul.f32 v33, v48  }
0x1b3: {  	[tilespmem:s12+$0x16A60] =	vst v12;
	v7 =	vadd.s32 $0x8000, v7;
	v10 =	vor.u32 v10, v58;
	v48 =	vadd.f32 $9.994499680e-01, v41  }
0x1b4: {  	[tilespmem:s5+$0x16A00] =	vst v14;
	v59 =	vand.u32 $0xFFFF0000, v52;
	v49 =	vmul.f32 v47, v21;
	v6 =	vadd.f32 $9.999710910e-01, v28  }
0x1b5: {  	[tilespmem:s5+$0x16A20] =	vst v8;
	v7 =	vshrl.u32 v7, $0x10;
	v60 =	vor.u32 v11, v59;
	v51 =	vmul.f32 v48, v24  }
0x1b6: {  	[tilespmem:s5+$0x16A10] =	vst v10;
	v7 =	vor.u32 v7, v9;
	v13 =	vadd.s32 $0x8000, v49;
	v6 =	vadd.s32 $0x8000, v6  }
0x1b7: {  	[tilespmem:s5+$0x16A30] =	vst v60;
	v61 =	vshrl.u32 v13, $0x10;
	v18 =	vadd.s32 $0x8000, v51;
	v6 =	vand.u32 $0xFFFF0000, v6  }
0x1b8: {  	v62 =	vand.u32 $0xFFFF0000, v55;
	[tilespmem:s5+$0x16A40] =	vst v7;
	v63 =	vshrl.u32 v18, $0x10;
	v6 =	vor.u32 v61, v6  }
0x1b9: {  	[tilespmem:s5+$0x16A50] =	vst v6;
	v6 =	vor.u32 v63, v62  }
0x1ba: {  	s28 =	simm.s32 $0x16A00;
	s12 =	simm.s32 $0x0;
	[tilespmem:s5+$0x16A60] =	vst v6  }
0x1bb: {  	[hbm4b:s0+s12] =	stream.linear.scatter [tilespmem:s28], [sflag:$0x5], $0x2000, $0x38;
	[tilespmem:$0x18A00] =	vst v63  }
0x1bc: {  	_ =	swait.ge [sflag:s10], $0x2000  }
0x1bd: {  	[sflag:s10] =	ssyncset.done $0x0  }
0x1be: {  	[sflag:s10] =	ssyncadd.s32 $0xFFFFE000  }
0x1bf: {  	s29 =	simm.s32 $0x10800;
	[bflag:$0x0] =	sbarrier.arrive $0xFFFF  }
0x1c0: {  	[tilespmem:s29], [sflag:$0x2] =	stream.indirect.gather [hbm4b:s31+s4], $0x80, s13, s4, $0xb8;
	[tilespmem:$0x18A00] =	vst v63  }
0x1c1: {  	s30 =	simm.s32 $0x12800;
	p0 =	por $0x0, $0x0  }
0x1c2: {  	[tilespmem:s30], [sflag:$0x3] =	stream.indirect.gather [hbm4b:s31+s4], $0x80, s14, s4, $0xb8;
	[tilespmem:$0x18A00] =	vst v63  }
.LBB2_4:
0x1c3: {  	s5 =	sand.u32 $0x1, s12  }
0x1c4: {  	s13 =	sor.u32 $0x2, s5  }
0x1c5: {  	_ =	swait.ge [sflag:s13], $0x4000  }
0x1c6: {  	[sflag:s13] =	ssyncset.done $0x0  }
0x1c7: {  	s7 =	simm.s32 $0x1;
	s30 =	sshll.u32 s12, $0x6;
	[sflag:s13] =	ssyncadd.s32 $0xFFFFC000  }
0x1c8: {  	s19 =	simm.s32 $0x0;
	s7 =	simm.s32 @!p0 $0x0;
	_ =	swait.ge [sflag:s13], $0x4000  }
0x1c9: {  	s15 =	sshll.u32 s7, $0xD;
	s14 =	sshll.u32 s7, $0xE;
	[sflag:s13] =	ssyncset.done $0x0  }
0x1ca: {  	s7 =	sand.u32 $0x3FFFFFC0, s30;
	s16 =	sor.u32 $0x10840, s15;
	[sflag:s13] =	ssyncadd.s32 $0xFFFFC000  }
0x1cb: {  	s17 =	sor.u32 $0x8800, s14;
	s15 =	sshll.u32 s5, $0xE;
	_ =	swait.ge [sflag:s13], $0x2000  }
0x1cc: {  	s5 =	sshll.u32 s5, $0xD;
	s7 =	sadd.s32 $0x14800, s7;
	[sflag:s13] =	ssyncset.done $0x0  }
0x1cd: {  	s18 =	sor.u32 $0x800, s14;
	s5 =	sor.u32 $0x10800, s5;
	v6 =	vmov s7;
	[sflag:s13] =	ssyncadd.s32 $0xFFFFE000  }
.LBB2_5:
0x1ce: {  	v8 =	vld [tilespmem:s18+$0x2000]  }
0x1cf: {  	v11 =	vld [tilespmem:s17+$0x30]  }
0x1d0: {  	v12 =	vld [tilespmem:s18+$0x20]  }
0x1d1: {  	v10 =	vld [tilespmem:s18+$0x0]  }
0x1d2: {  	v7 =	vld [tilespmem:s16+$0xFFFFFFC0]  }
0x1d3: {  	v13 =	vld [tilespmem:s16+$0xFFFFFFD0]  }
0x1d4: {  	v14 =	vld [tilespmem:s17+$0x0]  }
0x1d5: {  	v15 =	vld [tilespmem:s18+$0x10]  }
0x1d6: {  	v16 =	vld [tilespmem:s17+$0x10]  }
0x1d7: {  	v17 =	vld [tilespmem:s16+$0xFFFFFFE0]  }
0x1d8: {  	v18 =	vld [tilespmem:s17+$0x20]  }
0x1d9: {  	v20 =	vld [tilespmem:s17+$0x2000]  }
0x1da: {  	v21 =	vld [tilespmem:s16+$0xFFFFFFF0]  }
0x1db: {  	s20 =	sadd.s32 $0x80, s18;
	v30 =	vld [tilespmem:s18+$0x30]  }
0x1dc: {  	s7 =	sor.u32 $0x2010, s14;
	v9 =	vld [tilespmem:s20+$0x2000];
	v24 =	vand.u32 $0xFFFF0000, v13;
	v13 =	vshll.u32 v13, $0x10  }
0x1dd: {  	v19 =	vld [tilespmem:s7+$0x8800];
	v23 =	vand.u32 $0xFFFF0000, v7;
	v26 =	vshll.u32 v7, $0x10;
	v7 =	vmul.f32 v13, v15  }
0x1de: {  	s24 =	sor.u32 $0x2020, s14;
	v22 =	vld [tilespmem:s7+$0x800];
	v27 =	vmul.f32 v24, v16;
	v29 =	vmul.f32 v23, v14  }
0x1df: {  	v25 =	vld [tilespmem:s24+$0x800];
	v14 =	vmul.f32 v26, v14;
	v23 =	vmul.f32 v23, v10  }
0x1e0: {  	s25 =	sor.u32 $0x2070, s14;
	v28 =	vld [tilespmem:s24+$0x8800];
	v15 =	vmul.f32 v24, v15;
	v26 =	vmul.f32 v26, v10  }
0x1e1: {  	v10 =	vld [tilespmem:s25+$0x8800];
	v13 =	vmul.f32 v13, v16;
	v24 =	vadd.f32 v7, v27;
	v27 =	vand.u32 $0xFFFF0000, v17  }
0x1e2: {  	s26 =	sor.u32 $0x2030, s14;
	v7 =	vld [tilespmem:s25+$0x800];
	v17 =	vshll.u32 v17, $0x10;
	v14 =	vsub.f32 v23, v14;
	v23 =	vadd.f32 v26, v29  }
0x1e3: {  	v26 =	vld [tilespmem:s26+$0x800];
	v13 =	vsub.f32 v15, v13;
	v29 =	vshll.u32 v21, $0x10;
	v16 =	vmul.f32 v17, v12  }
0x1e4: {  	v15 =	vld [tilespmem:s18+$0x40];
	v21 =	vand.u32 $0xFFFF0000, v21;
	v12 =	vmul.f32 v27, v12;
	v27 =	vmul.f32 v27, v18  }
0x1e5: {  	v17 =	vmul.f32 v17, v18;
	v18 =	vld [tilespmem:s17+$0x40];
	v19 =	vsub.f32 v24, v19;
	v20 =	vsub.f32 v23, v20  }
0x1e6: {  	v24 =	vld [tilespmem:s16+$0x0];
	v13 =	vsub.f32 v13, v22;
	v8 =	vsub.f32 v14, v8;
	v14 =	vmul.f32 v21, v30  }
0x1e7: {  	v22 =	vld [tilespmem:s26+$0x8800];
	v23 =	vmul.f32 v29, v11;
	v11 =	vmul.f32 v21, v11;
	v16 =	vadd.f32 v16, v27  }
0x1e8: {  	v27 =	vld [tilespmem:s17+$0x50];
	v12 =	vsub.f32 v12, v17;
	v19 =	vmul.f32 v19, v19;
	v20 =	vmul.f32 v20, v20  }
0x1e9: {  	s28 =	sor.u32 $0x2040, s14;
	v17 =	vld [tilespmem:s18+$0x50];
	v13 =	vmul.f32 v13, v13;
	v14 =	vsub.f32 v14, v23;
	v8 =	vmul.f32 v8, v8  }
0x1ea: {  	v23 =	vmul.f32 v29, v30;
	v30 =	vld [tilespmem:s28+$0x8800];
	v16 =	vsub.f32 v16, v28;
	v12 =	vsub.f32 v12, v25  }
0x1eb: {  	v28 =	vld [tilespmem:s16+$0x10];
	v13 =	vadd.f32 v19, v13;
	v14 =	vsub.f32 v14, v26  }
0x1ec: {  	v19 =	vld [tilespmem:s28+$0x800];
	v8 =	vadd.f32 v20, v8;
	v11 =	vadd.f32 v23, v11  }
0x1ed: {  	s30 =	sor.u32 $0x2060, s14;
	v23 =	vld [tilespmem:s16+$0x20];
	v21 =	vand.u32 $0xFFFF0000, v24;
	v16 =	vmul.f32 v16, v16;
	v12 =	vmul.f32 v12, v12  }
0x1ee: {  	v26 =	vld [tilespmem:s30+$0x8800];
	v24 =	vshll.u32 v24, $0x10;
	v29 =	vmul.f32 v21, v15;
	v21 =	vmul.f32 v21, v18  }
0x1ef: {  	s22 =	sor.u32 $0x2050, s14;
	v20 =	vld [tilespmem:s17+$0x60];
	v18 =	vmul.f32 v24, v18;
	v15 =	vmul.f32 v24, v15;
	v11 =	vsub.f32 v11, v22  }
0x1f0: {  	v14 =	vmul.f32 v14, v14;
	v24 =	vld [tilespmem:s22+$0x800];
	v8 =	vadd.f32 v13, v8;
	v12 =	vadd.f32 v16, v12  }
0x1f1: {  	v18 =	vsub.f32 v29, v18;
	v15 =	vadd.f32 v15, v21;
	v21 =	vld [tilespmem:s18+$0x60];
	v22 =	vand.u32 $0xFFFF0000, v28  }
0x1f2: {  	v13 =	vld [tilespmem:s18+$0x70];
	v31 =	vmul.f32 v11, v11;
	v25 =	vmul.f32 v22, v17;
	v16 =	vand.u32 $0xFFFF0000, v23  }
0x1f3: {  	v29 =	vld [tilespmem:s22+$0x8800];
	v32 =	vadd.f32 v12, v8;
	v18 =	vsub.f32 v18, v19;
	v19 =	vshll.u32 v28, $0x10  }
0x1f4: {  	v22 =	vmul.f32 v22, v27;
	v12 =	vld [tilespmem:s20+$0x20];
	v15 =	vsub.f32 v15, v30;
	v28 =	vmul.f32 v19, v27  }
0x1f5: {  	v23 =	vshll.u32 v23, $0x10;
	v30 =	vld [tilespmem:s17+$0x70];
	v17 =	vmul.f32 v19, v17;
	v18 =	vmul.f32 v18, v18  }
0x1f6: {  	v11 =	vmul.f32 v15, v15;
	v15 =	vsub.f32 v25, v28;
	v25 =	vld [tilespmem:s30+$0x800];
	v19 =	vmul.f32 v16, v21  }
0x1f7: {  	s24 =	sadd.s32 $0x80, s16;
	v28 =	vld [tilespmem:s16+$0x30];
	v16 =	vmul.f32 v16, v20;
	v20 =	vmul.f32 v23, v20  }
0x1f8: {  	s23 =	sadd.s32 $0x80, s17;
	v17 =	vadd.f32 v17, v22;
	v21 =	vmul.f32 v23, v21;
	v23 =	vld [tilespmem:s24+$0xFFFFFFD0];
	v18 =	vadd.f32 v11, v18  }
0x1f9: {  	v11 =	vld [tilespmem:s23+$0x30];
	v15 =	vsub.f32 v15, v24;
	v24 =	vadd.f32 v31, v14  }
0x1fa: {  	v8 =	vimm.f32 $0.0e+00;
	v31 =	vld [tilespmem:s24+$0xFFFFFFC0];
	v19 =	vsub.f32 v19, v20;
	v17 =	vsub.f32 v17, v29  }
0x1fb: {  	v14 =	vld [tilespmem:s20+$0x0];
	v21 =	vadd.f32 v21, v16;
	v15 =	vmul.f32 v15, v15;
	v27 =	vadd.f32 v24, v32  }
0x1fc: {  	v20 =	vld [tilespmem:s23+$0x0];
	v22 =	vmul.f32 v17, v17;
	v63 =	vand.u32 $0xFFFF0000, v28;
	v25 =	vsub.f32 v19, v25  }
0x1fd: {  	v19 =	vld [tilespmem:s20+$0x10];
	v29 =	vshll.u32 v28, $0x10;
	v28 =	vsub.f32 v21, v26;
	v24 =	vmul.f32 v63, v13  }
0x1fe: {  	s7 =	simm.s32 $0x0;
	s29 =	sadd.s32 $0x80, s20;
	v16 =	vld [tilespmem:s23+$0x10];
	v17 =	vmul.f32 v63, v30;
	v18 =	vadd.f32 v18, v27;
	v30 =	vmul.f32 v29, v30  }
0x1ff: {  	s25 =	sadd.s32 $0x80, s14;
	s26 =	simm.s32 $0x2;
	s22 =	simm.s32 $0x1;
	v21 =	vld [tilespmem:s24+$0xFFFFFFE0];
	v25 =	vmul.f32 v25, v25;
	v27 =	vand.u32 $0xFFFF0000, v31;
	v26 =	vshll.u32 v31, $0x10  }
.LBB2_6:
0x200: {  	v31 =	vld [tilespmem:s29+$0x2000];
	p1 =	sne.s32 s26, $0xF;
	v32 =	vand.u32 $0xFFFF0000, v23;
	v23 =	vshll.u32 v23, $0x10;
	v13 =	vmul.f32 v29, v13;
	s30 =	smov.u32 s26;
	s26 =	sadd.s32 $0x1, s26  }
0x201: {  	s28 =	sor.u32 $0x2010, s25;
	v28 =	vmul.f32 v28, v28;
	v29 =	vmul.f32 v27, v20;
	v33 =	vld [tilespmem:s23+$0x20];
	v24 =	vsub.f32 v24, v30  }
0x202: {  	v15 =	vadd.f32 v22, v15;
	v20 =	vmul.f32 v26, v20;
	v30 =	vld [tilespmem:s28+$0x8800];
	v34 =	vmul.f32 v23, v19  }
0x203: {  	v27 =	vmul.f32 v27, v14;
	v19 =	vmul.f32 v32, v19;
	v25 =	vadd.f32 v28, v25;
	v22 =	vld [tilespmem:s23+$0x2000]  }
0x204: {  	v14 =	vmul.f32 v26, v14;
	v15 =	vadd.f32 v15, v18;
	v26 =	vmul.f32 v32, v16;
	v28 =	vld [tilespmem:s24+$0xFFFFFFF0]  }
0x205: {  	v13 =	vadd.f32 v13, v17;
	v32 =	vand.u32 $0xFFFF0000, v21;
	v21 =	vshll.u32 v21, $0x10;
	v18 =	vld [tilespmem:s28+$0x800];
	s28 =	sor.u32 $0x2020, s25  }
0x206: {  	v15 =	vadd.f32 v25, v15;
	v17 =	vadd.f32 v34, v26;
	v34 =	vmul.f32 v21, v12;
	v26 =	vld [tilespmem:s28+$0x800]  }
0x207: {  	v20 =	vsub.f32 v27, v20;
	v10 =	vsub.f32 v13, v10;
	v12 =	vmul.f32 v32, v12;
	v25 =	vld [tilespmem:s28+$0x8800]  }
0x208: {  	v13 =	vmul.f32 v23, v16;
	v16 =	vsub.f32 v17, v30;
	v17 =	vsub.f32 v24, v7  }
0x209: {  	v14 =	vadd.f32 v14, v29;
	v23 =	vmul.f32 v32, v33;
	v27 =	vmul.f32 v10, v10;
	s28 =	sor.u32 $0x2070, s25;
	v24 =	vld [tilespmem:s20+$0x30]  }
0x20a: {  	v16 =	vmul.f32 v16, v16;
	v29 =	vshll.u32 v28, $0x10;
	v17 =	vmul.f32 v17, v17;
	v7 =	vld [tilespmem:s28+$0x800]  }
0x20b: {  	v21 =	vmul.f32 v21, v33;
	v14 =	vsub.f32 v14, v22;
	v22 =	vadd.f32 v34, v23;
	v10 =	vld [tilespmem:s28+$0x8800]  }
0x20c: {  	v13 =	vsub.f32 v19, v13;
	v19 =	vand.u32 $0xFFFF0000, v28;
	s28 =	sor.u32 $0x2030, s25;
	v17 =	vadd.f32 v27, v17;
	v23 =	vld [tilespmem:s24+$0x0]  }
0x20d: {  	v20 =	vsub.f32 v20, v9;
	v9 =	vmovc v31;
	v14 =	vmul.f32 v14, v14;
	v22 =	vsub.f32 v22, v25;
	v25 =	vld [tilespmem:s28+$0x800]  }
0x20e: {  	v13 =	vsub.f32 v13, v18;
	v15 =	vadd.f32 v17, v15;
	v18 =	vmul.f32 v19, v24;
	v27 =	vld [tilespmem:s20+$0x40]  }
0x20f: {  	v12 =	vsub.f32 v12, v21;
	v21 =	vmul.f32 v29, v11;
	v17 =	vmul.f32 v22, v22;
	v22 =	vld [tilespmem:s23+$0x40]  }
0x210: {  	v11 =	vmul.f32 v19, v11;
	v13 =	vmul.f32 v13, v13;
	v19 =	vmov s7;
	s7 =	smov.u32 s22;
	s22 =	smov.u32 s30;
	v28 =	vld [tilespmem:s28+$0x8800]  }
0x211: {  	v31 =	vperm.xlane v15, v0;
	v18 =	vsub.f32 v18, v21;
	v21 =	vand.u32 $0xFFFF0000, v23;
	v30 =	vld [tilespmem:s23+$0x50]  }
0x212: {  	v20 =	vmul.f32 v20, v20;
	v13 =	vadd.f32 v16, v13;
	vm0 =	veq.s32 v19, v5;
	v16 =	vld [tilespmem:s24+$0x10]  }
0x213: {  	v19 =	vmul.f32 v29, v24;
	s28 =	sor.u32 $0x2040, s25;
	v18 =	vsub.f32 v18, v25;
	v24 =	vmul.f32 v21, v27;
	v25 =	vld [tilespmem:s20+$0x50]  }
0x214: {  	v23 =	vshll.u32 v23, $0x10;
	v15 =	vadd.f32 v15, v31;
	v29 =	vld [tilespmem:s28+$0x800];
	v21 =	vmul.f32 v21, v22  }
0x215: {  	v14 =	vadd.f32 v14, v20;
	v11 =	vadd.f32 v19, v11;
	v20 =	vmul.f32 v23, v22;
	v19 =	vld [tilespmem:s28+$0x8800];
	s28 =	sor.u32 $0x2060, s25  }
0x216: {  	v12 =	vsub.f32 v12, v26;
	v22 =	vmul.f32 v23, v27;
	v23 =	vperm.xlane v15, v1;
	v26 =	vld [tilespmem:s28+$0x8800]  }
0x217: {  	v18 =	vmul.f32 v18, v18;
	v11 =	vsub.f32 v11, v28;
	v20 =	vsub.f32 v24, v20;
	v24 =	vld [tilespmem:s23+$0x60]  }
0x218: {  	v21 =	vadd.f32 v22, v21;
	v15 =	vadd.f32 v15, v23;
	v22 =	vand.u32 $0xFFFF0000, v16;
	v27 =	vld [tilespmem:s24+$0x20]  }
0x219: {  	s30 =	sor.u32 $0x2050, s25;
	v16 =	vshll.u32 v16, $0x10;
	v23 =	vmul.f32 v22, v25;
	v20 =	vsub.f32 v20, v29;
	v28 =	vld [tilespmem:s20+$0x60]  }
0x21a: {  	v31 =	vperm.xlane v15, v2;
	v29 =	vmul.f32 v16, v30;
	v19 =	vsub.f32 v21, v19;
	v21 =	vld [tilespmem:s30+$0x800]  }
0x21b: {  	v12 =	vmul.f32 v12, v12;
	v14 =	vadd.f32 v13, v14;
	v20 =	vmul.f32 v20, v20;
	v32 =	vld [tilespmem:s30+$0x8800]  }
0x21c: {  	v33 =	vmul.f32 v11, v11;
	v11 =	vmul.f32 v19, v19;
	v34 =	vld [tilespmem:s23+$0x70];
	v19 =	vadd.f32 v15, v31  }
0x21d: {  	v12 =	vadd.f32 v17, v12;
	v15 =	vsub.f32 v23, v29;
	v17 =	vand.u32 $0xFFFF0000, v27;
	v13 =	vld [tilespmem:s20+$0x70];
	s20 =	smov.u32 s29  }
0x21e: {  	v16 =	vmul.f32 v16, v25;
	v31 =	vadd.f32 v11, v20;
	v25 =	vld [tilespmem:s28+$0x800];
	v20 =	vmul.f32 v17, v28  }
0x21f: {  	v23 =	vadd.f32 v12, v14;
	s23 =	sadd.s32 $0x80, s23;
	v14 =	vsub.f32 v15, v21;
	v21 =	vmul.f32 v22, v30;
	v29 =	vld [tilespmem:s24+$0x30]  }
0x220: {  	v17 =	vmul.f32 v17, v24;
	v22 =	vshll.u32 v27, $0x10;
	v27 =	vperm.xlane v19, v4;
	v11 =	vld [tilespmem:s23+$0x30]  }
0x221: {  	v18 =	vadd.f32 v33, v18;
	v24 =	vmul.f32 v22, v24;
	v12 =	vld [tilespmem:s29+$0x20];
	v15 =	vmul.f32 v14, v14  }
0x222: {  	s24 =	sadd.s32 $0x80, s24;
	v16 =	vadd.f32 v16, v21;
	v21 =	vmul.f32 v22, v28;
	v19 =	vadd.f32 v19, v27;
	v14 =	vld [tilespmem:s29+$0x0]  }
0x223: {  	v18 =	vadd.f32 v18, v23;
	v22 =	vsub.f32 v20, v24;
	v30 =	vld [tilespmem:s24+$0xFFFFFFC0]  }
.Ltmp1:
0x224: {  	v16 =	vsub.f32 v16, v32;
	v8 =	vsel vm0, v19, v8;
	v23 =	vld [tilespmem:s24+$0xFFFFFFD0];
	v27 =	vand.u32 $0xFFFF0000, v29;
	(pc) =	sbr.rel @p1 .LBB2_6-.Ltmp1, $4  }
0x225: {  	v21 =	vadd.f32 v21, v17;
	v25 =	vsub.f32 v22, v25;
	v20 =	vld [tilespmem:s23+$0x0];
	v24 =	vmul.f32 v27, v13  }
0x226: {  	v29 =	vshll.u32 v29, $0x10;
	v22 =	vmul.f32 v16, v16;
	v17 =	vmul.f32 v27, v34;
	v19 =	vld [tilespmem:s29+$0x10]  }
0x227: {  	s25 =	sadd.s32 $0x80, s25;
	v18 =	vadd.f32 v31, v18;
	v28 =	vsub.f32 v21, v26;
	v25 =	vmul.f32 v25, v25;
	v16 =	vld [tilespmem:s23+$0x10]  }
0x228: {  	s29 =	sadd.s32 $0x80, s29;
	v27 =	vand.u32 $0xFFFF0000, v30;
	v26 =	vshll.u32 v30, $0x10;
	v21 =	vld [tilespmem:s24+$0xFFFFFFE0];
	v30 =	vmul.f32 v29, v34  }
0x229: {  	v31 =	vand.u32 $0xFFFF0000, v23  }
0x22a: {  	v29 =	vmul.f32 v29, v13;
	v32 =	vld [tilespmem:s23+$0x20];
	v44 =	vshll.u32 v23, $0x10;
	v45 =	vmul.f32 v28, v28  }
0x22b: {  	v34 =	vld [tilespmem:s23+$0x2000];
	v15 =	vadd.f32 v22, v15;
	v52 =	vmul.f32 v27, v14;
	v53 =	vmul.f32 v26, v14  }
0x22c: {  	v51 =	vld [tilespmem:s24+$0xFFFFFFF0];
	v33 =	vmul.f32 v27, v20;
	v24 =	vsub.f32 v24, v30;
	v47 =	vmul.f32 v26, v20  }
0x22d: {  	v62 =	vld [tilespmem:s20+$0x30];
	v48 =	vmul.f32 v44, v19;
	v49 =	vmul.f32 v31, v19;
	v13 =	vadd.f32 v45, v25  }
0x22e: {  	v36 =	vld [tilespmem:s24+$0x0];
	v14 =	vadd.f32 v15, v18;
	v17 =	vadd.f32 v29, v17;
	v50 =	vmul.f32 v31, v16  }
0x22f: {  	v39 =	vld [tilespmem:s20+$0x40];
	v20 =	vsub.f32 v52, v47;
	v61 =	vmul.f32 v44, v16;
	v35 =	vadd.f32 v53, v33  }
0x230: {  	s26 =	sor.u32 $0x2010, s25;
	v41 =	vld [tilespmem:s23+$0x40];
	v7 =	vsub.f32 v24, v7;
	v55 =	vand.u32 $0xFFFF0000, v21;
	v58 =	vshll.u32 v21, $0x10  }
0x231: {  	v46 =	vld [tilespmem:s26+$0x8800];
	v10 =	vsub.f32 v17, v10;
	v56 =	vadd.f32 v48, v50;
	v60 =	vmul.f32 v58, v12  }
0x232: {  	s30 =	sor.u32 $0x2020, s25;
	v54 =	vld [tilespmem:s26+$0x800];
	v63 =	vmul.f32 v55, v12;
	v15 =	vmul.f32 v55, v32;
	v16 =	vsub.f32 v49, v61  }
0x233: {  	v57 =	vld [tilespmem:s30+$0x800];
	v38 =	vshll.u32 v51, $0x10;
	v17 =	vsub.f32 v35, v34;
	v40 =	vand.u32 $0xFFFF0000, v51  }
0x234: {  	v59 =	vld [tilespmem:s30+$0x8800];
	v21 =	vmul.f32 v58, v32;
	v9 =	vsub.f32 v20, v9;
	v42 =	vmul.f32 v40, v62  }
0x235: {  	s28 =	sor.u32 $0x2030, s25;
	v47 =	vld [tilespmem:s24+$0x10];
	v48 =	vand.u32 $0xFFFF0000, v36;
	v43 =	vmul.f32 v38, v11;
	v23 =	vmul.f32 v38, v62  }
0x236: {  	v37 =	vld [tilespmem:s28+$0x800];
	v26 =	vshll.u32 v36, $0x10;
	v50 =	vmul.f32 v48, v39;
	v52 =	vmul.f32 v48, v41  }
0x237: {  	v45 =	vld [tilespmem:s23+$0x50];
	v27 =	vmul.f32 v26, v41;
	v18 =	vsub.f32 v56, v46;
	v15 =	vadd.f32 v60, v15  }
0x238: {  	s29 =	sor.u32 $0x2040, s25;
	v49 =	vld [tilespmem:s20+$0x50];
	v16 =	vsub.f32 v16, v54;
	v17 =	vmul.f32 v17, v17;
	v46 =	vmul.f32 v40, v11  }
0x239: {  	v51 =	vld [tilespmem:s29+$0x800];
	v12 =	vsub.f32 v63, v21;
	v9 =	vmul.f32 v9, v9;
	v54 =	vmul.f32 v26, v39  }
0x23a: {  	v20 =	vsub.f32 v42, v43;
	v55 =	vsub.f32 v50, v27;
	v21 =	vshll.u32 v47, $0x10  }
0x23b: {  	v44 =	vld [tilespmem:s28+$0x8800];
	v18 =	vmul.f32 v18, v18;
	v15 =	vsub.f32 v15, v59;
	v9 =	vadd.f32 v17, v9  }
0x23c: {  	v53 =	vld [tilespmem:s29+$0x8800];
	v16 =	vmul.f32 v16, v16;
	v11 =	vadd.f32 v23, v46;
	v12 =	vsub.f32 v12, v57  }
0x23d: {  	v56 =	vld [tilespmem:s24+$0x20];
	v17 =	vadd.f32 v54, v52;
	v57 =	vand.u32 $0xFFFF0000, v47;
	v61 =	vmul.f32 v21, v45  }
0x23e: {  	s30 =	sor.u32 $0x2050, s25;
	v58 =	vld [tilespmem:s20+$0x60];
	v19 =	vsub.f32 v20, v37;
	v22 =	vsub.f32 v55, v51;
	v60 =	vmul.f32 v57, v49  }
0x23f: {  	v62 =	vld [tilespmem:s30+$0x800];
	v39 =	vmul.f32 v57, v45;
	v16 =	vadd.f32 v18, v16;
	v15 =	vmul.f32 v15, v15  }
0x240: {  	v59 =	vld [tilespmem:s23+$0x60];
	v11 =	vsub.f32 v11, v44;
	v12 =	vmul.f32 v12, v12;
	v18 =	vmul.f32 v21, v49  }
0x241: {  	v33 =	vld [tilespmem:s23+$0x70];
	v17 =	vsub.f32 v17, v53;
	v19 =	vmul.f32 v19, v19;
	v22 =	vmul.f32 v22, v22  }
0x242: {  	v37 =	vld [tilespmem:s24+$0x30];
	v34 =	vsub.f32 v60, v61;
	v35 =	vand.u32 $0xFFFF0000, v56;
	v20 =	vshll.u32 v56, $0x10  }
0x243: {  	v38 =	vld [tilespmem:s20+$0x70];
	v9 =	vadd.f32 v16, v9;
	v11 =	vmul.f32 v11, v11;
	v17 =	vmul.f32 v17, v17  }
0x244: {  	s28 =	sor.u32 $0x2060, s25;
	v63 =	vld [tilespmem:s30+$0x8800];
	v12 =	vadd.f32 v15, v12;
	v36 =	vmul.f32 v35, v58;
	v44 =	vmul.f32 v20, v58  }
0x245: {  	v40 =	vld [tilespmem:s28+$0x800];
	v15 =	vsub.f32 v34, v62;
	v41 =	vmul.f32 v20, v59;
	v17 =	vadd.f32 v17, v22  }
0x246: {  	v42 =	vld [tilespmem:s28+$0x8800];
	v43 =	vmul.f32 v35, v59;
	v9 =	vadd.f32 v12, v9;
	v11 =	vadd.f32 v11, v19  }
0x247: {  	s29 =	sor.u32 $0x2070, s25;
	v12 =	vadd.f32 v18, v39;
	v47 =	vand.u32 $0xFFFF0000, v37;
	v22 =	vshll.u32 v37, $0x10  }
0x248: {  	v48 =	vld [tilespmem:s29+$0x8800];
	v45 =	vsub.f32 v36, v41;
	v18 =	vadd.f32 v44, v43;
	v16 =	vmul.f32 v47, v33  }
0x249: {  	v46 =	vld [tilespmem:s29+$0x800];
	v50 =	vmul.f32 v22, v33;
	v22 =	vmul.f32 v22, v38;
	v9 =	vadd.f32 v11, v9  }
0x24a: {  	v49 =	vmul.f32 v47, v38;
	v12 =	vsub.f32 v12, v63;
	v11 =	vsub.f32 v45, v40  }
0x24b: {  	v15 =	vmul.f32 v15, v15;
	v51 =	vsub.f32 v18, v42;
	v16 =	vadd.f32 v22, v16  }
0x24c: {  	v52 =	vsub.f32 v49, v50;
	v12 =	vmul.f32 v12, v12;
	v9 =	vadd.f32 v17, v9  }
0x24d: {  	v11 =	vmul.f32 v11, v11;
	v17 =	vmul.f32 v51, v51;
	v53 =	vsub.f32 v16, v48  }
0x24e: {  	v54 =	vsub.f32 v52, v46;
	v12 =	vadd.f32 v12, v15  }
0x24f: {  	v7 =	vmul.f32 v7, v7;
	v10 =	vmul.f32 v10, v10;
	v11 =	vadd.f32 v17, v11  }
0x250: {  	v55 =	vmul.f32 v53, v53;
	v56 =	vmul.f32 v54, v54;
	v9 =	vadd.f32 v12, v9  }
0x251: {  	v13 =	vadd.f32 v13, v14;
	v7 =	vadd.f32 v10, v7  }
0x252: {  	v57 =	vadd.f32 v55, v56;
	v9 =	vadd.f32 v11, v9  }
0x253: {  	v7 =	vadd.f32 v7, v13  }
0x254: {  	v9 =	vadd.f32 v57, v9  }
0x255: {  	v58 =	vperm.xlane v7, v0  }
0x256: {  	v59 =	vperm.xlane v9, v0  }
0x257: {  	v7 =	vadd.f32 v7, v58  }
0x258: {  	v9 =	vadd.f32 v9, v59  }
0x259: {  	v10 =	vperm.xlane v7, v1  }
0x25a: {  	v11 =	vperm.xlane v9, v1  }
0x25b: {  	v7 =	vadd.f32 v7, v10  }
0x25c: {  	v9 =	vadd.f32 v9, v11  }
0x25d: {  	v10 =	vperm.xlane v7, v2  }
0x25e: {  	v11 =	vperm.xlane v9, v2  }
0x25f: {  	v7 =	vadd.f32 v7, v10  }
0x260: {  	v9 =	vadd.f32 v9, v11  }
0x261: {  	v10 =	vperm.xlane v7, v4  }
0x262: {  	v11 =	vperm.xlane v9, v4  }
0x263: {  	v60 =	vmov s7;
	v7 =	vadd.f32 v7, v10  }
0x264: {  	v61 =	vmov s22;
	vm0 =	veq.s32 v60, v5;
	v9 =	vadd.f32 v9, v11  }
0x265: {  	vm15 =	veq.s32 v61, v5;
	v7 =	vsel vm0, v7, v8  }
0x266: {  	v7 =	vsel vm15, v9, v7  }
0x267: {  	v7 =	vmax.f32 v7, $9.999999960e-13  }
0x268: {  	v8 =	vshrl.u32 v7, $0x1;
	v62 =	vmul.f32 $5.000000000e-01, v7  }
0x269: {  	v8 =	vsub.s32 $0x5F3759DF, v8  }
0x26a: {  	v63 =	vmul.f32 v8, v62;
	_ =	sdelay $0x1  }
0x26b: {  	v10 =	vmul.f32 v8, v63;
	_ =	sdelay $0x1  }
0x26c: {  	v10 =	vsub.f32 $1.500000000e+00, v10;
	_ =	sdelay $0x1  }
0x26d: {  	v8 =	vmul.f32 v8, v10;
	_ =	sdelay $0x1  }
0x26e: {  	v10 =	vmul.f32 v8, v62;
	_ =	sdelay $0x1  }
0x26f: {  	v10 =	vmul.f32 v10, v8;
	_ =	sdelay $0x1  }
0x270: {  	v10 =	vsub.f32 $1.500000000e+00, v10;
	_ =	sdelay $0x1  }
0x271: {  	v8 =	vmul.f32 v10, v8;
	_ =	sdelay $0x1  }
0x272: {  	v9 =	vmul.f32 v8, v62;
	_ =	sdelay $0x1  }
0x273: {  	v9 =	vmul.f32 v9, v8;
	_ =	sdelay $0x1  }
0x274: {  	v9 =	vsub.f32 $1.500000000e+00, v9;
	_ =	sdelay $0x1  }
0x275: {  	s30 =	sshll.u32 s19, $0x4;
	s19 =	sadd.s32 $0x1, s19;
	v8 =	vmul.f32 v9, v8  }
0x276: {  	p1 =	sne.s32 s19, $0x4  }
.Ltmp2:
0x277: {  	v7 =	vmul.f32 v8, v7;
	(pc) =	sbr.rel @p1 .LBB2_5-.Ltmp2, $4  }
0x278: {  	_ = 	snop  }
0x279: {  	v7 =	vsub.f32 $0.0e+00, v7  }
0x27a: {  	s16 =	sadd.s32 $0x800, s16;
	s7 =	sand.u32 $0x3FFFFFF0, s30  }
0x27b: {  	s17 =	sadd.s32 $0x800, s17;
	s14 =	sadd.s32 $0x800, s14;
	s18 =	sadd.s32 $0x800, s18;
	[tilespmem:v6+s7+$0x0 ss:$0x1] =	vst.idx.msk $0xffff, v7  }
0x27c: {  	p1 =	sgt.u32 s12, $0x5  }
0x27d: {  	s7 =	sshll.u32 @!p1 s12, $0x7  }
0x27e: {  	s14 =	sadd.s32 @!p1 $0x800, s15;
	s17 =	simm.s32 @!p1 $0x80;
	s16 =	sadd.s32 @!p1 $0x100, s7  }
0x27f: {  	[tilespmem:s14], [sflag:s13] =	stream.indirect.gather @!p1 [hbm4b:s1+s17], $0x80, s16, s17, $0xb8;
	[tilespmem:$0x18A00] =	vst v63  }
0x280: {  	s14 =	sadd.s32 @!p1 $0x8800, s15  }
0x281: {  	[tilespmem:s14], [sflag:s13] =	stream.indirect.gather @!p1 [hbm4b:s21+s17], $0x80, s16, s17, $0xb8;
	[tilespmem:$0x18A00] =	vst v63  }
0x282: {  	s12 =	sadd.s32 $0x1, s12;
	s7 =	sadd.s32 @!p1 $0x500, s7;
	s14 =	simm.s32 @!p1 $0x40  }
0x283: {  	[tilespmem:s5], [sflag:s13] =	stream.indirect.gather @!p1 [hbm4b:s31+s14], $0x80, s7, s14, $0xb8;
	[tilespmem:$0x18A00] =	vst v63  }
0x284: {  	p1 =	sne.s32 s12, $0x8  }
.Ltmp3:
0x285: {  	_ = 	snop;
	(pc) =	sbr.rel @p1 .LBB2_4-.Ltmp3, $2  }
0x286: {  	_ =	sdelay $0x2  }
0x287: {  	p0 =	por !p0, !p0  }
0x288: {  	s5 =	sld [smem:$0x7FC];
	s11 =	sadd.s32 $0x1, s11  }
0x289: {  	p0 =	sne.s32 s11, s3  }
.Ltmp4:
0x28a: {  	s7 =	simm.s32 $0x14800;
	(pc) =	sbr.rel @p0 .LBB2_1-.Ltmp4, $4  }
0x28b: {  	[hbm4b:s5+s2] =	stream.linear.scatter [tilespmem:s7], [sflag:$0x5], $0x200, $0x38;
	[tilespmem:$0x18A00] =	vst v63  }
0x28c: {  	_ =	swait.ge [sflag:s10], $0x200  }
0x28d: {  	[sflag:s10] =	ssyncset.done $0x0  }
0x28e: {  	s13 =	simm.s32 $0x400;
	s14 =	simm.s32 $0x480;
	[sflag:s10] =	ssyncadd.s32 $0xFFFFFE00  }
0x28f: {  	_ =	sfence.sel $0x180000  }
0x290: {  	[bflag:$0x0] =	sbarrier.arrive $0xFFFF  }
0x291: {  	_ =	strace $0x90000047  }
0x292: {  	s0 =	stileid.u32;
	[bflag:$0x2] =	sbarrier.arrive $0xFFFF  }
0x293: {  	p0 =	sne.s32 s0, $0x0;
	s0 =	rddreg [dreg:$0x8]  }
0x294: {  	s0 =	sadd.s32 @!p0 $0x100000, s0  }
0x295: {  	[sflag:s0] =	ssyncadd.tile.s32 @!p0 $0x1;
	_ =	shalt  }
.Lfunc_end2:
_tile_overlayer_lowered:
.L_overlay_start_2:
0x296: {  	(tag) =	ssettag $0x2  }
0x297: {  	s0 =	rddreg [dreg:$0x0];
	s2 =	stileid.u32  }
0x298: {  	s1 =	rddreg [dreg:$0x1];
	p0 =	sne.s32 s2, $0x0  }
0x299: {  	s3 =	rddreg [dreg:$0x2];
	[bflag:$0x3] =	sbarrier.arrive $0xFFFF;
	s2 =	simm.s32 @!p0 $0x1C05  }
0x29a: {  	[timem:s3], [sflag:s2] =	dma.local @!p0 [hbm:s0], s1  }
0x29b: {  	s0 =	simm.s32 @!p0 $0x5  }
0x29c: {  	_ =	swait.ge @!p0 [sflag:s0], s1  }
0x29d: {  	s1 =	ssub.s32 @!p0 $0x0, s1;
	[sflag:s0] =	ssyncset.done @!p0 $0x0  }
0x29e: {  	[sflag:s0] =	ssyncadd.s32 @!p0 s1  }
0x29f: {  	[bflag:$0x3] =	sbarrier.arrive $0xFFFF  }
0x2a0: {  	_ =	shalt  }

</sc_bundles>
